<compile_context>
chip_gen: v7x
topology: tpu7x:2x2x1
jax: 0.10.2.dev20260603
libtpu: 0.0.44.dev20260713+nightly
codegen_flags: <defaults>
</compile_context>

<pallas_src>
import functools

import jax
import jax.numpy as jnp
from jax import lax
from jax.experimental import pallas as pl
from jax.experimental.pallas import tpu as pltpu
from jax.experimental.pallas import tpu_sc as plsc

N_NODES = 10000
N_EDGES = 320000
D_FEAT = 128
D_EDGE = 16

NC = 2
NS = 16
LANES = 16
NW = NC * NS
E_PER_W = N_EDGES // NW
CHUNK = 40
N_CHUNKS = E_PER_W // CHUNK
STRIPE = 640
ZCHUNK = 40
NZ = STRIPE // ZCHUNK



def _mm_body(x_ref, w_ref, o_ref):
    o_ref[...] = jnp.dot(x_ref[...], w_ref[...], preferred_element_type=jnp.float32)


def _mm_bias_body(x_ref, w_ref, b_ref, o_ref):
    acc = jnp.dot(x_ref[...], w_ref[...], preferred_element_type=jnp.float32)
    o_ref[...] = acc + b_ref[...]


def _update_body(h_ref, z0_ref, z1_ref, w1_ref, w2_ref, b_ref, o_ref):
    z = z0_ref[...] + z1_ref[...]
    acc = jnp.dot(h_ref[...], w1_ref[...], preferred_element_type=jnp.float32)
    acc = acc + jnp.dot(z, w2_ref[...], preferred_element_type=jnp.float32)
    o_ref[...] = jnp.maximum(acc + b_ref[...], 0.0)


def _node_matmul(x, w, block_m):
    m, k = x.shape
    n = w.shape[1]
    return pl.pallas_call(
        _mm_body,
        grid=(m // block_m,),
        in_specs=[
            pl.BlockSpec((block_m, k), lambda i: (i, 0)),
            pl.BlockSpec((k, n), lambda i: (0, 0)),
        ],
        out_specs=pl.BlockSpec((block_m, n), lambda i: (i, 0)),
        out_shape=jax.ShapeDtypeStruct((m, n), jnp.float32),
    )(x, w)


def _edge_matmul(x, w, b, block_m):
    m, k = x.shape
    n = w.shape[1]
    return pl.pallas_call(
        _mm_bias_body,
        grid=(m // block_m,),
        in_specs=[
            pl.BlockSpec((block_m, k), lambda i: (i, 0)),
            pl.BlockSpec((k, n), lambda i: (0, 0)),
            pl.BlockSpec((1, n), lambda i: (0, 0)),
        ],
        out_specs=pl.BlockSpec((block_m, n), lambda i: (i, 0)),
        out_shape=jax.ShapeDtypeStruct((m, n), jnp.float32),
    )(x, w, b)


def _node_update(h, z0, z1, w1, w2, b, block_m):
    m, k = h.shape
    n = w1.shape[1]
    return pl.pallas_call(
        _update_body,
        grid=(m // block_m,),
        in_specs=[
            pl.BlockSpec((block_m, k), lambda i: (i, 0)),
            pl.BlockSpec((block_m, k), lambda i: (i, 0)),
            pl.BlockSpec((block_m, k), lambda i: (i, 0)),
            pl.BlockSpec((k, n), lambda i: (0, 0)),
            pl.BlockSpec((k, n), lambda i: (0, 0)),
            pl.BlockSpec((1, n), lambda i: (0, 0)),
        ],
        out_specs=pl.BlockSpec((block_m, n), lambda i: (i, 0)),
        out_shape=jax.ShapeDtypeStruct((m, n), jnp.float32),
    )(h, z0, z1, w1, w2, b)



_MESH = plsc.VectorSubcoreMesh(core_axis_name="c", subcore_axis_name="s")


@functools.partial(
    pl.kernel,
    out_type=(
        jax.ShapeDtypeStruct((N_NODES, D_FEAT), jnp.float32),
        jax.ShapeDtypeStruct((N_NODES, D_FEAT), jnp.float32),
    ),
    mesh=_MESH,
    scratch_types=[
        pltpu.VMEM((E_PER_W,), jnp.int32),
        pltpu.VMEM((E_PER_W,), jnp.int32),
        pltpu.VMEM((CHUNK, D_FEAT), jnp.float32),
        pltpu.VMEM((CHUNK, D_FEAT), jnp.float32),
        pltpu.VMEM((CHUNK, D_FEAT), jnp.float32),
        pltpu.VMEM((CHUNK, D_FEAT), jnp.float32),
        pltpu.VMEM((CHUNK, D_FEAT), jnp.float32),
        pltpu.VMEM((CHUNK, D_FEAT), jnp.float32),
        pltpu.VMEM_SHARED((N_NODES, D_FEAT), jnp.float32),
        pltpu.SemaphoreType.DMA,
        pltpu.SemaphoreType.DMA,
        pltpu.SemaphoreType.DMA,
        pltpu.SemaphoreType.DMA,
        pltpu.SemaphoreType.DMA,
        pltpu.SemaphoreType.DMA,
    ],
)
def _edge_phase(hw_hbm, xew_hbm, src_hbm, dst_hbm, out0_hbm, out1_hbm,
                sidx_all, didx_all, rows0, rows1, xb0, xb1, y0, y1,
                z_sh, sg0, sg1, sx0, sx1, ss0, ss1):
    rows = (rows0, rows1)
    xb = (xb0, xb1)
    y = (y0, y1)
    sg = (sg0, sg1)
    sx = (sx0, sx1)
    ss = (ss0, ss1)

    cid = lax.axis_index("c")
    sid = lax.axis_index("s")
    wid = cid * NS + sid
    ebase = wid * E_PER_W

    pltpu.async_copy(src_hbm.at[pl.ds(ebase, E_PER_W)], sidx_all, sg0)
    pltpu.async_copy(dst_hbm.at[pl.ds(ebase, E_PER_W)], didx_all, sg1)

    zeros = jnp.zeros((LANES,), jnp.float32)

    def zero_row(i, carry):
        for j in range(D_FEAT // LANES):
            y0[i, pl.ds(j * LANES, LANES)] = zeros
        return carry

    lax.fori_loop(0, ZCHUNK, zero_row, 0)
    row0 = sid * STRIPE
    for k in range(NZ):
        r0 = row0 + k * ZCHUNK

        @pl.when(r0 + ZCHUNK <= N_NODES)
        def _():
            pltpu.async_copy(y0, z_sh.at[pl.ds(r0, ZCHUNK)], ss0)

    for k in range(NZ):
        r0 = row0 + k * ZCHUNK

        @pl.when(r0 + ZCHUNK <= N_NODES)
        def _():
            pltpu.make_async_copy(y0, z_sh.at[pl.ds(r0, ZCHUNK)], ss0).wait()

    pltpu.make_async_copy(src_hbm.at[pl.ds(ebase, E_PER_W)], sidx_all, sg0).wait()
    pltpu.make_async_copy(dst_hbm.at[pl.ds(ebase, E_PER_W)], didx_all, sg1).wait()
    plsc.subcore_barrier()

    def issue(b, c):
        eoff = ebase + c * CHUNK
        pltpu.async_copy(xew_hbm.at[pl.ds(eoff, CHUNK)], xb[b], sx[b])
        pltpu.async_copy(
            hw_hbm.at[sidx_all.at[pl.ds(c * CHUNK, CHUNK)]], rows[b], sg[b])

    def wait_inputs(b, c):
        pltpu.make_async_copy(xew_hbm.at[pl.ds(ebase, CHUNK)], xb[b], sx[b]).wait()
        pltpu.make_async_copy(
            hw_hbm.at[sidx_all.at[pl.ds(c * CHUNK, CHUNK)]], rows[b], sg[b]).wait()

    def scatter_ref(c):
        return z_sh.at[didx_all.at[pl.ds(c * CHUNK, CHUNK)]]

    def compute(b):
        def row_body(r, carry):
            for j in range(D_FEAT // LANES):
                sl = pl.ds(j * LANES, LANES)
                y[b][r, sl] = jnp.maximum(rows[b][r, sl] + xb[b][r, sl], 0.0)
            return carry

        lax.fori_loop(0, CHUNK, row_body, 0)

    issue(0, 0)
    issue(1, 1)

    def pair_body(o, carry):
        for b in range(2):
            c = 2 * o + b
            wait_inputs(b, c)

            @pl.when(o > 0)
            def _():
                pltpu.make_async_copy(y[b], scatter_ref(c - 2), ss[b]).wait()

            compute(b)
            pltpu.async_copy(y[b], scatter_ref(c), ss[b], add=True)

            @pl.when(c + 2 < N_CHUNKS)
            def _():
                issue(b, c + 2)

        return carry

    lax.fori_loop(0, N_CHUNKS // 2, pair_body, 0)

    pltpu.make_async_copy(y[0], scatter_ref(N_CHUNKS - 2), ss[0]).wait()
    pltpu.make_async_copy(y[1], scatter_ref(N_CHUNKS - 1), ss[1]).wait()
    plsc.subcore_barrier()

    for k in range(NZ):
        r0 = row0 + k * ZCHUNK

        @pl.when(r0 + ZCHUNK <= N_NODES)
        def _():
            pltpu.sync_copy(z_sh.at[pl.ds(r0, ZCHUNK)], y0)

            @pl.when(cid == 0)
            def _():
                pltpu.sync_copy(y0, out0_hbm.at[pl.ds(r0, ZCHUNK)])

            @pl.when(cid == 1)
            def _():
                pltpu.sync_copy(y0, out1_hbm.at[pl.ds(r0, ZCHUNK)])



@jax.jit
def kernel(H, Xe, id_Xe, W_M, b_M, W_U, b_U):
    src = id_Xe[0].astype(jnp.int32)
    dst = id_Xe[1].astype(jnp.int32)
    hw = _node_matmul(H, W_M[:D_FEAT], block_m=2000)
    xewb = _edge_matmul(Xe, W_M[D_FEAT:], b_M.reshape(1, -1), block_m=4000)
    z0, z1 = _edge_phase(hw, xewb, src, dst)
    return _node_update(H, z0, z1, W_U[:D_FEAT], W_U[D_FEAT:],
                        b_U.reshape(1, -1), block_m=2000)

# --- scband reference (transcript-rebuilt; emitter-appended) ---
"""Pipeline reference for scband-sparse-gnnlayer-16630113370839 (READ-ONLY COPY).

The authoritative reference and input builder live on the scoring server;
editing this copy changes nothing except your own understanding.
"""

import jax, jax.numpy as jnp
import numpy as np

N_NODES = 10000
N_EDGES = 320000
D_FEAT = 128
D_EDGE = 16
M_DIM_IN = D_FEAT + D_EDGE  # 144
M_DIM_OUT = 128
U_DIM_IN = D_FEAT + M_DIM_OUT  # 256
U_DIM_OUT = 128


def setup_inputs(seed: int = 0) -> dict:
    key = jax.random.key(seed)
    k_h, k_xe, k_idx, k_wm, k_bm, k_wu, k_bu = jax.random.split(key, 7)
    H = jax.random.normal(k_h, (N_NODES, D_FEAT), dtype=jnp.float32)
    Xe = jax.random.normal(k_xe, (N_EDGES, D_EDGE), dtype=jnp.float32)
    id_Xe = jax.random.randint(k_idx, (2, N_EDGES), 0, N_NODES, dtype=jnp.int64 if jax.config.jax_enable_x64 else jnp.int32)
    # Linear params (PyTorch default init: U(-1/sqrt(fan_in), 1/sqrt(fan_in)))
    lim_m = 1.0 / np.sqrt(M_DIM_IN)
    W_M = jax.random.uniform(k_wm, (M_DIM_IN, M_DIM_OUT), minval=-lim_m, maxval=lim_m, dtype=jnp.float32)
    b_M = jax.random.uniform(k_bm, (M_DIM_OUT,), minval=-lim_m, maxval=lim_m, dtype=jnp.float32)
    lim_u = 1.0 / np.sqrt(U_DIM_IN)
    W_U = jax.random.uniform(k_wu, (U_DIM_IN, U_DIM_OUT), minval=-lim_u, maxval=lim_u, dtype=jnp.float32)
    b_U = jax.random.uniform(k_bu, (U_DIM_OUT,), minval=-lim_u, maxval=lim_u, dtype=jnp.float32)
    return {"H": H, "Xe": Xe, "id_Xe": id_Xe, "W_M": W_M, "b_M": b_M, "W_U": W_U, "b_U": b_U}


def reference(H, Xe, id_Xe, W_M, b_M, W_U, b_U):
    # features = index_select(H, 0, id_Xe[0])  -> gather
    features = jnp.take(H, id_Xe[0], axis=0)
    M_con_cat = jnp.concatenate([features, Xe], axis=1)
    # M = Linear + ReLU
    Y = jax.nn.relu(M_con_cat @ W_M + b_M)
    # SUM aggregation: scatter_add over destination nodes -> segment_sum
    Z = jax.ops.segment_sum(Y, id_Xe[1], num_segments=H.shape[0])
    U_con_cat = jnp.concatenate([H, Z], axis=1)
    # U = Linear + ReLU
    H_next = jax.nn.relu(U_con_cat @ W_U + b_U)
    return H_next

if __name__ == "__main__":
    import jax
    _d = setup_inputs()
    print(jax.jit(kernel)(*tuple(_d.values())))

</pallas_src>

<mosaic_0001>
#map = affine_map<(d0, d1) -> (0, 0)>
#map1 = affine_map<(d0, d1) -> (0)>
module attributes {stable_mosaic.version = 14 : i64} {
  func.func @_edge_phase(%arg0: i32, %arg1: i32, %arg2: memref<10000x128xf32, #tpu.memory_space<hbm>>, %arg3: memref<320000x128xf32, #tpu.memory_space<hbm>>, %arg4: memref<320000xi32, #tpu.memory_space<hbm>>, %arg5: memref<320000xi32, #tpu.memory_space<hbm>>, %arg6: memref<10000x128xf32, #tpu.memory_space<hbm>>, %arg7: memref<10000x128xf32, #tpu.memory_space<hbm>>, %arg8: memref<10000xi32, #tpu.memory_space<vmem>>, %arg9: memref<10000xi32, #tpu.memory_space<vmem>>, %arg10: memref<40x128xf32, #tpu.memory_space<vmem>>, %arg11: memref<40x128xf32, #tpu.memory_space<vmem>>, %arg12: memref<40x128xf32, #tpu.memory_space<vmem>>, %arg13: memref<40x128xf32, #tpu.memory_space<vmem>>, %arg14: memref<40x128xf32, #tpu.memory_space<vmem>>, %arg15: memref<40x128xf32, #tpu.memory_space<vmem>>, %arg16: memref<10000x128xf32, #tpu.memory_space<vmem_shared>>, %arg17: memref<!tpu.dma_semaphore, #tpu.memory_space<semaphore_mem>>, %arg18: memref<!tpu.dma_semaphore, #tpu.memory_space<semaphore_mem>>, %arg19: memref<!tpu.dma_semaphore, #tpu.memory_space<semaphore_mem>>, %arg20: memref<!tpu.dma_semaphore, #tpu.memory_space<semaphore_mem>>, %arg21: memref<!tpu.dma_semaphore, #tpu.memory_space<semaphore_mem>>, %arg22: memref<!tpu.dma_semaphore, #tpu.memory_space<semaphore_mem>>) attributes {dimension_semantics = [#tpu.dimension_semantics<core_parallel>, #tpu.dimension_semantics<subcore_parallel>], iteration_bounds = array<i64: 2, 16>, scalar_prefetch = 0 : i64, scratch_operands = 15 : i64, tpu.core_type = #tpu.core_type<sc_vector_subcore>, window_params = [{transform_indices = #map}, {transform_indices = #map}, {transform_indices = #map1}, {transform_indices = #map1}, {transform_indices = #map}, {transform_indices = #map}]} {
    %mul3A = arith.constant 16 : i32
    %mul3A_0 = arith.muli %arg0, %mul3A : i32
    %add3A = arith.addi %mul3A_0, %arg1 : i32
    %mul3A_1 = arith.constant 10000 : i32
    %mul3A_2 = arith.muli %add3A, %mul3A_1 : i32
    %dma_start3A = tpu.memref_slice %arg4[%mul3A_2] : memref<320000xi32, #tpu.memory_space<hbm>> -> memref<10000xi32, #tpu.memory_space<hbm>>
    %dma_start3A_3 = tpu.memref_slice %arg4[%mul3A_2] : memref<320000xi32, #tpu.memory_space<hbm>> -> memref<10000xi32, #tpu.memory_space<hbm>>
    tpu.enqueue_dma source(%dma_start3A_3 : memref<10000xi32, #tpu.memory_space<hbm>>) target(%arg8 : memref<10000xi32, #tpu.memory_space<vmem>>) target_semaphore(%arg17 : memref<!tpu.dma_semaphore, #tpu.memory_space<semaphore_mem>>)
    %dma_start3A_4 = tpu.memref_slice %arg5[%mul3A_2] : memref<320000xi32, #tpu.memory_space<hbm>> -> memref<10000xi32, #tpu.memory_space<hbm>>
    %dma_start3A_5 = tpu.memref_slice %arg5[%mul3A_2] : memref<320000xi32, #tpu.memory_space<hbm>> -> memref<10000xi32, #tpu.memory_space<hbm>>
    tpu.enqueue_dma source(%dma_start3A_5 : memref<10000xi32, #tpu.memory_space<hbm>>) target(%arg9 : memref<10000xi32, #tpu.memory_space<vmem>>) target_semaphore(%arg18 : memref<!tpu.dma_semaphore, #tpu.memory_space<semaphore_mem>>)
    %broadcast_in_dim3A = arith.constant 0.000000e+00 : f32
    %broadcast_in_dim3A_6 = vector.broadcast %broadcast_in_dim3A : f32 to vector<16xf32>
    %scan3A = arith.constant 0 : i32
    %scan3A_7 = arith.constant 0 : i32
    %scan3A_8 = arith.constant 40 : i32
    %scan3A_9 = arith.addi %scan3A_7, %scan3A_8 : i32
    %scan3A_10 = arith.constant 1 : i32
    scf.for %scan3A_485 = %scan3A_7 to %scan3A_9 step %scan3A_10  : i32 {
      %swap3A = arith.index_cast %scan3A_485 : i32 to index
      %swap3A_486 = arith.constant 0 : index
      %swap3A_487 = tpu.vector_load %arg14[%swap3A, %swap3A_486] {strides = array<i32>} : memref<40x128xf32, #tpu.memory_space<vmem>>, vector<1x16xf32>,
      %swap3A_488 = vector.shape_cast %swap3A_487 : vector<1x16xf32> to vector<16xf32>
      %swap3A_489 = vector.shape_cast %broadcast_in_dim3A_6 : vector<16xf32> to vector<1x16xf32>
      tpu.vector_store %arg14[%swap3A, %swap3A_486], %swap3A_489 {strides = array<i32>} : memref<40x128xf32, #tpu.memory_space<vmem>>, vector<1x16xf32>,
      %swap3A_490 = arith.index_cast %scan3A_485 : i32 to index
      %swap3A_491 = arith.constant 16 : index
      %swap3A_492 = tpu.vector_load %arg14[%swap3A_490, %swap3A_491] {strides = array<i32>} : memref<40x128xf32, #tpu.memory_space<vmem>>, vector<1x16xf32>,
      %swap3A_493 = vector.shape_cast %swap3A_492 : vector<1x16xf32> to vector<16xf32>
      %swap3A_494 = vector.shape_cast %broadcast_in_dim3A_6 : vector<16xf32> to vector<1x16xf32>
      tpu.vector_store %arg14[%swap3A_490, %swap3A_491], %swap3A_494 {strides = array<i32>} : memref<40x128xf32, #tpu.memory_space<vmem>>, vector<1x16xf32>,
      %swap3A_495 = arith.index_cast %scan3A_485 : i32 to index
      %swap3A_496 = arith.constant 32 : index
      %swap3A_497 = tpu.vector_load %arg14[%swap3A_495, %swap3A_496] {strides = array<i32>} : memref<40x128xf32, #tpu.memory_space<vmem>>, vector<1x16xf32>,
      %swap3A_498 = vector.shape_cast %swap3A_497 : vector<1x16xf32> to vector<16xf32>
      %swap3A_499 = vector.shape_cast %broadcast_in_dim3A_6 : vector<16xf32> to vector<1x16xf32>
      tpu.vector_store %arg14[%swap3A_495, %swap3A_496], %swap3A_499 {strides = array<i32>} : memref<40x128xf32, #tpu.memory_space<vmem>>, vector<1x16xf32>,
      %swap3A_500 = arith.index_cast %scan3A_485 : i32 to index
      %swap3A_501 = arith.constant 48 : index
      %swap3A_502 = tpu.vector_load %arg14[%swap3A_500, %swap3A_501] {strides = array<i32>} : memref<40x128xf32, #tpu.memory_space<vmem>>, vector<1x16xf32>,
      %swap3A_503 = vector.shape_cast %swap3A_502 : vector<1x16xf32> to vector<16xf32>
      %swap3A_504 = vector.shape_cast %broadcast_in_dim3A_6 : vector<16xf32> to vector<1x16xf32>
      tpu.vector_store %arg14[%swap3A_500, %swap3A_501], %swap3A_504 {strides = array<i32>} : memref<40x128xf32, #tpu.memory_space<vmem>>, vector<1x16xf32>,
      %swap3A_505 = arith.index_cast %scan3A_485 : i32 to index
      %swap3A_506 = arith.constant 64 : index
      %swap3A_507 = tpu.vector_load %arg14[%swap3A_505, %swap3A_506] {strides = array<i32>} : memref<40x128xf32, #tpu.memory_space<vmem>>, vector<1x16xf32>,
      %swap3A_508 = vector.shape_cast %swap3A_507 : vector<1x16xf32> to vector<16xf32>
      %swap3A_509 = vector.shape_cast %broadcast_in_dim3A_6 : vector<16xf32> to vector<1x16xf32>
      tpu.vector_store %arg14[%swap3A_505, %swap3A_506], %swap3A_509 {strides = array<i32>} : memref<40x128xf32, #tpu.memory_space<vmem>>, vector<1x16xf32>,
      %swap3A_510 = arith.index_cast %scan3A_485 : i32 to index
      %swap3A_511 = arith.constant 80 : index
      %swap3A_512 = tpu.vector_load %arg14[%swap3A_510, %swap3A_511] {strides = array<i32>} : memref<40x128xf32, #tpu.memory_space<vmem>>, vector<1x16xf32>,
      %swap3A_513 = vector.shape_cast %swap3A_512 : vector<1x16xf32> to vector<16xf32>
      %swap3A_514 = vector.shape_cast %broadcast_in_dim3A_6 : vector<16xf32> to vector<1x16xf32>
      tpu.vector_store %arg14[%swap3A_510, %swap3A_511], %swap3A_514 {strides = array<i32>} : memref<40x128xf32, #tpu.memory_space<vmem>>, vector<1x16xf32>,
      %swap3A_515 = arith.index_cast %scan3A_485 : i32 to index
      %swap3A_516 = arith.constant 96 : index
      %swap3A_517 = tpu.vector_load %arg14[%swap3A_515, %swap3A_516] {strides = array<i32>} : memref<40x128xf32, #tpu.memory_space<vmem>>, vector<1x16xf32>,
      %swap3A_518 = vector.shape_cast %swap3A_517 : vector<1x16xf32> to vector<16xf32>
      %swap3A_519 = vector.shape_cast %broadcast_in_dim3A_6 : vector<16xf32> to vector<1x16xf32>
      tpu.vector_store %arg14[%swap3A_515, %swap3A_516], %swap3A_519 {strides = array<i32>} : memref<40x128xf32, #tpu.memory_space<vmem>>, vector<1x16xf32>,
      %swap3A_520 = arith.index_cast %scan3A_485 : i32 to index
      %swap3A_521 = arith.constant 112 : index
      %swap3A_522 = tpu.vector_load %arg14[%swap3A_520, %swap3A_521] {strides = array<i32>} : memref<40x128xf32, #tpu.memory_space<vmem>>, vector<1x16xf32>,
      %swap3A_523 = vector.shape_cast %swap3A_522 : vector<1x16xf32> to vector<16xf32>
      %swap3A_524 = vector.shape_cast %broadcast_in_dim3A_6 : vector<16xf32> to vector<1x16xf32>
      tpu.vector_store %arg14[%swap3A_520, %swap3A_521], %swap3A_524 {strides = array<i32>} : memref<40x128xf32, #tpu.memory_space<vmem>>, vector<1x16xf32>,
    }
    %scan3A_11 = arith.constant 40 : i32
    %mul3A_12 = arith.constant 640 : i32
    %mul3A_13 = arith.muli %arg1, %mul3A_12 : i32
    %add3A_14 = arith.constant 0 : i32
    %add3A_15 = arith.addi %mul3A_13, %add3A_14 : i32
    %add3A_16 = arith.constant 40 : i32
    %add3A_17 = arith.addi %add3A_15, %add3A_16 : i32
    %le3A = arith.constant 10000 : i32
    %le3A_18 = arith.cmpi sle, %add3A_17, %le3A : i32
    %convert_element_type3A = arith.extui %le3A_18 : i1 to i32
    %cond3A = arith.constant 0 : i32
    %cond3A_19 = arith.cmpi ne, %convert_element_type3A, %cond3A : i32
    scf.if %cond3A_19 {
      %dma_start3A_485 = arith.constant 0 : i32
      %dma_start3A_486 = tpu.memref_slice %arg16[%add3A_15, %dma_start3A_485] : memref<10000x128xf32, #tpu.memory_space<vmem_shared>> -> memref<40x128xf32, #tpu.memory_space<vmem_shared>>
      %dma_start3A_487 = arith.constant 0 : i32
      %dma_start3A_488 = tpu.memref_slice %arg16[%add3A_15, %dma_start3A_487] : memref<10000x128xf32, #tpu.memory_space<vmem_shared>> -> memref<40x128xf32, #tpu.memory_space<vmem_shared>>
      tpu.enqueue_dma source(%arg14 : memref<40x128xf32, #tpu.memory_space<vmem>>) target(%dma_start3A_488 : memref<40x128xf32, #tpu.memory_space<vmem_shared>>) target_semaphore(%arg21 : memref<!tpu.dma_semaphore, #tpu.memory_space<semaphore_mem>>)
    } else {
    }
    %add3A_20 = arith.constant 40 : i32
    %add3A_21 = arith.addi %mul3A_13, %add3A_20 : i32
    %add3A_22 = arith.constant 40 : i32
    %add3A_23 = arith.addi %add3A_21, %add3A_22 : i32
    %le3A_24 = arith.constant 10000 : i32
    %le3A_25 = arith.cmpi sle, %add3A_23, %le3A_24 : i32
    %convert_element_type3A_26 = arith.extui %le3A_25 : i1 to i32
    %cond3A_27 = arith.constant 0 : i32
    %cond3A_28 = arith.cmpi ne, %convert_element_type3A_26, %cond3A_27 : i32
    scf.if %cond3A_28 {
      %dma_start3A_485 = arith.constant 0 : i32
      %dma_start3A_486 = tpu.memref_slice %arg16[%add3A_21, %dma_start3A_485] : memref<10000x128xf32, #tpu.memory_space<vmem_shared>> -> memref<40x128xf32, #tpu.memory_space<vmem_shared>>
      %dma_start3A_487 = arith.constant 0 : i32
      %dma_start3A_488 = tpu.memref_slice %arg16[%add3A_21, %dma_start3A_487] : memref<10000x128xf32, #tpu.memory_space<vmem_shared>> -> memref<40x128xf32, #tpu.memory_space<vmem_shared>>
      tpu.enqueue_dma source(%arg14 : memref<40x128xf32, #tpu.memory_space<vmem>>) target(%dma_start3A_488 : memref<40x128xf32, #tpu.memory_space<vmem_shared>>) target_semaphore(%arg21 : memref<!tpu.dma_semaphore, #tpu.memory_space<semaphore_mem>>)
    } else {
    }
    %add3A_29 = arith.constant 80 : i32
    %add3A_30 = arith.addi %mul3A_13, %add3A_29 : i32
    %add3A_31 = arith.constant 40 : i32
    %add3A_32 = arith.addi %add3A_30, %add3A_31 : i32
    %le3A_33 = arith.constant 10000 : i32
    %le3A_34 = arith.cmpi sle, %add3A_32, %le3A_33 : i32
    %convert_element_type3A_35 = arith.extui %le3A_34 : i1 to i32
    %cond3A_36 = arith.constant 0 : i32
    %cond3A_37 = arith.cmpi ne, %convert_element_type3A_35, %cond3A_36 : i32
    scf.if %cond3A_37 {
      %dma_start3A_485 = arith.constant 0 : i32
      %dma_start3A_486 = tpu.memref_slice %arg16[%add3A_30, %dma_start3A_485] : memref<10000x128xf32, #tpu.memory_space<vmem_shared>> -> memref<40x128xf32, #tpu.memory_space<vmem_shared>>
      %dma_start3A_487 = arith.constant 0 : i32
      %dma_start3A_488 = tpu.memref_slice %arg16[%add3A_30, %dma_start3A_487] : memref<10000x128xf32, #tpu.memory_space<vmem_shared>> -> memref<40x128xf32, #tpu.memory_space<vmem_shared>>
      tpu.enqueue_dma source(%arg14 : memref<40x128xf32, #tpu.memory_space<vmem>>) target(%dma_start3A_488 : memref<40x128xf32, #tpu.memory_space<vmem_shared>>) target_semaphore(%arg21 : memref<!tpu.dma_semaphore, #tpu.memory_space<semaphore_mem>>)
    } else {
    }
    %add3A_38 = arith.constant 120 : i32
    %add3A_39 = arith.addi %mul3A_13, %add3A_38 : i32
    %add3A_40 = arith.constant 40 : i32
    %add3A_41 = arith.addi %add3A_39, %add3A_40 : i32
    %le3A_42 = arith.constant 10000 : i32
    %le3A_43 = arith.cmpi sle, %add3A_41, %le3A_42 : i32
    %convert_element_type3A_44 = arith.extui %le3A_43 : i1 to i32
    %cond3A_45 = arith.constant 0 : i32
    %cond3A_46 = arith.cmpi ne, %convert_element_type3A_44, %cond3A_45 : i32
    scf.if %cond3A_46 {
      %dma_start3A_485 = arith.constant 0 : i32
      %dma_start3A_486 = tpu.memref_slice %arg16[%add3A_39, %dma_start3A_485] : memref<10000x128xf32, #tpu.memory_space<vmem_shared>> -> memref<40x128xf32, #tpu.memory_space<vmem_shared>>
      %dma_start3A_487 = arith.constant 0 : i32
      %dma_start3A_488 = tpu.memref_slice %arg16[%add3A_39, %dma_start3A_487] : memref<10000x128xf32, #tpu.memory_space<vmem_shared>> -> memref<40x128xf32, #tpu.memory_space<vmem_shared>>
      tpu.enqueue_dma source(%arg14 : memref<40x128xf32, #tpu.memory_space<vmem>>) target(%dma_start3A_488 : memref<40x128xf32, #tpu.memory_space<vmem_shared>>) target_semaphore(%arg21 : memref<!tpu.dma_semaphore, #tpu.memory_space<semaphore_mem>>)
    } else {
    }
    %add3A_47 = arith.constant 160 : i32
    %add3A_48 = arith.addi %mul3A_13, %add3A_47 : i32
    %add3A_49 = arith.constant 40 : i32
    %add3A_50 = arith.addi %add3A_48, %add3A_49 : i32
    %le3A_51 = arith.constant 10000 : i32
    %le3A_52 = arith.cmpi sle, %add3A_50, %le3A_51 : i32
    %convert_element_type3A_53 = arith.extui %le3A_52 : i1 to i32
    %cond3A_54 = arith.constant 0 : i32
    %cond3A_55 = arith.cmpi ne, %convert_element_type3A_53, %cond3A_54 : i32
    scf.if %cond3A_55 {
      %dma_start3A_485 = arith.constant 0 : i32
      %dma_start3A_486 = tpu.memref_slice %arg16[%add3A_48, %dma_start3A_485] : memref<10000x128xf32, #tpu.memory_space<vmem_shared>> -> memref<40x128xf32, #tpu.memory_space<vmem_shared>>
      %dma_start3A_487 = arith.constant 0 : i32
      %dma_start3A_488 = tpu.memref_slice %arg16[%add3A_48, %dma_start3A_487] : memref<10000x128xf32, #tpu.memory_space<vmem_shared>> -> memref<40x128xf32, #tpu.memory_space<vmem_shared>>
      tpu.enqueue_dma source(%arg14 : memref<40x128xf32, #tpu.memory_space<vmem>>) target(%dma_start3A_488 : memref<40x128xf32, #tpu.memory_space<vmem_shared>>) target_semaphore(%arg21 : memref<!tpu.dma_semaphore, #tpu.memory_space<semaphore_mem>>)
    } else {
    }
    %add3A_56 = arith.constant 200 : i32
    %add3A_57 = arith.addi %mul3A_13, %add3A_56 : i32
    %add3A_58 = arith.constant 40 : i32
    %add3A_59 = arith.addi %add3A_57, %add3A_58 : i32
    %le3A_60 = arith.constant 10000 : i32
    %le3A_61 = arith.cmpi sle, %add3A_59, %le3A_60 : i32
    %convert_element_type3A_62 = arith.extui %le3A_61 : i1 to i32
    %cond3A_63 = arith.constant 0 : i32
    %cond3A_64 = arith.cmpi ne, %convert_element_type3A_62, %cond3A_63 : i32
    scf.if %cond3A_64 {
      %dma_start3A_485 = arith.constant 0 : i32
      %dma_start3A_486 = tpu.memref_slice %arg16[%add3A_57, %dma_start3A_485] : memref<10000x128xf32, #tpu.memory_space<vmem_shared>> -> memref<40x128xf32, #tpu.memory_space<vmem_shared>>
      %dma_start3A_487 = arith.constant 0 : i32
      %dma_start3A_488 = tpu.memref_slice %arg16[%add3A_57, %dma_start3A_487] : memref<10000x128xf32, #tpu.memory_space<vmem_shared>> -> memref<40x128xf32, #tpu.memory_space<vmem_shared>>
      tpu.enqueue_dma source(%arg14 : memref<40x128xf32, #tpu.memory_space<vmem>>) target(%dma_start3A_488 : memref<40x128xf32, #tpu.memory_space<vmem_shared>>) target_semaphore(%arg21 : memref<!tpu.dma_semaphore, #tpu.memory_space<semaphore_mem>>)
    } else {
    }
    %add3A_65 = arith.constant 240 : i32
    %add3A_66 = arith.addi %mul3A_13, %add3A_65 : i32
    %add3A_67 = arith.constant 40 : i32
    %add3A_68 = arith.addi %add3A_66, %add3A_67 : i32
    %le3A_69 = arith.constant 10000 : i32
    %le3A_70 = arith.cmpi sle, %add3A_68, %le3A_69 : i32
    %convert_element_type3A_71 = arith.extui %le3A_70 : i1 to i32
    %cond3A_72 = arith.constant 0 : i32
    %cond3A_73 = arith.cmpi ne, %convert_element_type3A_71, %cond3A_72 : i32
    scf.if %cond3A_73 {
      %dma_start3A_485 = arith.constant 0 : i32
      %dma_start3A_486 = tpu.memref_slice %arg16[%add3A_66, %dma_start3A_485] : memref<10000x128xf32, #tpu.memory_space<vmem_shared>> -> memref<40x128xf32, #tpu.memory_space<vmem_shared>>
      %dma_start3A_487 = arith.constant 0 : i32
      %dma_start3A_488 = tpu.memref_slice %arg16[%add3A_66, %dma_start3A_487] : memref<10000x128xf32, #tpu.memory_space<vmem_shared>> -> memref<40x128xf32, #tpu.memory_space<vmem_shared>>
      tpu.enqueue_dma source(%arg14 : memref<40x128xf32, #tpu.memory_space<vmem>>) target(%dma_start3A_488 : memref<40x128xf32, #tpu.memory_space<vmem_shared>>) target_semaphore(%arg21 : memref<!tpu.dma_semaphore, #tpu.memory_space<semaphore_mem>>)
    } else {
    }
    %add3A_74 = arith.constant 280 : i32
    %add3A_75 = arith.addi %mul3A_13, %add3A_74 : i32
    %add3A_76 = arith.constant 40 : i32
    %add3A_77 = arith.addi %add3A_75, %add3A_76 : i32
    %le3A_78 = arith.constant 10000 : i32
    %le3A_79 = arith.cmpi sle, %add3A_77, %le3A_78 : i32
    %convert_element_type3A_80 = arith.extui %le3A_79 : i1 to i32
    %cond3A_81 = arith.constant 0 : i32
    %cond3A_82 = arith.cmpi ne, %convert_element_type3A_80, %cond3A_81 : i32
    scf.if %cond3A_82 {
      %dma_start3A_485 = arith.constant 0 : i32
      %dma_start3A_486 = tpu.memref_slice %arg16[%add3A_75, %dma_start3A_485] : memref<10000x128xf32, #tpu.memory_space<vmem_shared>> -> memref<40x128xf32, #tpu.memory_space<vmem_shared>>
      %dma_start3A_487 = arith.constant 0 : i32
      %dma_start3A_488 = tpu.memref_slice %arg16[%add3A_75, %dma_start3A_487] : memref<10000x128xf32, #tpu.memory_space<vmem_shared>> -> memref<40x128xf32, #tpu.memory_space<vmem_shared>>
      tpu.enqueue_dma source(%arg14 : memref<40x128xf32, #tpu.memory_space<vmem>>) target(%dma_start3A_488 : memref<40x128xf32, #tpu.memory_space<vmem_shared>>) target_semaphore(%arg21 : memref<!tpu.dma_semaphore, #tpu.memory_space<semaphore_mem>>)
    } else {
    }
    %add3A_83 = arith.constant 320 : i32
    %add3A_84 = arith.addi %mul3A_13, %add3A_83 : i32
    %add3A_85 = arith.constant 40 : i32
    %add3A_86 = arith.addi %add3A_84, %add3A_85 : i32
    %le3A_87 = arith.constant 10000 : i32
    %le3A_88 = arith.cmpi sle, %add3A_86, %le3A_87 : i32
    %convert_element_type3A_89 = arith.extui %le3A_88 : i1 to i32
    %cond3A_90 = arith.constant 0 : i32
    %cond3A_91 = arith.cmpi ne, %convert_element_type3A_89, %cond3A_90 : i32
    scf.if %cond3A_91 {
      %dma_start3A_485 = arith.constant 0 : i32
      %dma_start3A_486 = tpu.memref_slice %arg16[%add3A_84, %dma_start3A_485] : memref<10000x128xf32, #tpu.memory_space<vmem_shared>> -> memref<40x128xf32, #tpu.memory_space<vmem_shared>>
      %dma_start3A_487 = arith.constant 0 : i32
      %dma_start3A_488 = tpu.memref_slice %arg16[%add3A_84, %dma_start3A_487] : memref<10000x128xf32, #tpu.memory_space<vmem_shared>> -> memref<40x128xf32, #tpu.memory_space<vmem_shared>>
      tpu.enqueue_dma source(%arg14 : memref<40x128xf32, #tpu.memory_space<vmem>>) target(%dma_start3A_488 : memref<40x128xf32, #tpu.memory_space<vmem_shared>>) target_semaphore(%arg21 : memref<!tpu.dma_semaphore, #tpu.memory_space<semaphore_mem>>)
    } else {
    }
    %add3A_92 = arith.constant 360 : i32
    %add3A_93 = arith.addi %mul3A_13, %add3A_92 : i32
    %add3A_94 = arith.constant 40 : i32
    %add3A_95 = arith.addi %add3A_93, %add3A_94 : i32
    %le3A_96 = arith.constant 10000 : i32
    %le3A_97 = arith.cmpi sle, %add3A_95, %le3A_96 : i32
    %convert_element_type3A_98 = arith.extui %le3A_97 : i1 to i32
    %cond3A_99 = arith.constant 0 : i32
    %cond3A_100 = arith.cmpi ne, %convert_element_type3A_98, %cond3A_99 : i32
    scf.if %cond3A_100 {
      %dma_start3A_485 = arith.constant 0 : i32
      %dma_start3A_486 = tpu.memref_slice %arg16[%add3A_93, %dma_start3A_485] : memref<10000x128xf32, #tpu.memory_space<vmem_shared>> -> memref<40x128xf32, #tpu.memory_space<vmem_shared>>
      %dma_start3A_487 = arith.constant 0 : i32
      %dma_start3A_488 = tpu.memref_slice %arg16[%add3A_93, %dma_start3A_487] : memref<10000x128xf32, #tpu.memory_space<vmem_shared>> -> memref<40x128xf32, #tpu.memory_space<vmem_shared>>
      tpu.enqueue_dma source(%arg14 : memref<40x128xf32, #tpu.memory_space<vmem>>) target(%dma_start3A_488 : memref<40x128xf32, #tpu.memory_space<vmem_shared>>) target_semaphore(%arg21 : memref<!tpu.dma_semaphore, #tpu.memory_space<semaphore_mem>>)
    } else {
    }
    %add3A_101 = arith.constant 400 : i32
    %add3A_102 = arith.addi %mul3A_13, %add3A_101 : i32
    %add3A_103 = arith.constant 40 : i32
    %add3A_104 = arith.addi %add3A_102, %add3A_103 : i32
    %le3A_105 = arith.constant 10000 : i32
    %le3A_106 = arith.cmpi sle, %add3A_104, %le3A_105 : i32
    %convert_element_type3A_107 = arith.extui %le3A_106 : i1 to i32
    %cond3A_108 = arith.constant 0 : i32
    %cond3A_109 = arith.cmpi ne, %convert_element_type3A_107, %cond3A_108 : i32
    scf.if %cond3A_109 {
      %dma_start3A_485 = arith.constant 0 : i32
      %dma_start3A_486 = tpu.memref_slice %arg16[%add3A_102, %dma_start3A_485] : memref<10000x128xf32, #tpu.memory_space<vmem_shared>> -> memref<40x128xf32, #tpu.memory_space<vmem_shared>>
      %dma_start3A_487 = arith.constant 0 : i32
      %dma_start3A_488 = tpu.memref_slice %arg16[%add3A_102, %dma_start3A_487] : memref<10000x128xf32, #tpu.memory_space<vmem_shared>> -> memref<40x128xf32, #tpu.memory_space<vmem_shared>>
      tpu.enqueue_dma source(%arg14 : memref<40x128xf32, #tpu.memory_space<vmem>>) target(%dma_start3A_488 : memref<40x128xf32, #tpu.memory_space<vmem_shared>>) target_semaphore(%arg21 : memref<!tpu.dma_semaphore, #tpu.memory_space<semaphore_mem>>)
    } else {
    }
    %add3A_110 = arith.constant 440 : i32
    %add3A_111 = arith.addi %mul3A_13, %add3A_110 : i32
    %add3A_112 = arith.constant 40 : i32
    %add3A_113 = arith.addi %add3A_111, %add3A_112 : i32
    %le3A_114 = arith.constant 10000 : i32
    %le3A_115 = arith.cmpi sle, %add3A_113, %le3A_114 : i32
    %convert_element_type3A_116 = arith.extui %le3A_115 : i1 to i32
    %cond3A_117 = arith.constant 0 : i32
    %cond3A_118 = arith.cmpi ne, %convert_element_type3A_116, %cond3A_117 : i32
    scf.if %cond3A_118 {
      %dma_start3A_485 = arith.constant 0 : i32
      %dma_start3A_486 = tpu.memref_slice %arg16[%add3A_111, %dma_start3A_485] : memref<10000x128xf32, #tpu.memory_space<vmem_shared>> -> memref<40x128xf32, #tpu.memory_space<vmem_shared>>
      %dma_start3A_487 = arith.constant 0 : i32
      %dma_start3A_488 = tpu.memref_slice %arg16[%add3A_111, %dma_start3A_487] : memref<10000x128xf32, #tpu.memory_space<vmem_shared>> -> memref<40x128xf32, #tpu.memory_space<vmem_shared>>
      tpu.enqueue_dma source(%arg14 : memref<40x128xf32, #tpu.memory_space<vmem>>) target(%dma_start3A_488 : memref<40x128xf32, #tpu.memory_space<vmem_shared>>) target_semaphore(%arg21 : memref<!tpu.dma_semaphore, #tpu.memory_space<semaphore_mem>>)
    } else {
    }
    %add3A_119 = arith.constant 480 : i32
    %add3A_120 = arith.addi %mul3A_13, %add3A_119 : i32
    %add3A_121 = arith.constant 40 : i32
    %add3A_122 = arith.addi %add3A_120, %add3A_121 : i32
    %le3A_123 = arith.constant 10000 : i32
    %le3A_124 = arith.cmpi sle, %add3A_122, %le3A_123 : i32
    %convert_element_type3A_125 = arith.extui %le3A_124 : i1 to i32
    %cond3A_126 = arith.constant 0 : i32
    %cond3A_127 = arith.cmpi ne, %convert_element_type3A_125, %cond3A_126 : i32
    scf.if %cond3A_127 {
      %dma_start3A_485 = arith.constant 0 : i32
      %dma_start3A_486 = tpu.memref_slice %arg16[%add3A_120, %dma_start3A_485] : memref<10000x128xf32, #tpu.memory_space<vmem_shared>> -> memref<40x128xf32, #tpu.memory_space<vmem_shared>>
      %dma_start3A_487 = arith.constant 0 : i32
      %dma_start3A_488 = tpu.memref_slice %arg16[%add3A_120, %dma_start3A_487] : memref<10000x128xf32, #tpu.memory_space<vmem_shared>> -> memref<40x128xf32, #tpu.memory_space<vmem_shared>>
      tpu.enqueue_dma source(%arg14 : memref<40x128xf32, #tpu.memory_space<vmem>>) target(%dma_start3A_488 : memref<40x128xf32, #tpu.memory_space<vmem_shared>>) target_semaphore(%arg21 : memref<!tpu.dma_semaphore, #tpu.memory_space<semaphore_mem>>)
    } else {
    }
    %add3A_128 = arith.constant 520 : i32
    %add3A_129 = arith.addi %mul3A_13, %add3A_128 : i32
    %add3A_130 = arith.constant 40 : i32
    %add3A_131 = arith.addi %add3A_129, %add3A_130 : i32
    %le3A_132 = arith.constant 10000 : i32
    %le3A_133 = arith.cmpi sle, %add3A_131, %le3A_132 : i32
    %convert_element_type3A_134 = arith.extui %le3A_133 : i1 to i32
    %cond3A_135 = arith.constant 0 : i32
    %cond3A_136 = arith.cmpi ne, %convert_element_type3A_134, %cond3A_135 : i32
    scf.if %cond3A_136 {
      %dma_start3A_485 = arith.constant 0 : i32
      %dma_start3A_486 = tpu.memref_slice %arg16[%add3A_129, %dma_start3A_485] : memref<10000x128xf32, #tpu.memory_space<vmem_shared>> -> memref<40x128xf32, #tpu.memory_space<vmem_shared>>
      %dma_start3A_487 = arith.constant 0 : i32
      %dma_start3A_488 = tpu.memref_slice %arg16[%add3A_129, %dma_start3A_487] : memref<10000x128xf32, #tpu.memory_space<vmem_shared>> -> memref<40x128xf32, #tpu.memory_space<vmem_shared>>
      tpu.enqueue_dma source(%arg14 : memref<40x128xf32, #tpu.memory_space<vmem>>) target(%dma_start3A_488 : memref<40x128xf32, #tpu.memory_space<vmem_shared>>) target_semaphore(%arg21 : memref<!tpu.dma_semaphore, #tpu.memory_space<semaphore_mem>>)
    } else {
    }
    %add3A_137 = arith.constant 560 : i32
    %add3A_138 = arith.addi %mul3A_13, %add3A_137 : i32
    %add3A_139 = arith.constant 40 : i32
    %add3A_140 = arith.addi %add3A_138, %add3A_139 : i32
    %le3A_141 = arith.constant 10000 : i32
    %le3A_142 = arith.cmpi sle, %add3A_140, %le3A_141 : i32
    %convert_element_type3A_143 = arith.extui %le3A_142 : i1 to i32
    %cond3A_144 = arith.constant 0 : i32
    %cond3A_145 = arith.cmpi ne, %convert_element_type3A_143, %cond3A_144 : i32
    scf.if %cond3A_145 {
      %dma_start3A_485 = arith.constant 0 : i32
      %dma_start3A_486 = tpu.memref_slice %arg16[%add3A_138, %dma_start3A_485] : memref<10000x128xf32, #tpu.memory_space<vmem_shared>> -> memref<40x128xf32, #tpu.memory_space<vmem_shared>>
      %dma_start3A_487 = arith.constant 0 : i32
      %dma_start3A_488 = tpu.memref_slice %arg16[%add3A_138, %dma_start3A_487] : memref<10000x128xf32, #tpu.memory_space<vmem_shared>> -> memref<40x128xf32, #tpu.memory_space<vmem_shared>>
      tpu.enqueue_dma source(%arg14 : memref<40x128xf32, #tpu.memory_space<vmem>>) target(%dma_start3A_488 : memref<40x128xf32, #tpu.memory_space<vmem_shared>>) target_semaphore(%arg21 : memref<!tpu.dma_semaphore, #tpu.memory_space<semaphore_mem>>)
    } else {
    }
    %add3A_146 = arith.constant 600 : i32
    %add3A_147 = arith.addi %mul3A_13, %add3A_146 : i32
    %add3A_148 = arith.constant 40 : i32
    %add3A_149 = arith.addi %add3A_147, %add3A_148 : i32
    %le3A_150 = arith.constant 10000 : i32
    %le3A_151 = arith.cmpi sle, %add3A_149, %le3A_150 : i32
    %convert_element_type3A_152 = arith.extui %le3A_151 : i1 to i32
    %cond3A_153 = arith.constant 0 : i32
    %cond3A_154 = arith.cmpi ne, %convert_element_type3A_152, %cond3A_153 : i32
    scf.if %cond3A_154 {
      %dma_start3A_485 = arith.constant 0 : i32
      %dma_start3A_486 = tpu.memref_slice %arg16[%add3A_147, %dma_start3A_485] : memref<10000x128xf32, #tpu.memory_space<vmem_shared>> -> memref<40x128xf32, #tpu.memory_space<vmem_shared>>
      %dma_start3A_487 = arith.constant 0 : i32
      %dma_start3A_488 = tpu.memref_slice %arg16[%add3A_147, %dma_start3A_487] : memref<10000x128xf32, #tpu.memory_space<vmem_shared>> -> memref<40x128xf32, #tpu.memory_space<vmem_shared>>
      tpu.enqueue_dma source(%arg14 : memref<40x128xf32, #tpu.memory_space<vmem>>) target(%dma_start3A_488 : memref<40x128xf32, #tpu.memory_space<vmem_shared>>) target_semaphore(%arg21 : memref<!tpu.dma_semaphore, #tpu.memory_space<semaphore_mem>>)
    } else {
    }
    %add3A_155 = arith.constant 0 : i32
    %add3A_156 = arith.addi %mul3A_13, %add3A_155 : i32
    %add3A_157 = arith.constant 40 : i32
    %add3A_158 = arith.addi %add3A_156, %add3A_157 : i32
    %le3A_159 = arith.constant 10000 : i32
    %le3A_160 = arith.cmpi sle, %add3A_158, %le3A_159 : i32
    %convert_element_type3A_161 = arith.extui %le3A_160 : i1 to i32
    %cond3A_162 = arith.constant 0 : i32
    %cond3A_163 = arith.cmpi ne, %convert_element_type3A_161, %cond3A_162 : i32
    scf.if %cond3A_163 {
      %dma_wait3A_485 = arith.constant 0 : i32
      %dma_wait3A_486 = tpu.memref_slice %arg16[%add3A_156, %dma_wait3A_485] : memref<10000x128xf32, #tpu.memory_space<vmem_shared>> -> memref<40x128xf32, #tpu.memory_space<vmem_shared>>
      %dma_wait3A_487 = arith.constant 0 : i32
      %dma_wait3A_488 = tpu.memref_slice %arg16[%add3A_156, %dma_wait3A_487] : memref<10000x128xf32, #tpu.memory_space<vmem_shared>> -> memref<40x128xf32, #tpu.memory_space<vmem_shared>>
      tpu.wait_dma2 semaphore(%arg21 : memref<!tpu.dma_semaphore, #tpu.memory_space<semaphore_mem>>) src(%arg14 : memref<40x128xf32, #tpu.memory_space<vmem>>) dst(%dma_wait3A_488 : memref<40x128xf32, #tpu.memory_space<vmem_shared>>)
    } else {
    }
    %add3A_164 = arith.constant 40 : i32
    %add3A_165 = arith.addi %mul3A_13, %add3A_164 : i32
    %add3A_166 = arith.constant 40 : i32
    %add3A_167 = arith.addi %add3A_165, %add3A_166 : i32
    %le3A_168 = arith.constant 10000 : i32
    %le3A_169 = arith.cmpi sle, %add3A_167, %le3A_168 : i32
    %convert_element_type3A_170 = arith.extui %le3A_169 : i1 to i32
    %cond3A_171 = arith.constant 0 : i32
    %cond3A_172 = arith.cmpi ne, %convert_element_type3A_170, %cond3A_171 : i32
    scf.if %cond3A_172 {
      %dma_wait3A_485 = arith.constant 0 : i32
      %dma_wait3A_486 = tpu.memref_slice %arg16[%add3A_165, %dma_wait3A_485] : memref<10000x128xf32, #tpu.memory_space<vmem_shared>> -> memref<40x128xf32, #tpu.memory_space<vmem_shared>>
      %dma_wait3A_487 = arith.constant 0 : i32
      %dma_wait3A_488 = tpu.memref_slice %arg16[%add3A_165, %dma_wait3A_487] : memref<10000x128xf32, #tpu.memory_space<vmem_shared>> -> memref<40x128xf32, #tpu.memory_space<vmem_shared>>
      tpu.wait_dma2 semaphore(%arg21 : memref<!tpu.dma_semaphore, #tpu.memory_space<semaphore_mem>>) src(%arg14 : memref<40x128xf32, #tpu.memory_space<vmem>>) dst(%dma_wait3A_488 : memref<40x128xf32, #tpu.memory_space<vmem_shared>>)
    } else {
    }
    %add3A_173 = arith.constant 80 : i32
    %add3A_174 = arith.addi %mul3A_13, %add3A_173 : i32
    %add3A_175 = arith.constant 40 : i32
    %add3A_176 = arith.addi %add3A_174, %add3A_175 : i32
    %le3A_177 = arith.constant 10000 : i32
    %le3A_178 = arith.cmpi sle, %add3A_176, %le3A_177 : i32
    %convert_element_type3A_179 = arith.extui %le3A_178 : i1 to i32
    %cond3A_180 = arith.constant 0 : i32
    %cond3A_181 = arith.cmpi ne, %convert_element_type3A_179, %cond3A_180 : i32
    scf.if %cond3A_181 {
      %dma_wait3A_485 = arith.constant 0 : i32
      %dma_wait3A_486 = tpu.memref_slice %arg16[%add3A_174, %dma_wait3A_485] : memref<10000x128xf32, #tpu.memory_space<vmem_shared>> -> memref<40x128xf32, #tpu.memory_space<vmem_shared>>
      %dma_wait3A_487 = arith.constant 0 : i32
      %dma_wait3A_488 = tpu.memref_slice %arg16[%add3A_174, %dma_wait3A_487] : memref<10000x128xf32, #tpu.memory_space<vmem_shared>> -> memref<40x128xf32, #tpu.memory_space<vmem_shared>>
      tpu.wait_dma2 semaphore(%arg21 : memref<!tpu.dma_semaphore, #tpu.memory_space<semaphore_mem>>) src(%arg14 : memref<40x128xf32, #tpu.memory_space<vmem>>) dst(%dma_wait3A_488 : memref<40x128xf32, #tpu.memory_space<vmem_shared>>)
    } else {
    }
    %add3A_182 = arith.constant 120 : i32
    %add3A_183 = arith.addi %mul3A_13, %add3A_182 : i32
    %add3A_184 = arith.constant 40 : i32
    %add3A_185 = arith.addi %add3A_183, %add3A_184 : i32
    %le3A_186 = arith.constant 10000 : i32
    %le3A_187 = arith.cmpi sle, %add3A_185, %le3A_186 : i32
    %convert_element_type3A_188 = arith.extui %le3A_187 : i1 to i32
    %cond3A_189 = arith.constant 0 : i32
    %cond3A_190 = arith.cmpi ne, %convert_element_type3A_188, %cond3A_189 : i32
    scf.if %cond3A_190 {
      %dma_wait3A_485 = arith.constant 0 : i32
      %dma_wait3A_486 = tpu.memref_slice %arg16[%add3A_183, %dma_wait3A_485] : memref<10000x128xf32, #tpu.memory_space<vmem_shared>> -> memref<40x128xf32, #tpu.memory_space<vmem_shared>>
      %dma_wait3A_487 = arith.constant 0 : i32
      %dma_wait3A_488 = tpu.memref_slice %arg16[%add3A_183, %dma_wait3A_487] : memref<10000x128xf32, #tpu.memory_space<vmem_shared>> -> memref<40x128xf32, #tpu.memory_space<vmem_shared>>
      tpu.wait_dma2 semaphore(%arg21 : memref<!tpu.dma_semaphore, #tpu.memory_space<semaphore_mem>>) src(%arg14 : memref<40x128xf32, #tpu.memory_space<vmem>>) dst(%dma_wait3A_488 : memref<40x128xf32, #tpu.memory_space<vmem_shared>>)
    } else {
    }
    %add3A_191 = arith.constant 160 : i32
    %add3A_192 = arith.addi %mul3A_13, %add3A_191 : i32
    %add3A_193 = arith.constant 40 : i32
    %add3A_194 = arith.addi %add3A_192, %add3A_193 : i32
    %le3A_195 = arith.constant 10000 : i32
    %le3A_196 = arith.cmpi sle, %add3A_194, %le3A_195 : i32
    %convert_element_type3A_197 = arith.extui %le3A_196 : i1 to i32
    %cond3A_198 = arith.constant 0 : i32
    %cond3A_199 = arith.cmpi ne, %convert_element_type3A_197, %cond3A_198 : i32
    scf.if %cond3A_199 {
      %dma_wait3A_485 = arith.constant 0 : i32
      %dma_wait3A_486 = tpu.memref_slice %arg16[%add3A_192, %dma_wait3A_485] : memref<10000x128xf32, #tpu.memory_space<vmem_shared>> -> memref<40x128xf32, #tpu.memory_space<vmem_shared>>
      %dma_wait3A_487 = arith.constant 0 : i32
      %dma_wait3A_488 = tpu.memref_slice %arg16[%add3A_192, %dma_wait3A_487] : memref<10000x128xf32, #tpu.memory_space<vmem_shared>> -> memref<40x128xf32, #tpu.memory_space<vmem_shared>>
      tpu.wait_dma2 semaphore(%arg21 : memref<!tpu.dma_semaphore, #tpu.memory_space<semaphore_mem>>) src(%arg14 : memref<40x128xf32, #tpu.memory_space<vmem>>) dst(%dma_wait3A_488 : memref<40x128xf32, #tpu.memory_space<vmem_shared>>)
    } else {
    }
    %add3A_200 = arith.constant 200 : i32
    %add3A_201 = arith.addi %mul3A_13, %add3A_200 : i32
    %add3A_202 = arith.constant 40 : i32
    %add3A_203 = arith.addi %add3A_201, %add3A_202 : i32
    %le3A_204 = arith.constant 10000 : i32
    %le3A_205 = arith.cmpi sle, %add3A_203, %le3A_204 : i32
    %convert_element_type3A_206 = arith.extui %le3A_205 : i1 to i32
    %cond3A_207 = arith.constant 0 : i32
    %cond3A_208 = arith.cmpi ne, %convert_element_type3A_206, %cond3A_207 : i32
    scf.if %cond3A_208 {
      %dma_wait3A_485 = arith.constant 0 : i32
      %dma_wait3A_486 = tpu.memref_slice %arg16[%add3A_201, %dma_wait3A_485] : memref<10000x128xf32, #tpu.memory_space<vmem_shared>> -> memref<40x128xf32, #tpu.memory_space<vmem_shared>>
      %dma_wait3A_487 = arith.constant 0 : i32
      %dma_wait3A_488 = tpu.memref_slice %arg16[%add3A_201, %dma_wait3A_487] : memref<10000x128xf32, #tpu.memory_space<vmem_shared>> -> memref<40x128xf32, #tpu.memory_space<vmem_shared>>
      tpu.wait_dma2 semaphore(%arg21 : memref<!tpu.dma_semaphore, #tpu.memory_space<semaphore_mem>>) src(%arg14 : memref<40x128xf32, #tpu.memory_space<vmem>>) dst(%dma_wait3A_488 : memref<40x128xf32, #tpu.memory_space<vmem_shared>>)
    } else {
    }
    %add3A_209 = arith.constant 240 : i32
    %add3A_210 = arith.addi %mul3A_13, %add3A_209 : i32
    %add3A_211 = arith.constant 40 : i32
    %add3A_212 = arith.addi %add3A_210, %add3A_211 : i32
    %le3A_213 = arith.constant 10000 : i32
    %le3A_214 = arith.cmpi sle, %add3A_212, %le3A_213 : i32
    %convert_element_type3A_215 = arith.extui %le3A_214 : i1 to i32
    %cond3A_216 = arith.constant 0 : i32
    %cond3A_217 = arith.cmpi ne, %convert_element_type3A_215, %cond3A_216 : i32
    scf.if %cond3A_217 {
      %dma_wait3A_485 = arith.constant 0 : i32
      %dma_wait3A_486 = tpu.memref_slice %arg16[%add3A_210, %dma_wait3A_485] : memref<10000x128xf32, #tpu.memory_space<vmem_shared>> -> memref<40x128xf32, #tpu.memory_space<vmem_shared>>
      %dma_wait3A_487 = arith.constant 0 : i32
      %dma_wait3A_488 = tpu.memref_slice %arg16[%add3A_210, %dma_wait3A_487] : memref<10000x128xf32, #tpu.memory_space<vmem_shared>> -> memref<40x128xf32, #tpu.memory_space<vmem_shared>>
      tpu.wait_dma2 semaphore(%arg21 : memref<!tpu.dma_semaphore, #tpu.memory_space<semaphore_mem>>) src(%arg14 : memref<40x128xf32, #tpu.memory_space<vmem>>) dst(%dma_wait3A_488 : memref<40x128xf32, #tpu.memory_space<vmem_shared>>)
    } else {
    }
    %add3A_218 = arith.constant 280 : i32
    %add3A_219 = arith.addi %mul3A_13, %add3A_218 : i32
    %add3A_220 = arith.constant 40 : i32
    %add3A_221 = arith.addi %add3A_219, %add3A_220 : i32
    %le3A_222 = arith.constant 10000 : i32
    %le3A_223 = arith.cmpi sle, %add3A_221, %le3A_222 : i32
    %convert_element_type3A_224 = arith.extui %le3A_223 : i1 to i32
    %cond3A_225 = arith.constant 0 : i32
    %cond3A_226 = arith.cmpi ne, %convert_element_type3A_224, %cond3A_225 : i32
    scf.if %cond3A_226 {
      %dma_wait3A_485 = arith.constant 0 : i32
      %dma_wait3A_486 = tpu.memref_slice %arg16[%add3A_219, %dma_wait3A_485] : memref<10000x128xf32, #tpu.memory_space<vmem_shared>> -> memref<40x128xf32, #tpu.memory_space<vmem_shared>>
      %dma_wait3A_487 = arith.constant 0 : i32
      %dma_wait3A_488 = tpu.memref_slice %arg16[%add3A_219, %dma_wait3A_487] : memref<10000x128xf32, #tpu.memory_space<vmem_shared>> -> memref<40x128xf32, #tpu.memory_space<vmem_shared>>
      tpu.wait_dma2 semaphore(%arg21 : memref<!tpu.dma_semaphore, #tpu.memory_space<semaphore_mem>>) src(%arg14 : memref<40x128xf32, #tpu.memory_space<vmem>>) dst(%dma_wait3A_488 : memref<40x128xf32, #tpu.memory_space<vmem_shared>>)
    } else {
    }
    %add3A_227 = arith.constant 320 : i32
    %add3A_228 = arith.addi %mul3A_13, %add3A_227 : i32
    %add3A_229 = arith.constant 40 : i32
    %add3A_230 = arith.addi %add3A_228, %add3A_229 : i32
    %le3A_231 = arith.constant 10000 : i32
    %le3A_232 = arith.cmpi sle, %add3A_230, %le3A_231 : i32
    %convert_element_type3A_233 = arith.extui %le3A_232 : i1 to i32
    %cond3A_234 = arith.constant 0 : i32
    %cond3A_235 = arith.cmpi ne, %convert_element_type3A_233, %cond3A_234 : i32
    scf.if %cond3A_235 {
      %dma_wait3A_485 = arith.constant 0 : i32
      %dma_wait3A_486 = tpu.memref_slice %arg16[%add3A_228, %dma_wait3A_485] : memref<10000x128xf32, #tpu.memory_space<vmem_shared>> -> memref<40x128xf32, #tpu.memory_space<vmem_shared>>
      %dma_wait3A_487 = arith.constant 0 : i32
      %dma_wait3A_488 = tpu.memref_slice %arg16[%add3A_228, %dma_wait3A_487] : memref<10000x128xf32, #tpu.memory_space<vmem_shared>> -> memref<40x128xf32, #tpu.memory_space<vmem_shared>>
      tpu.wait_dma2 semaphore(%arg21 : memref<!tpu.dma_semaphore, #tpu.memory_space<semaphore_mem>>) src(%arg14 : memref<40x128xf32, #tpu.memory_space<vmem>>) dst(%dma_wait3A_488 : memref<40x128xf32, #tpu.memory_space<vmem_shared>>)
    } else {
    }
    %add3A_236 = arith.constant 360 : i32
    %add3A_237 = arith.addi %mul3A_13, %add3A_236 : i32
    %add3A_238 = arith.constant 40 : i32
    %add3A_239 = arith.addi %add3A_237, %add3A_238 : i32
    %le3A_240 = arith.constant 10000 : i32
    %le3A_241 = arith.cmpi sle, %add3A_239, %le3A_240 : i32
    %convert_element_type3A_242 = arith.extui %le3A_241 : i1 to i32
    %cond3A_243 = arith.constant 0 : i32
    %cond3A_244 = arith.cmpi ne, %convert_element_type3A_242, %cond3A_243 : i32
    scf.if %cond3A_244 {
      %dma_wait3A_485 = arith.constant 0 : i32
      %dma_wait3A_486 = tpu.memref_slice %arg16[%add3A_237, %dma_wait3A_485] : memref<10000x128xf32, #tpu.memory_space<vmem_shared>> -> memref<40x128xf32, #tpu.memory_space<vmem_shared>>
      %dma_wait3A_487 = arith.constant 0 : i32
      %dma_wait3A_488 = tpu.memref_slice %arg16[%add3A_237, %dma_wait3A_487] : memref<10000x128xf32, #tpu.memory_space<vmem_shared>> -> memref<40x128xf32, #tpu.memory_space<vmem_shared>>
      tpu.wait_dma2 semaphore(%arg21 : memref<!tpu.dma_semaphore, #tpu.memory_space<semaphore_mem>>) src(%arg14 : memref<40x128xf32, #tpu.memory_space<vmem>>) dst(%dma_wait3A_488 : memref<40x128xf32, #tpu.memory_space<vmem_shared>>)
    } else {
    }
    %add3A_245 = arith.constant 400 : i32
    %add3A_246 = arith.addi %mul3A_13, %add3A_245 : i32
    %add3A_247 = arith.constant 40 : i32
    %add3A_248 = arith.addi %add3A_246, %add3A_247 : i32
    %le3A_249 = arith.constant 10000 : i32
    %le3A_250 = arith.cmpi sle, %add3A_248, %le3A_249 : i32
    %convert_element_type3A_251 = arith.extui %le3A_250 : i1 to i32
    %cond3A_252 = arith.constant 0 : i32
    %cond3A_253 = arith.cmpi ne, %convert_element_type3A_251, %cond3A_252 : i32
    scf.if %cond3A_253 {
      %dma_wait3A_485 = arith.constant 0 : i32
      %dma_wait3A_486 = tpu.memref_slice %arg16[%add3A_246, %dma_wait3A_485] : memref<10000x128xf32, #tpu.memory_space<vmem_shared>> -> memref<40x128xf32, #tpu.memory_space<vmem_shared>>
      %dma_wait3A_487 = arith.constant 0 : i32
      %dma_wait3A_488 = tpu.memref_slice %arg16[%add3A_246, %dma_wait3A_487] : memref<10000x128xf32, #tpu.memory_space<vmem_shared>> -> memref<40x128xf32, #tpu.memory_space<vmem_shared>>
      tpu.wait_dma2 semaphore(%arg21 : memref<!tpu.dma_semaphore, #tpu.memory_space<semaphore_mem>>) src(%arg14 : memref<40x128xf32, #tpu.memory_space<vmem>>) dst(%dma_wait3A_488 : memref<40x128xf32, #tpu.memory_space<vmem_shared>>)
    } else {
    }
    %add3A_254 = arith.constant 440 : i32
    %add3A_255 = arith.addi %mul3A_13, %add3A_254 : i32
    %add3A_256 = arith.constant 40 : i32
    %add3A_257 = arith.addi %add3A_255, %add3A_256 : i32
    %le3A_258 = arith.constant 10000 : i32
    %le3A_259 = arith.cmpi sle, %add3A_257, %le3A_258 : i32
    %convert_element_type3A_260 = arith.extui %le3A_259 : i1 to i32
    %cond3A_261 = arith.constant 0 : i32
    %cond3A_262 = arith.cmpi ne, %convert_element_type3A_260, %cond3A_261 : i32
    scf.if %cond3A_262 {
      %dma_wait3A_485 = arith.constant 0 : i32
      %dma_wait3A_486 = tpu.memref_slice %arg16[%add3A_255, %dma_wait3A_485] : memref<10000x128xf32, #tpu.memory_space<vmem_shared>> -> memref<40x128xf32, #tpu.memory_space<vmem_shared>>
      %dma_wait3A_487 = arith.constant 0 : i32
      %dma_wait3A_488 = tpu.memref_slice %arg16[%add3A_255, %dma_wait3A_487] : memref<10000x128xf32, #tpu.memory_space<vmem_shared>> -> memref<40x128xf32, #tpu.memory_space<vmem_shared>>
      tpu.wait_dma2 semaphore(%arg21 : memref<!tpu.dma_semaphore, #tpu.memory_space<semaphore_mem>>) src(%arg14 : memref<40x128xf32, #tpu.memory_space<vmem>>) dst(%dma_wait3A_488 : memref<40x128xf32, #tpu.memory_space<vmem_shared>>)
    } else {
    }
    %add3A_263 = arith.constant 480 : i32
    %add3A_264 = arith.addi %mul3A_13, %add3A_263 : i32
    %add3A_265 = arith.constant 40 : i32
    %add3A_266 = arith.addi %add3A_264, %add3A_265 : i32
    %le3A_267 = arith.constant 10000 : i32
    %le3A_268 = arith.cmpi sle, %add3A_266, %le3A_267 : i32
    %convert_element_type3A_269 = arith.extui %le3A_268 : i1 to i32
    %cond3A_270 = arith.constant 0 : i32
    %cond3A_271 = arith.cmpi ne, %convert_element_type3A_269, %cond3A_270 : i32
    scf.if %cond3A_271 {
      %dma_wait3A_485 = arith.constant 0 : i32
      %dma_wait3A_486 = tpu.memref_slice %arg16[%add3A_264, %dma_wait3A_485] : memref<10000x128xf32, #tpu.memory_space<vmem_shared>> -> memref<40x128xf32, #tpu.memory_space<vmem_shared>>
      %dma_wait3A_487 = arith.constant 0 : i32
      %dma_wait3A_488 = tpu.memref_slice %arg16[%add3A_264, %dma_wait3A_487] : memref<10000x128xf32, #tpu.memory_space<vmem_shared>> -> memref<40x128xf32, #tpu.memory_space<vmem_shared>>
      tpu.wait_dma2 semaphore(%arg21 : memref<!tpu.dma_semaphore, #tpu.memory_space<semaphore_mem>>) src(%arg14 : memref<40x128xf32, #tpu.memory_space<vmem>>) dst(%dma_wait3A_488 : memref<40x128xf32, #tpu.memory_space<vmem_shared>>)
    } else {
    }
    %add3A_272 = arith.constant 520 : i32
    %add3A_273 = arith.addi %mul3A_13, %add3A_272 : i32
    %add3A_274 = arith.constant 40 : i32
    %add3A_275 = arith.addi %add3A_273, %add3A_274 : i32
    %le3A_276 = arith.constant 10000 : i32
    %le3A_277 = arith.cmpi sle, %add3A_275, %le3A_276 : i32
    %convert_element_type3A_278 = arith.extui %le3A_277 : i1 to i32
    %cond3A_279 = arith.constant 0 : i32
    %cond3A_280 = arith.cmpi ne, %convert_element_type3A_278, %cond3A_279 : i32
    scf.if %cond3A_280 {
      %dma_wait3A_485 = arith.constant 0 : i32
      %dma_wait3A_486 = tpu.memref_slice %arg16[%add3A_273, %dma_wait3A_485] : memref<10000x128xf32, #tpu.memory_space<vmem_shared>> -> memref<40x128xf32, #tpu.memory_space<vmem_shared>>
      %dma_wait3A_487 = arith.constant 0 : i32
      %dma_wait3A_488 = tpu.memref_slice %arg16[%add3A_273, %dma_wait3A_487] : memref<10000x128xf32, #tpu.memory_space<vmem_shared>> -> memref<40x128xf32, #tpu.memory_space<vmem_shared>>
      tpu.wait_dma2 semaphore(%arg21 : memref<!tpu.dma_semaphore, #tpu.memory_space<semaphore_mem>>) src(%arg14 : memref<40x128xf32, #tpu.memory_space<vmem>>) dst(%dma_wait3A_488 : memref<40x128xf32, #tpu.memory_space<vmem_shared>>)
    } else {
    }
    %add3A_281 = arith.constant 560 : i32
    %add3A_282 = arith.addi %mul3A_13, %add3A_281 : i32
    %add3A_283 = arith.constant 40 : i32
    %add3A_284 = arith.addi %add3A_282, %add3A_283 : i32
    %le3A_285 = arith.constant 10000 : i32
    %le3A_286 = arith.cmpi sle, %add3A_284, %le3A_285 : i32
    %convert_element_type3A_287 = arith.extui %le3A_286 : i1 to i32
    %cond3A_288 = arith.constant 0 : i32
    %cond3A_289 = arith.cmpi ne, %convert_element_type3A_287, %cond3A_288 : i32
    scf.if %cond3A_289 {
      %dma_wait3A_485 = arith.constant 0 : i32
      %dma_wait3A_486 = tpu.memref_slice %arg16[%add3A_282, %dma_wait3A_485] : memref<10000x128xf32, #tpu.memory_space<vmem_shared>> -> memref<40x128xf32, #tpu.memory_space<vmem_shared>>
      %dma_wait3A_487 = arith.constant 0 : i32
      %dma_wait3A_488 = tpu.memref_slice %arg16[%add3A_282, %dma_wait3A_487] : memref<10000x128xf32, #tpu.memory_space<vmem_shared>> -> memref<40x128xf32, #tpu.memory_space<vmem_shared>>
      tpu.wait_dma2 semaphore(%arg21 : memref<!tpu.dma_semaphore, #tpu.memory_space<semaphore_mem>>) src(%arg14 : memref<40x128xf32, #tpu.memory_space<vmem>>) dst(%dma_wait3A_488 : memref<40x128xf32, #tpu.memory_space<vmem_shared>>)
    } else {
    }
    %add3A_290 = arith.constant 600 : i32
    %add3A_291 = arith.addi %mul3A_13, %add3A_290 : i32
    %add3A_292 = arith.constant 40 : i32
    %add3A_293 = arith.addi %add3A_291, %add3A_292 : i32
    %le3A_294 = arith.constant 10000 : i32
    %le3A_295 = arith.cmpi sle, %add3A_293, %le3A_294 : i32
    %convert_element_type3A_296 = arith.extui %le3A_295 : i1 to i32
    %cond3A_297 = arith.constant 0 : i32
    %cond3A_298 = arith.cmpi ne, %convert_element_type3A_296, %cond3A_297 : i32
    scf.if %cond3A_298 {
      %dma_wait3A_485 = arith.constant 0 : i32
      %dma_wait3A_486 = tpu.memref_slice %arg16[%add3A_291, %dma_wait3A_485] : memref<10000x128xf32, #tpu.memory_space<vmem_shared>> -> memref<40x128xf32, #tpu.memory_space<vmem_shared>>
      %dma_wait3A_487 = arith.constant 0 : i32
      %dma_wait3A_488 = tpu.memref_slice %arg16[%add3A_291, %dma_wait3A_487] : memref<10000x128xf32, #tpu.memory_space<vmem_shared>> -> memref<40x128xf32, #tpu.memory_space<vmem_shared>>
      tpu.wait_dma2 semaphore(%arg21 : memref<!tpu.dma_semaphore, #tpu.memory_space<semaphore_mem>>) src(%arg14 : memref<40x128xf32, #tpu.memory_space<vmem>>) dst(%dma_wait3A_488 : memref<40x128xf32, #tpu.memory_space<vmem_shared>>)
    } else {
    }
    %dma_wait3A = tpu.memref_slice %arg4[%mul3A_2] : memref<320000xi32, #tpu.memory_space<hbm>> -> memref<10000xi32, #tpu.memory_space<hbm>>
    %dma_wait3A_299 = tpu.memref_slice %arg4[%mul3A_2] : memref<320000xi32, #tpu.memory_space<hbm>> -> memref<10000xi32, #tpu.memory_space<hbm>>
    tpu.wait_dma2 semaphore(%arg17 : memref<!tpu.dma_semaphore, #tpu.memory_space<semaphore_mem>>) src(%dma_wait3A_299 : memref<10000xi32, #tpu.memory_space<hbm>>) dst(%arg8 : memref<10000xi32, #tpu.memory_space<vmem>>)
    %dma_wait3A_300 = tpu.memref_slice %arg5[%mul3A_2] : memref<320000xi32, #tpu.memory_space<hbm>> -> memref<10000xi32, #tpu.memory_space<hbm>>
    %dma_wait3A_301 = tpu.memref_slice %arg5[%mul3A_2] : memref<320000xi32, #tpu.memory_space<hbm>> -> memref<10000xi32, #tpu.memory_space<hbm>>
    tpu.wait_dma2 semaphore(%arg18 : memref<!tpu.dma_semaphore, #tpu.memory_space<semaphore_mem>>) src(%dma_wait3A_301 : memref<10000xi32, #tpu.memory_space<hbm>>) dst(%arg9 : memref<10000xi32, #tpu.memory_space<vmem>>)
    %barrier3A = arith.constant 0 : index
    tpu.barrier barrier_id(%barrier3A)
    %add3A_302 = arith.constant 0 : i32
    %add3A_303 = arith.addi %mul3A_2, %add3A_302 : i32
    %dma_start3A_304 = arith.constant 0 : i32
    %dma_start3A_305 = tpu.memref_slice %arg3[%add3A_303, %dma_start3A_304] : memref<320000x128xf32, #tpu.memory_space<hbm>> -> memref<40x128xf32, #tpu.memory_space<hbm>>
    %dma_start3A_306 = arith.constant 0 : i32
    %dma_start3A_307 = tpu.memref_slice %arg3[%add3A_303, %dma_start3A_306] : memref<320000x128xf32, #tpu.memory_space<hbm>> -> memref<40x128xf32, #tpu.memory_space<hbm>>
    tpu.enqueue_dma source(%dma_start3A_307 : memref<40x128xf32, #tpu.memory_space<hbm>>) target(%arg12 : memref<40x128xf32, #tpu.memory_space<vmem>>) target_semaphore(%arg19 : memref<!tpu.dma_semaphore, #tpu.memory_space<semaphore_mem>>)
    %dma_start3A_308 = arith.constant 0 : i32
    %dma_start3A_309 = tpu.memref_slice %arg8[%dma_start3A_308] : memref<10000xi32, #tpu.memory_space<vmem>> -> memref<40xi32, #tpu.memory_space<vmem>>
    %dma_start3A_310 = arith.constant 0 : i32
    %dma_start3A_311 = arith.constant 0 : i32
    %dma_start3A_312 = tpu.memref_slice %arg2[%dma_start3A_310, %dma_start3A_311] : memref<10000x128xf32, #tpu.memory_space<hbm>> -> memref<10000x128xf32, #tpu.memory_space<hbm>>
    tpu.enqueue_indirect_dma source(%dma_start3A_312 : memref<10000x128xf32, #tpu.memory_space<hbm>>) target(%arg10 : memref<40x128xf32, #tpu.memory_space<vmem>>) offsets(%dma_start3A_309 : memref<40xi32, #tpu.memory_space<vmem>>) semaphore(%arg17 : memref<!tpu.dma_semaphore, #tpu.memory_space<semaphore_mem>>)
    %add3A_313 = arith.constant 40 : i32
    %add3A_314 = arith.addi %mul3A_2, %add3A_313 : i32
    %dma_start3A_315 = arith.constant 0 : i32
    %dma_start3A_316 = tpu.memref_slice %arg3[%add3A_314, %dma_start3A_315] : memref<320000x128xf32, #tpu.memory_space<hbm>> -> memref<40x128xf32, #tpu.memory_space<hbm>>
    %dma_start3A_317 = arith.constant 0 : i32
    %dma_start3A_318 = tpu.memref_slice %arg3[%add3A_314, %dma_start3A_317] : memref<320000x128xf32, #tpu.memory_space<hbm>> -> memref<40x128xf32, #tpu.memory_space<hbm>>
    tpu.enqueue_dma source(%dma_start3A_318 : memref<40x128xf32, #tpu.memory_space<hbm>>) target(%arg13 : memref<40x128xf32, #tpu.memory_space<vmem>>) target_semaphore(%arg20 : memref<!tpu.dma_semaphore, #tpu.memory_space<semaphore_mem>>)
    %dma_start3A_319 = arith.constant 40 : i32
    %dma_start3A_320 = tpu.memref_slice %arg8[%dma_start3A_319] : memref<10000xi32, #tpu.memory_space<vmem>> -> memref<40xi32, #tpu.memory_space<vmem>>
    %dma_start3A_321 = arith.constant 0 : i32
    %dma_start3A_322 = arith.constant 0 : i32
    %dma_start3A_323 = tpu.memref_slice %arg2[%dma_start3A_321, %dma_start3A_322] : memref<10000x128xf32, #tpu.memory_space<hbm>> -> memref<10000x128xf32, #tpu.memory_space<hbm>>
    tpu.enqueue_indirect_dma source(%dma_start3A_323 : memref<10000x128xf32, #tpu.memory_space<hbm>>) target(%arg11 : memref<40x128xf32, #tpu.memory_space<vmem>>) offsets(%dma_start3A_320 : memref<40xi32, #tpu.memory_space<vmem>>) semaphore(%arg18 : memref<!tpu.dma_semaphore, #tpu.memory_space<semaphore_mem>>)
    %scan3A_324 = arith.constant 0 : i32
    %scan3A_325 = arith.constant 0 : i32
    %scan3A_326 = arith.constant 125 : i32
    %scan3A_327 = arith.addi %scan3A_325, %scan3A_326 : i32
    %scan3A_328 = arith.constant 1 : i32
    scf.for %scan3A_485 = %scan3A_325 to %scan3A_327 step %scan3A_328  : i32 {
      %mul3A_486 = arith.constant 2 : i32
      %mul3A_487 = arith.muli %mul3A_486, %scan3A_485 : i32
      %add3A_488 = arith.constant 0 : i32
      %add3A_489 = arith.addi %mul3A_487, %add3A_488 : i32
      %dma_wait3A_490 = arith.constant 0 : i32
      %dma_wait3A_491 = tpu.memref_slice %arg3[%mul3A_2, %dma_wait3A_490] : memref<320000x128xf32, #tpu.memory_space<hbm>> -> memref<40x128xf32, #tpu.memory_space<hbm>>
      %dma_wait3A_492 = arith.constant 0 : i32
      %dma_wait3A_493 = tpu.memref_slice %arg3[%mul3A_2, %dma_wait3A_492] : memref<320000x128xf32, #tpu.memory_space<hbm>> -> memref<40x128xf32, #tpu.memory_space<hbm>>
      tpu.wait_dma2 semaphore(%arg19 : memref<!tpu.dma_semaphore, #tpu.memory_space<semaphore_mem>>) src(%dma_wait3A_493 : memref<40x128xf32, #tpu.memory_space<hbm>>) dst(%arg12 : memref<40x128xf32, #tpu.memory_space<vmem>>)
      %mul3A_494 = arith.constant 40 : i32
      %mul3A_495 = arith.muli %add3A_489, %mul3A_494 : i32
      %dma_wait3A_496 = tpu.memref_slice %arg8[%mul3A_495] : memref<10000xi32, #tpu.memory_space<vmem>> -> memref<40xi32, #tpu.memory_space<vmem>>
      %dma_wait3A_497 = arith.constant 0 : i32
      %dma_wait3A_498 = arith.constant 0 : i32
      %dma_wait3A_499 = tpu.memref_slice %arg2[%dma_wait3A_497, %dma_wait3A_498] : memref<10000x128xf32, #tpu.memory_space<hbm>> -> memref<10000x128xf32, #tpu.memory_space<hbm>>
      tpu.wait_indirect_dma semaphore(%arg17 : memref<!tpu.dma_semaphore, #tpu.memory_space<semaphore_mem>>) src(%dma_wait3A_499 : memref<10000x128xf32, #tpu.memory_space<hbm>>) dst(%arg10 : memref<40x128xf32, #tpu.memory_space<vmem>>)
      %gt3A = arith.constant 0 : i32
      %gt3A_500 = arith.cmpi sgt, %scan3A_485, %gt3A : i32
      %convert_element_type3A_501 = arith.extui %gt3A_500 : i1 to i32
      %cond3A_502 = arith.constant 0 : i32
      %cond3A_503 = arith.cmpi ne, %convert_element_type3A_501, %cond3A_502 : i32
      scf.if %cond3A_503 {
        %sub3A = arith.constant 2 : i32
        %sub3A_560 = arith.subi %add3A_489, %sub3A : i32
        %mul3A_561 = arith.constant 40 : i32
        %mul3A_562 = arith.muli %sub3A_560, %mul3A_561 : i32
        %dma_wait3A_563 = tpu.memref_slice %arg9[%mul3A_562] : memref<10000xi32, #tpu.memory_space<vmem>> -> memref<40xi32, #tpu.memory_space<vmem>>
        %dma_wait3A_564 = arith.constant 0 : i32
        %dma_wait3A_565 = arith.constant 0 : i32
        %dma_wait3A_566 = tpu.memref_slice %arg16[%dma_wait3A_564, %dma_wait3A_565] : memref<10000x128xf32, #tpu.memory_space<vmem_shared>> -> memref<10000x128xf32, #tpu.memory_space<vmem_shared>>
        tpu.wait_indirect_dma semaphore(%arg21 : memref<!tpu.dma_semaphore, #tpu.memory_space<semaphore_mem>>) src(%arg14 : memref<40x128xf32, #tpu.memory_space<vmem>>) dst(%dma_wait3A_566 : memref<10000x128xf32, #tpu.memory_space<vmem_shared>>)
      } else {
      }
      %scan3A_504 = arith.constant 0 : i32
      %scan3A_505 = arith.constant 0 : i32
      %scan3A_506 = arith.constant 40 : i32
      %scan3A_507 = arith.addi %scan3A_505, %scan3A_506 : i32
      %scan3A_508 = arith.constant 1 : i32
      scf.for %scan3A_560 = %scan3A_505 to %scan3A_507 step %scan3A_508  : i32 {
        %get3A = arith.index_cast %scan3A_560 : i32 to index
        %get3A_561 = arith.constant 0 : index
        %get3A_562 = tpu.vector_load %arg10[%get3A, %get3A_561] {strides = array<i32>} : memref<40x128xf32, #tpu.memory_space<vmem>>, vector<1x16xf32>,
        %get3A_563 = vector.shape_cast %get3A_562 : vector<1x16xf32> to vector<16xf32>
        %get3A_564 = arith.index_cast %scan3A_560 : i32 to index
        %get3A_565 = arith.constant 0 : index
        %get3A_566 = tpu.vector_load %arg12[%get3A_564, %get3A_565] {strides = array<i32>} : memref<40x128xf32, #tpu.memory_space<vmem>>, vector<1x16xf32>,
        %get3A_567 = vector.shape_cast %get3A_566 : vector<1x16xf32> to vector<16xf32>
        %add3A_568 = arith.addf %get3A_563, %get3A_567 : vector<16xf32>
        %max3A = arith.constant 0.000000e+00 : f32
        %max3A_569 = vector.broadcast %max3A : f32 to vector<16xf32>
        %max3A_570 = arith.maximumf %add3A_568, %max3A_569 : vector<16xf32>
        %swap3A = arith.index_cast %scan3A_560 : i32 to index
        %swap3A_571 = arith.constant 0 : index
        %swap3A_572 = tpu.vector_load %arg14[%swap3A, %swap3A_571] {strides = array<i32>} : memref<40x128xf32, #tpu.memory_space<vmem>>, vector<1x16xf32>,
        %swap3A_573 = vector.shape_cast %swap3A_572 : vector<1x16xf32> to vector<16xf32>
        %swap3A_574 = vector.shape_cast %max3A_570 : vector<16xf32> to vector<1x16xf32>
        tpu.vector_store %arg14[%swap3A, %swap3A_571], %swap3A_574 {strides = array<i32>} : memref<40x128xf32, #tpu.memory_space<vmem>>, vector<1x16xf32>,
        %get3A_575 = arith.index_cast %scan3A_560 : i32 to index
        %get3A_576 = arith.constant 16 : index
        %get3A_577 = tpu.vector_load %arg10[%get3A_575, %get3A_576] {strides = array<i32>} : memref<40x128xf32, #tpu.memory_space<vmem>>, vector<1x16xf32>,
        %get3A_578 = vector.shape_cast %get3A_577 : vector<1x16xf32> to vector<16xf32>
        %get3A_579 = arith.index_cast %scan3A_560 : i32 to index
        %get3A_580 = arith.constant 16 : index
        %get3A_581 = tpu.vector_load %arg12[%get3A_579, %get3A_580] {strides = array<i32>} : memref<40x128xf32, #tpu.memory_space<vmem>>, vector<1x16xf32>,
        %get3A_582 = vector.shape_cast %get3A_581 : vector<1x16xf32> to vector<16xf32>
        %add3A_583 = arith.addf %get3A_578, %get3A_582 : vector<16xf32>
        %max3A_584 = arith.constant 0.000000e+00 : f32
        %max3A_585 = vector.broadcast %max3A_584 : f32 to vector<16xf32>
        %max3A_586 = arith.maximumf %add3A_583, %max3A_585 : vector<16xf32>
        %swap3A_587 = arith.index_cast %scan3A_560 : i32 to index
        %swap3A_588 = arith.constant 16 : index
        %swap3A_589 = tpu.vector_load %arg14[%swap3A_587, %swap3A_588] {strides = array<i32>} : memref<40x128xf32, #tpu.memory_space<vmem>>, vector<1x16xf32>,
        %swap3A_590 = vector.shape_cast %swap3A_589 : vector<1x16xf32> to vector<16xf32>
        %swap3A_591 = vector.shape_cast %max3A_586 : vector<16xf32> to vector<1x16xf32>
        tpu.vector_store %arg14[%swap3A_587, %swap3A_588], %swap3A_591 {strides = array<i32>} : memref<40x128xf32, #tpu.memory_space<vmem>>, vector<1x16xf32>,
        %get3A_592 = arith.index_cast %scan3A_560 : i32 to index
        %get3A_593 = arith.constant 32 : index
        %get3A_594 = tpu.vector_load %arg10[%get3A_592, %get3A_593] {strides = array<i32>} : memref<40x128xf32, #tpu.memory_space<vmem>>, vector<1x16xf32>,
        %get3A_595 = vector.shape_cast %get3A_594 : vector<1x16xf32> to vector<16xf32>
        %get3A_596 = arith.index_cast %scan3A_560 : i32 to index
        %get3A_597 = arith.constant 32 : index
        %get3A_598 = tpu.vector_load %arg12[%get3A_596, %get3A_597] {strides = array<i32>} : memref<40x128xf32, #tpu.memory_space<vmem>>, vector<1x16xf32>,
        %get3A_599 = vector.shape_cast %get3A_598 : vector<1x16xf32> to vector<16xf32>
        %add3A_600 = arith.addf %get3A_595, %get3A_599 : vector<16xf32>
        %max3A_601 = arith.constant 0.000000e+00 : f32
        %max3A_602 = vector.broadcast %max3A_601 : f32 to vector<16xf32>
        %max3A_603 = arith.maximumf %add3A_600, %max3A_602 : vector<16xf32>
        %swap3A_604 = arith.index_cast %scan3A_560 : i32 to index
        %swap3A_605 = arith.constant 32 : index
        %swap3A_606 = tpu.vector_load %arg14[%swap3A_604, %swap3A_605] {strides = array<i32>} : memref<40x128xf32, #tpu.memory_space<vmem>>, vector<1x16xf32>,
        %swap3A_607 = vector.shape_cast %swap3A_606 : vector<1x16xf32> to vector<16xf32>
        %swap3A_608 = vector.shape_cast %max3A_603 : vector<16xf32> to vector<1x16xf32>
        tpu.vector_store %arg14[%swap3A_604, %swap3A_605], %swap3A_608 {strides = array<i32>} : memref<40x128xf32, #tpu.memory_space<vmem>>, vector<1x16xf32>,
        %get3A_609 = arith.index_cast %scan3A_560 : i32 to index
        %get3A_610 = arith.constant 48 : index
        %get3A_611 = tpu.vector_load %arg10[%get3A_609, %get3A_610] {strides = array<i32>} : memref<40x128xf32, #tpu.memory_space<vmem>>, vector<1x16xf32>,
        %get3A_612 = vector.shape_cast %get3A_611 : vector<1x16xf32> to vector<16xf32>
        %get3A_613 = arith.index_cast %scan3A_560 : i32 to index
        %get3A_614 = arith.constant 48 : index
        %get3A_615 = tpu.vector_load %arg12[%get3A_613, %get3A_614] {strides = array<i32>} : memref<40x128xf32, #tpu.memory_space<vmem>>, vector<1x16xf32>,
        %get3A_616 = vector.shape_cast %get3A_615 : vector<1x16xf32> to vector<16xf32>
        %add3A_617 = arith.addf %get3A_612, %get3A_616 : vector<16xf32>
        %max3A_618 = arith.constant 0.000000e+00 : f32
        %max3A_619 = vector.broadcast %max3A_618 : f32 to vector<16xf32>
        %max3A_620 = arith.maximumf %add3A_617, %max3A_619 : vector<16xf32>
        %swap3A_621 = arith.index_cast %scan3A_560 : i32 to index
        %swap3A_622 = arith.constant 48 : index
        %swap3A_623 = tpu.vector_load %arg14[%swap3A_621, %swap3A_622] {strides = array<i32>} : memref<40x128xf32, #tpu.memory_space<vmem>>, vector<1x16xf32>,
        %swap3A_624 = vector.shape_cast %swap3A_623 : vector<1x16xf32> to vector<16xf32>
        %swap3A_625 = vector.shape_cast %max3A_620 : vector<16xf32> to vector<1x16xf32>
        tpu.vector_store %arg14[%swap3A_621, %swap3A_622], %swap3A_625 {strides = array<i32>} : memref<40x128xf32, #tpu.memory_space<vmem>>, vector<1x16xf32>,
        %get3A_626 = arith.index_cast %scan3A_560 : i32 to index
        %get3A_627 = arith.constant 64 : index
        %get3A_628 = tpu.vector_load %arg10[%get3A_626, %get3A_627] {strides = array<i32>} : memref<40x128xf32, #tpu.memory_space<vmem>>, vector<1x16xf32>,
        %get3A_629 = vector.shape_cast %get3A_628 : vector<1x16xf32> to vector<16xf32>
        %get3A_630 = arith.index_cast %scan3A_560 : i32 to index
        %get3A_631 = arith.constant 64 : index
        %get3A_632 = tpu.vector_load %arg12[%get3A_630, %get3A_631] {strides = array<i32>} : memref<40x128xf32, #tpu.memory_space<vmem>>, vector<1x16xf32>,
        %get3A_633 = vector.shape_cast %get3A_632 : vector<1x16xf32> to vector<16xf32>
        %add3A_634 = arith.addf %get3A_629, %get3A_633 : vector<16xf32>
        %max3A_635 = arith.constant 0.000000e+00 : f32
        %max3A_636 = vector.broadcast %max3A_635 : f32 to vector<16xf32>
        %max3A_637 = arith.maximumf %add3A_634, %max3A_636 : vector<16xf32>
        %swap3A_638 = arith.index_cast %scan3A_560 : i32 to index
        %swap3A_639 = arith.constant 64 : index
        %swap3A_640 = tpu.vector_load %arg14[%swap3A_638, %swap3A_639] {strides = array<i32>} : memref<40x128xf32, #tpu.memory_space<vmem>>, vector<1x16xf32>,
        %swap3A_641 = vector.shape_cast %swap3A_640 : vector<1x16xf32> to vector<16xf32>
        %swap3A_642 = vector.shape_cast %max3A_637 : vector<16xf32> to vector<1x16xf32>
        tpu.vector_store %arg14[%swap3A_638, %swap3A_639], %swap3A_642 {strides = array<i32>} : memref<40x128xf32, #tpu.memory_space<vmem>>, vector<1x16xf32>,
        %get3A_643 = arith.index_cast %scan3A_560 : i32 to index
        %get3A_644 = arith.constant 80 : index
        %get3A_645 = tpu.vector_load %arg10[%get3A_643, %get3A_644] {strides = array<i32>} : memref<40x128xf32, #tpu.memory_space<vmem>>, vector<1x16xf32>,
        %get3A_646 = vector.shape_cast %get3A_645 : vector<1x16xf32> to vector<16xf32>
        %get3A_647 = arith.index_cast %scan3A_560 : i32 to index
        %get3A_648 = arith.constant 80 : index
        %get3A_649 = tpu.vector_load %arg12[%get3A_647, %get3A_648] {strides = array<i32>} : memref<40x128xf32, #tpu.memory_space<vmem>>, vector<1x16xf32>,
        %get3A_650 = vector.shape_cast %get3A_649 : vector<1x16xf32> to vector<16xf32>
        %add3A_651 = arith.addf %get3A_646, %get3A_650 : vector<16xf32>
        %max3A_652 = arith.constant 0.000000e+00 : f32
        %max3A_653 = vector.broadcast %max3A_652 : f32 to vector<16xf32>
        %max3A_654 = arith.maximumf %add3A_651, %max3A_653 : vector<16xf32>
        %swap3A_655 = arith.index_cast %scan3A_560 : i32 to index
        %swap3A_656 = arith.constant 80 : index
        %swap3A_657 = tpu.vector_load %arg14[%swap3A_655, %swap3A_656] {strides = array<i32>} : memref<40x128xf32, #tpu.memory_space<vmem>>, vector<1x16xf32>,
        %swap3A_658 = vector.shape_cast %swap3A_657 : vector<1x16xf32> to vector<16xf32>
        %swap3A_659 = vector.shape_cast %max3A_654 : vector<16xf32> to vector<1x16xf32>
        tpu.vector_store %arg14[%swap3A_655, %swap3A_656], %swap3A_659 {strides = array<i32>} : memref<40x128xf32, #tpu.memory_space<vmem>>, vector<1x16xf32>,
        %get3A_660 = arith.index_cast %scan3A_560 : i32 to index
        %get3A_661 = arith.constant 96 : index
        %get3A_662 = tpu.vector_load %arg10[%get3A_660, %get3A_661] {strides = array<i32>} : memref<40x128xf32, #tpu.memory_space<vmem>>, vector<1x16xf32>,
        %get3A_663 = vector.shape_cast %get3A_662 : vector<1x16xf32> to vector<16xf32>
        %get3A_664 = arith.index_cast %scan3A_560 : i32 to index
        %get3A_665 = arith.constant 96 : index
        %get3A_666 = tpu.vector_load %arg12[%get3A_664, %get3A_665] {strides = array<i32>} : memref<40x128xf32, #tpu.memory_space<vmem>>, vector<1x16xf32>,
        %get3A_667 = vector.shape_cast %get3A_666 : vector<1x16xf32> to vector<16xf32>
        %add3A_668 = arith.addf %get3A_663, %get3A_667 : vector<16xf32>
        %max3A_669 = arith.constant 0.000000e+00 : f32
        %max3A_670 = vector.broadcast %max3A_669 : f32 to vector<16xf32>
        %max3A_671 = arith.maximumf %add3A_668, %max3A_670 : vector<16xf32>
        %swap3A_672 = arith.index_cast %scan3A_560 : i32 to index
        %swap3A_673 = arith.constant 96 : index
        %swap3A_674 = tpu.vector_load %arg14[%swap3A_672, %swap3A_673] {strides = array<i32>} : memref<40x128xf32, #tpu.memory_space<vmem>>, vector<1x16xf32>,
        %swap3A_675 = vector.shape_cast %swap3A_674 : vector<1x16xf32> to vector<16xf32>
        %swap3A_676 = vector.shape_cast %max3A_671 : vector<16xf32> to vector<1x16xf32>
        tpu.vector_store %arg14[%swap3A_672, %swap3A_673], %swap3A_676 {strides = array<i32>} : memref<40x128xf32, #tpu.memory_space<vmem>>, vector<1x16xf32>,
        %get3A_677 = arith.index_cast %scan3A_560 : i32 to index
        %get3A_678 = arith.constant 112 : index
        %get3A_679 = tpu.vector_load %arg10[%get3A_677, %get3A_678] {strides = array<i32>} : memref<40x128xf32, #tpu.memory_space<vmem>>, vector<1x16xf32>,
        %get3A_680 = vector.shape_cast %get3A_679 : vector<1x16xf32> to vector<16xf32>
        %get3A_681 = arith.index_cast %scan3A_560 : i32 to index
        %get3A_682 = arith.constant 112 : index
        %get3A_683 = tpu.vector_load %arg12[%get3A_681, %get3A_682] {strides = array<i32>} : memref<40x128xf32, #tpu.memory_space<vmem>>, vector<1x16xf32>,
        %get3A_684 = vector.shape_cast %get3A_683 : vector<1x16xf32> to vector<16xf32>
        %add3A_685 = arith.addf %get3A_680, %get3A_684 : vector<16xf32>
        %max3A_686 = arith.constant 0.000000e+00 : f32
        %max3A_687 = vector.broadcast %max3A_686 : f32 to vector<16xf32>
        %max3A_688 = arith.maximumf %add3A_685, %max3A_687 : vector<16xf32>
        %swap3A_689 = arith.index_cast %scan3A_560 : i32 to index
        %swap3A_690 = arith.constant 112 : index
        %swap3A_691 = tpu.vector_load %arg14[%swap3A_689, %swap3A_690] {strides = array<i32>} : memref<40x128xf32, #tpu.memory_space<vmem>>, vector<1x16xf32>,
        %swap3A_692 = vector.shape_cast %swap3A_691 : vector<1x16xf32> to vector<16xf32>
        %swap3A_693 = vector.shape_cast %max3A_688 : vector<16xf32> to vector<1x16xf32>
        tpu.vector_store %arg14[%swap3A_689, %swap3A_690], %swap3A_693 {strides = array<i32>} : memref<40x128xf32, #tpu.memory_space<vmem>>, vector<1x16xf32>,
      }
      %scan3A_509 = arith.constant 40 : i32
      %mul3A_510 = arith.constant 40 : i32
      %mul3A_511 = arith.muli %add3A_489, %mul3A_510 : i32
      %dma_start3A_512 = tpu.memref_slice %arg9[%mul3A_511] : memref<10000xi32, #tpu.memory_space<vmem>> -> memref<40xi32, #tpu.memory_space<vmem>>
      %dma_start3A_513 = arith.constant 0 : i32
      %dma_start3A_514 = arith.constant 0 : i32
      %dma_start3A_515 = tpu.memref_slice %arg16[%dma_start3A_513, %dma_start3A_514] : memref<10000x128xf32, #tpu.memory_space<vmem_shared>> -> memref<10000x128xf32, #tpu.memory_space<vmem_shared>>
      tpu.enqueue_indirect_dma source(%arg14 : memref<40x128xf32, #tpu.memory_space<vmem>>) target(%dma_start3A_515 : memref<10000x128xf32, #tpu.memory_space<vmem_shared>>) offsets(%dma_start3A_512 : memref<40xi32, #tpu.memory_space<vmem>>) semaphore(%arg21 : memref<!tpu.dma_semaphore, #tpu.memory_space<semaphore_mem>>) {add = true}
      %add3A_516 = arith.constant 2 : i32
      %add3A_517 = arith.addi %add3A_489, %add3A_516 : i32
      %lt3A = arith.constant 250 : i32
      %lt3A_518 = arith.cmpi slt, %add3A_517, %lt3A : i32
      %convert_element_type3A_519 = arith.extui %lt3A_518 : i1 to i32
      %cond3A_520 = arith.constant 0 : i32
      %cond3A_521 = arith.cmpi ne, %convert_element_type3A_519, %cond3A_520 : i32
      scf.if %cond3A_521 {
        %add3A_560 = arith.constant 2 : i32
        %add3A_561 = arith.addi %add3A_489, %add3A_560 : i32
        %mul3A_562 = arith.constant 40 : i32
        %mul3A_563 = arith.muli %add3A_561, %mul3A_562 : i32
        %add3A_564 = arith.addi %mul3A_2, %mul3A_563 : i32
        %dma_start3A_565 = arith.constant 0 : i32
        %dma_start3A_566 = tpu.memref_slice %arg3[%add3A_564, %dma_start3A_565] : memref<320000x128xf32, #tpu.memory_space<hbm>> -> memref<40x128xf32, #tpu.memory_space<hbm>>
        %dma_start3A_567 = arith.constant 0 : i32
        %dma_start3A_568 = tpu.memref_slice %arg3[%add3A_564, %dma_start3A_567] : memref<320000x128xf32, #tpu.memory_space<hbm>> -> memref<40x128xf32, #tpu.memory_space<hbm>>
        tpu.enqueue_dma source(%dma_start3A_568 : memref<40x128xf32, #tpu.memory_space<hbm>>) target(%arg12 : memref<40x128xf32, #tpu.memory_space<vmem>>) target_semaphore(%arg19 : memref<!tpu.dma_semaphore, #tpu.memory_space<semaphore_mem>>)
        %mul3A_569 = arith.constant 40 : i32
        %mul3A_570 = arith.muli %add3A_561, %mul3A_569 : i32
        %dma_start3A_571 = tpu.memref_slice %arg8[%mul3A_570] : memref<10000xi32, #tpu.memory_space<vmem>> -> memref<40xi32, #tpu.memory_space<vmem>>
        %dma_start3A_572 = arith.constant 0 : i32
        %dma_start3A_573 = arith.constant 0 : i32
        %dma_start3A_574 = tpu.memref_slice %arg2[%dma_start3A_572, %dma_start3A_573] : memref<10000x128xf32, #tpu.memory_space<hbm>> -> memref<10000x128xf32, #tpu.memory_space<hbm>>
        tpu.enqueue_indirect_dma source(%dma_start3A_574 : memref<10000x128xf32, #tpu.memory_space<hbm>>) target(%arg10 : memref<40x128xf32, #tpu.memory_space<vmem>>) offsets(%dma_start3A_571 : memref<40xi32, #tpu.memory_space<vmem>>) semaphore(%arg17 : memref<!tpu.dma_semaphore, #tpu.memory_space<semaphore_mem>>)
      } else {
      }
      %mul3A_522 = arith.constant 2 : i32
      %mul3A_523 = arith.muli %mul3A_522, %scan3A_485 : i32
      %add3A_524 = arith.constant 1 : i32
      %add3A_525 = arith.addi %mul3A_523, %add3A_524 : i32
      %dma_wait3A_526 = arith.constant 0 : i32
      %dma_wait3A_527 = tpu.memref_slice %arg3[%mul3A_2, %dma_wait3A_526] : memref<320000x128xf32, #tpu.memory_space<hbm>> -> memref<40x128xf32, #tpu.memory_space<hbm>>
      %dma_wait3A_528 = arith.constant 0 : i32
      %dma_wait3A_529 = tpu.memref_slice %arg3[%mul3A_2, %dma_wait3A_528] : memref<320000x128xf32, #tpu.memory_space<hbm>> -> memref<40x128xf32, #tpu.memory_space<hbm>>
      tpu.wait_dma2 semaphore(%arg20 : memref<!tpu.dma_semaphore, #tpu.memory_space<semaphore_mem>>) src(%dma_wait3A_529 : memref<40x128xf32, #tpu.memory_space<hbm>>) dst(%arg13 : memref<40x128xf32, #tpu.memory_space<vmem>>)
      %mul3A_530 = arith.constant 40 : i32
      %mul3A_531 = arith.muli %add3A_525, %mul3A_530 : i32
      %dma_wait3A_532 = tpu.memref_slice %arg8[%mul3A_531] : memref<10000xi32, #tpu.memory_space<vmem>> -> memref<40xi32, #tpu.memory_space<vmem>>
      %dma_wait3A_533 = arith.constant 0 : i32
      %dma_wait3A_534 = arith.constant 0 : i32
      %dma_wait3A_535 = tpu.memref_slice %arg2[%dma_wait3A_533, %dma_wait3A_534] : memref<10000x128xf32, #tpu.memory_space<hbm>> -> memref<10000x128xf32, #tpu.memory_space<hbm>>
      tpu.wait_indirect_dma semaphore(%arg18 : memref<!tpu.dma_semaphore, #tpu.memory_space<semaphore_mem>>) src(%dma_wait3A_535 : memref<10000x128xf32, #tpu.memory_space<hbm>>) dst(%arg11 : memref<40x128xf32, #tpu.memory_space<vmem>>)
      %gt3A_536 = arith.constant 0 : i32
      %gt3A_537 = arith.cmpi sgt, %scan3A_485, %gt3A_536 : i32
      %convert_element_type3A_538 = arith.extui %gt3A_537 : i1 to i32
      %cond3A_539 = arith.constant 0 : i32
      %cond3A_540 = arith.cmpi ne, %convert_element_type3A_538, %cond3A_539 : i32
      scf.if %cond3A_540 {
        %sub3A = arith.constant 2 : i32
        %sub3A_560 = arith.subi %add3A_525, %sub3A : i32
        %mul3A_561 = arith.constant 40 : i32
        %mul3A_562 = arith.muli %sub3A_560, %mul3A_561 : i32
        %dma_wait3A_563 = tpu.memref_slice %arg9[%mul3A_562] : memref<10000xi32, #tpu.memory_space<vmem>> -> memref<40xi32, #tpu.memory_space<vmem>>
        %dma_wait3A_564 = arith.constant 0 : i32
        %dma_wait3A_565 = arith.constant 0 : i32
        %dma_wait3A_566 = tpu.memref_slice %arg16[%dma_wait3A_564, %dma_wait3A_565] : memref<10000x128xf32, #tpu.memory_space<vmem_shared>> -> memref<10000x128xf32, #tpu.memory_space<vmem_shared>>
        tpu.wait_indirect_dma semaphore(%arg22 : memref<!tpu.dma_semaphore, #tpu.memory_space<semaphore_mem>>) src(%arg15 : memref<40x128xf32, #tpu.memory_space<vmem>>) dst(%dma_wait3A_566 : memref<10000x128xf32, #tpu.memory_space<vmem_shared>>)
      } else {
      }
      %scan3A_541 = arith.constant 0 : i32
      %scan3A_542 = arith.constant 0 : i32
      %scan3A_543 = arith.constant 40 : i32
      %scan3A_544 = arith.addi %scan3A_542, %scan3A_543 : i32
      %scan3A_545 = arith.constant 1 : i32
      scf.for %scan3A_560 = %scan3A_542 to %scan3A_544 step %scan3A_545  : i32 {
        %get3A = arith.index_cast %scan3A_560 : i32 to index
        %get3A_561 = arith.constant 0 : index
        %get3A_562 = tpu.vector_load %arg11[%get3A, %get3A_561] {strides = array<i32>} : memref<40x128xf32, #tpu.memory_space<vmem>>, vector<1x16xf32>,
        %get3A_563 = vector.shape_cast %get3A_562 : vector<1x16xf32> to vector<16xf32>
        %get3A_564 = arith.index_cast %scan3A_560 : i32 to index
        %get3A_565 = arith.constant 0 : index
        %get3A_566 = tpu.vector_load %arg13[%get3A_564, %get3A_565] {strides = array<i32>} : memref<40x128xf32, #tpu.memory_space<vmem>>, vector<1x16xf32>,
        %get3A_567 = vector.shape_cast %get3A_566 : vector<1x16xf32> to vector<16xf32>
        %add3A_568 = arith.addf %get3A_563, %get3A_567 : vector<16xf32>
        %max3A = arith.constant 0.000000e+00 : f32
        %max3A_569 = vector.broadcast %max3A : f32 to vector<16xf32>
        %max3A_570 = arith.maximumf %add3A_568, %max3A_569 : vector<16xf32>
        %swap3A = arith.index_cast %scan3A_560 : i32 to index
        %swap3A_571 = arith.constant 0 : index
        %swap3A_572 = tpu.vector_load %arg15[%swap3A, %swap3A_571] {strides = array<i32>} : memref<40x128xf32, #tpu.memory_space<vmem>>, vector<1x16xf32>,
        %swap3A_573 = vector.shape_cast %swap3A_572 : vector<1x16xf32> to vector<16xf32>
        %swap3A_574 = vector.shape_cast %max3A_570 : vector<16xf32> to vector<1x16xf32>
        tpu.vector_store %arg15[%swap3A, %swap3A_571], %swap3A_574 {strides = array<i32>} : memref<40x128xf32, #tpu.memory_space<vmem>>, vector<1x16xf32>,
        %get3A_575 = arith.index_cast %scan3A_560 : i32 to index
        %get3A_576 = arith.constant 16 : index
        %get3A_577 = tpu.vector_load %arg11[%get3A_575, %get3A_576] {strides = array<i32>} : memref<40x128xf32, #tpu.memory_space<vmem>>, vector<1x16xf32>,
        %get3A_578 = vector.shape_cast %get3A_577 : vector<1x16xf32> to vector<16xf32>
        %get3A_579 = arith.index_cast %scan3A_560 : i32 to index
        %get3A_580 = arith.constant 16 : index
        %get3A_581 = tpu.vector_load %arg13[%get3A_579, %get3A_580] {strides = array<i32>} : memref<40x128xf32, #tpu.memory_space<vmem>>, vector<1x16xf32>,
        %get3A_582 = vector.shape_cast %get3A_581 : vector<1x16xf32> to vector<16xf32>
        %add3A_583 = arith.addf %get3A_578, %get3A_582 : vector<16xf32>
        %max3A_584 = arith.constant 0.000000e+00 : f32
        %max3A_585 = vector.broadcast %max3A_584 : f32 to vector<16xf32>
        %max3A_586 = arith.maximumf %add3A_583, %max3A_585 : vector<16xf32>
        %swap3A_587 = arith.index_cast %scan3A_560 : i32 to index
        %swap3A_588 = arith.constant 16 : index
        %swap3A_589 = tpu.vector_load %arg15[%swap3A_587, %swap3A_588] {strides = array<i32>} : memref<40x128xf32, #tpu.memory_space<vmem>>, vector<1x16xf32>,
        %swap3A_590 = vector.shape_cast %swap3A_589 : vector<1x16xf32> to vector<16xf32>
        %swap3A_591 = vector.shape_cast %max3A_586 : vector<16xf32> to vector<1x16xf32>
        tpu.vector_store %arg15[%swap3A_587, %swap3A_588], %swap3A_591 {strides = array<i32>} : memref<40x128xf32, #tpu.memory_space<vmem>>, vector<1x16xf32>,
        %get3A_592 = arith.index_cast %scan3A_560 : i32 to index
        %get3A_593 = arith.constant 32 : index
        %get3A_594 = tpu.vector_load %arg11[%get3A_592, %get3A_593] {strides = array<i32>} : memref<40x128xf32, #tpu.memory_space<vmem>>, vector<1x16xf32>,
        %get3A_595 = vector.shape_cast %get3A_594 : vector<1x16xf32> to vector<16xf32>
        %get3A_596 = arith.index_cast %scan3A_560 : i32 to index
        %get3A_597 = arith.constant 32 : index
        %get3A_598 = tpu.vector_load %arg13[%get3A_596, %get3A_597] {strides = array<i32>} : memref<40x128xf32, #tpu.memory_space<vmem>>, vector<1x16xf32>,
        %get3A_599 = vector.shape_cast %get3A_598 : vector<1x16xf32> to vector<16xf32>
        %add3A_600 = arith.addf %get3A_595, %get3A_599 : vector<16xf32>
        %max3A_601 = arith.constant 0.000000e+00 : f32
        %max3A_602 = vector.broadcast %max3A_601 : f32 to vector<16xf32>
        %max3A_603 = arith.maximumf %add3A_600, %max3A_602 : vector<16xf32>
        %swap3A_604 = arith.index_cast %scan3A_560 : i32 to index
        %swap3A_605 = arith.constant 32 : index
        %swap3A_606 = tpu.vector_load %arg15[%swap3A_604, %swap3A_605] {strides = array<i32>} : memref<40x128xf32, #tpu.memory_space<vmem>>, vector<1x16xf32>,
        %swap3A_607 = vector.shape_cast %swap3A_606 : vector<1x16xf32> to vector<16xf32>
        %swap3A_608 = vector.shape_cast %max3A_603 : vector<16xf32> to vector<1x16xf32>
        tpu.vector_store %arg15[%swap3A_604, %swap3A_605], %swap3A_608 {strides = array<i32>} : memref<40x128xf32, #tpu.memory_space<vmem>>, vector<1x16xf32>,
        %get3A_609 = arith.index_cast %scan3A_560 : i32 to index
        %get3A_610 = arith.constant 48 : index
        %get3A_611 = tpu.vector_load %arg11[%get3A_609, %get3A_610] {strides = array<i32>} : memref<40x128xf32, #tpu.memory_space<vmem>>, vector<1x16xf32>,
        %get3A_612 = vector.shape_cast %get3A_611 : vector<1x16xf32> to vector<16xf32>
        %get3A_613 = arith.index_cast %scan3A_560 : i32 to index
        %get3A_614 = arith.constant 48 : index
        %get3A_615 = tpu.vector_load %arg13[%get3A_613, %get3A_614] {strides = array<i32>} : memref<40x128xf32, #tpu.memory_space<vmem>>, vector<1x16xf32>,
        %get3A_616 = vector.shape_cast %get3A_615 : vector<1x16xf32> to vector<16xf32>
        %add3A_617 = arith.addf %get3A_612, %get3A_616 : vector<16xf32>
        %max3A_618 = arith.constant 0.000000e+00 : f32
        %max3A_619 = vector.broadcast %max3A_618 : f32 to vector<16xf32>
        %max3A_620 = arith.maximumf %add3A_617, %max3A_619 : vector<16xf32>
        %swap3A_621 = arith.index_cast %scan3A_560 : i32 to index
        %swap3A_622 = arith.constant 48 : index
        %swap3A_623 = tpu.vector_load %arg15[%swap3A_621, %swap3A_622] {strides = array<i32>} : memref<40x128xf32, #tpu.memory_space<vmem>>, vector<1x16xf32>,
        %swap3A_624 = vector.shape_cast %swap3A_623 : vector<1x16xf32> to vector<16xf32>
        %swap3A_625 = vector.shape_cast %max3A_620 : vector<16xf32> to vector<1x16xf32>
        tpu.vector_store %arg15[%swap3A_621, %swap3A_622], %swap3A_625 {strides = array<i32>} : memref<40x128xf32, #tpu.memory_space<vmem>>, vector<1x16xf32>,
        %get3A_626 = arith.index_cast %scan3A_560 : i32 to index
        %get3A_627 = arith.constant 64 : index
        %get3A_628 = tpu.vector_load %arg11[%get3A_626, %get3A_627] {strides = array<i32>} : memref<40x128xf32, #tpu.memory_space<vmem>>, vector<1x16xf32>,
        %get3A_629 = vector.shape_cast %get3A_628 : vector<1x16xf32> to vector<16xf32>
        %get3A_630 = arith.index_cast %scan3A_560 : i32 to index
        %get3A_631 = arith.constant 64 : index
        %get3A_632 = tpu.vector_load %arg13[%get3A_630, %get3A_631] {strides = array<i32>} : memref<40x128xf32, #tpu.memory_space<vmem>>, vector<1x16xf32>,
        %get3A_633 = vector.shape_cast %get3A_632 : vector<1x16xf32> to vector<16xf32>
        %add3A_634 = arith.addf %get3A_629, %get3A_633 : vector<16xf32>
        %max3A_635 = arith.constant 0.000000e+00 : f32
        %max3A_636 = vector.broadcast %max3A_635 : f32 to vector<16xf32>
        %max3A_637 = arith.maximumf %add3A_634, %max3A_636 : vector<16xf32>
        %swap3A_638 = arith.index_cast %scan3A_560 : i32 to index
        %swap3A_639 = arith.constant 64 : index
        %swap3A_640 = tpu.vector_load %arg15[%swap3A_638, %swap3A_639] {strides = array<i32>} : memref<40x128xf32, #tpu.memory_space<vmem>>, vector<1x16xf32>,
        %swap3A_641 = vector.shape_cast %swap3A_640 : vector<1x16xf32> to vector<16xf32>
        %swap3A_642 = vector.shape_cast %max3A_637 : vector<16xf32> to vector<1x16xf32>
        tpu.vector_store %arg15[%swap3A_638, %swap3A_639], %swap3A_642 {strides = array<i32>} : memref<40x128xf32, #tpu.memory_space<vmem>>, vector<1x16xf32>,
        %get3A_643 = arith.index_cast %scan3A_560 : i32 to index
        %get3A_644 = arith.constant 80 : index
        %get3A_645 = tpu.vector_load %arg11[%get3A_643, %get3A_644] {strides = array<i32>} : memref<40x128xf32, #tpu.memory_space<vmem>>, vector<1x16xf32>,
        %get3A_646 = vector.shape_cast %get3A_645 : vector<1x16xf32> to vector<16xf32>
        %get3A_647 = arith.index_cast %scan3A_560 : i32 to index
        %get3A_648 = arith.constant 80 : index
        %get3A_649 = tpu.vector_load %arg13[%get3A_647, %get3A_648] {strides = array<i32>} : memref<40x128xf32, #tpu.memory_space<vmem>>, vector<1x16xf32>,
        %get3A_650 = vector.shape_cast %get3A_649 : vector<1x16xf32> to vector<16xf32>
        %add3A_651 = arith.addf %get3A_646, %get3A_650 : vector<16xf32>
        %max3A_652 = arith.constant 0.000000e+00 : f32
        %max3A_653 = vector.broadcast %max3A_652 : f32 to vector<16xf32>
        %max3A_654 = arith.maximumf %add3A_651, %max3A_653 : vector<16xf32>
        %swap3A_655 = arith.index_cast %scan3A_560 : i32 to index
        %swap3A_656 = arith.constant 80 : index
        %swap3A_657 = tpu.vector_load %arg15[%swap3A_655, %swap3A_656] {strides = array<i32>} : memref<40x128xf32, #tpu.memory_space<vmem>>, vector<1x16xf32>,
        %swap3A_658 = vector.shape_cast %swap3A_657 : vector<1x16xf32> to vector<16xf32>
        %swap3A_659 = vector.shape_cast %max3A_654 : vector<16xf32> to vector<1x16xf32>
        tpu.vector_store %arg15[%swap3A_655, %swap3A_656], %swap3A_659 {strides = array<i32>} : memref<40x128xf32, #tpu.memory_space<vmem>>, vector<1x16xf32>,
        %get3A_660 = arith.index_cast %scan3A_560 : i32 to index
        %get3A_661 = arith.constant 96 : index
        %get3A_662 = tpu.vector_load %arg11[%get3A_660, %get3A_661] {strides = array<i32>} : memref<40x128xf32, #tpu.memory_space<vmem>>, vector<1x16xf32>,
        %get3A_663 = vector.shape_cast %get3A_662 : vector<1x16xf32> to vector<16xf32>
        %get3A_664 = arith.index_cast %scan3A_560 : i32 to index
        %get3A_665 = arith.constant 96 : index
        %get3A_666 = tpu.vector_load %arg13[%get3A_664, %get3A_665] {strides = array<i32>} : memref<40x128xf32, #tpu.memory_space<vmem>>, vector<1x16xf32>,
        %get3A_667 = vector.shape_cast %get3A_666 : vector<1x16xf32> to vector<16xf32>
        %add3A_668 = arith.addf %get3A_663, %get3A_667 : vector<16xf32>
        %max3A_669 = arith.constant 0.000000e+00 : f32
        %max3A_670 = vector.broadcast %max3A_669 : f32 to vector<16xf32>
        %max3A_671 = arith.maximumf %add3A_668, %max3A_670 : vector<16xf32>
        %swap3A_672 = arith.index_cast %scan3A_560 : i32 to index
        %swap3A_673 = arith.constant 96 : index
        %swap3A_674 = tpu.vector_load %arg15[%swap3A_672, %swap3A_673] {strides = array<i32>} : memref<40x128xf32, #tpu.memory_space<vmem>>, vector<1x16xf32>,
        %swap3A_675 = vector.shape_cast %swap3A_674 : vector<1x16xf32> to vector<16xf32>
        %swap3A_676 = vector.shape_cast %max3A_671 : vector<16xf32> to vector<1x16xf32>
        tpu.vector_store %arg15[%swap3A_672, %swap3A_673], %swap3A_676 {strides = array<i32>} : memref<40x128xf32, #tpu.memory_space<vmem>>, vector<1x16xf32>,
        %get3A_677 = arith.index_cast %scan3A_560 : i32 to index
        %get3A_678 = arith.constant 112 : index
        %get3A_679 = tpu.vector_load %arg11[%get3A_677, %get3A_678] {strides = array<i32>} : memref<40x128xf32, #tpu.memory_space<vmem>>, vector<1x16xf32>,
        %get3A_680 = vector.shape_cast %get3A_679 : vector<1x16xf32> to vector<16xf32>
        %get3A_681 = arith.index_cast %scan3A_560 : i32 to index
        %get3A_682 = arith.constant 112 : index
        %get3A_683 = tpu.vector_load %arg13[%get3A_681, %get3A_682] {strides = array<i32>} : memref<40x128xf32, #tpu.memory_space<vmem>>, vector<1x16xf32>,
        %get3A_684 = vector.shape_cast %get3A_683 : vector<1x16xf32> to vector<16xf32>
        %add3A_685 = arith.addf %get3A_680, %get3A_684 : vector<16xf32>
        %max3A_686 = arith.constant 0.000000e+00 : f32
        %max3A_687 = vector.broadcast %max3A_686 : f32 to vector<16xf32>
        %max3A_688 = arith.maximumf %add3A_685, %max3A_687 : vector<16xf32>
        %swap3A_689 = arith.index_cast %scan3A_560 : i32 to index
        %swap3A_690 = arith.constant 112 : index
        %swap3A_691 = tpu.vector_load %arg15[%swap3A_689, %swap3A_690] {strides = array<i32>} : memref<40x128xf32, #tpu.memory_space<vmem>>, vector<1x16xf32>,
        %swap3A_692 = vector.shape_cast %swap3A_691 : vector<1x16xf32> to vector<16xf32>
        %swap3A_693 = vector.shape_cast %max3A_688 : vector<16xf32> to vector<1x16xf32>
        tpu.vector_store %arg15[%swap3A_689, %swap3A_690], %swap3A_693 {strides = array<i32>} : memref<40x128xf32, #tpu.memory_space<vmem>>, vector<1x16xf32>,
      }
      %scan3A_546 = arith.constant 40 : i32
      %mul3A_547 = arith.constant 40 : i32
      %mul3A_548 = arith.muli %add3A_525, %mul3A_547 : i32
      %dma_start3A_549 = tpu.memref_slice %arg9[%mul3A_548] : memref<10000xi32, #tpu.memory_space<vmem>> -> memref<40xi32, #tpu.memory_space<vmem>>
      %dma_start3A_550 = arith.constant 0 : i32
      %dma_start3A_551 = arith.constant 0 : i32
      %dma_start3A_552 = tpu.memref_slice %arg16[%dma_start3A_550, %dma_start3A_551] : memref<10000x128xf32, #tpu.memory_space<vmem_shared>> -> memref<10000x128xf32, #tpu.memory_space<vmem_shared>>
      tpu.enqueue_indirect_dma source(%arg15 : memref<40x128xf32, #tpu.memory_space<vmem>>) target(%dma_start3A_552 : memref<10000x128xf32, #tpu.memory_space<vmem_shared>>) offsets(%dma_start3A_549 : memref<40xi32, #tpu.memory_space<vmem>>) semaphore(%arg22 : memref<!tpu.dma_semaphore, #tpu.memory_space<semaphore_mem>>) {add = true}
      %add3A_553 = arith.constant 2 : i32
      %add3A_554 = arith.addi %add3A_525, %add3A_553 : i32
      %lt3A_555 = arith.constant 250 : i32
      %lt3A_556 = arith.cmpi slt, %add3A_554, %lt3A_555 : i32
      %convert_element_type3A_557 = arith.extui %lt3A_556 : i1 to i32
      %cond3A_558 = arith.constant 0 : i32
      %cond3A_559 = arith.cmpi ne, %convert_element_type3A_557, %cond3A_558 : i32
      scf.if %cond3A_559 {
        %add3A_560 = arith.constant 2 : i32
        %add3A_561 = arith.addi %add3A_525, %add3A_560 : i32
        %mul3A_562 = arith.constant 40 : i32
        %mul3A_563 = arith.muli %add3A_561, %mul3A_562 : i32
        %add3A_564 = arith.addi %mul3A_2, %mul3A_563 : i32
        %dma_start3A_565 = arith.constant 0 : i32
        %dma_start3A_566 = tpu.memref_slice %arg3[%add3A_564, %dma_start3A_565] : memref<320000x128xf32, #tpu.memory_space<hbm>> -> memref<40x128xf32, #tpu.memory_space<hbm>>
        %dma_start3A_567 = arith.constant 0 : i32
        %dma_start3A_568 = tpu.memref_slice %arg3[%add3A_564, %dma_start3A_567] : memref<320000x128xf32, #tpu.memory_space<hbm>> -> memref<40x128xf32, #tpu.memory_space<hbm>>
        tpu.enqueue_dma source(%dma_start3A_568 : memref<40x128xf32, #tpu.memory_space<hbm>>) target(%arg13 : memref<40x128xf32, #tpu.memory_space<vmem>>) target_semaphore(%arg20 : memref<!tpu.dma_semaphore, #tpu.memory_space<semaphore_mem>>)
        %mul3A_569 = arith.constant 40 : i32
        %mul3A_570 = arith.muli %add3A_561, %mul3A_569 : i32
        %dma_start3A_571 = tpu.memref_slice %arg8[%mul3A_570] : memref<10000xi32, #tpu.memory_space<vmem>> -> memref<40xi32, #tpu.memory_space<vmem>>
        %dma_start3A_572 = arith.constant 0 : i32
        %dma_start3A_573 = arith.constant 0 : i32
        %dma_start3A_574 = tpu.memref_slice %arg2[%dma_start3A_572, %dma_start3A_573] : memref<10000x128xf32, #tpu.memory_space<hbm>> -> memref<10000x128xf32, #tpu.memory_space<hbm>>
        tpu.enqueue_indirect_dma source(%dma_start3A_574 : memref<10000x128xf32, #tpu.memory_space<hbm>>) target(%arg11 : memref<40x128xf32, #tpu.memory_space<vmem>>) offsets(%dma_start3A_571 : memref<40xi32, #tpu.memory_space<vmem>>) semaphore(%arg18 : memref<!tpu.dma_semaphore, #tpu.memory_space<semaphore_mem>>)
      } else {
      }
    }
    %scan3A_329 = arith.constant 125 : i32
    %dma_wait3A_330 = arith.constant 9920 : i32
    %dma_wait3A_331 = tpu.memref_slice %arg9[%dma_wait3A_330] : memref<10000xi32, #tpu.memory_space<vmem>> -> memref<40xi32, #tpu.memory_space<vmem>>
    %dma_wait3A_332 = arith.constant 0 : i32
    %dma_wait3A_333 = arith.constant 0 : i32
    %dma_wait3A_334 = tpu.memref_slice %arg16[%dma_wait3A_332, %dma_wait3A_333] : memref<10000x128xf32, #tpu.memory_space<vmem_shared>> -> memref<10000x128xf32, #tpu.memory_space<vmem_shared>>
    tpu.wait_indirect_dma semaphore(%arg21 : memref<!tpu.dma_semaphore, #tpu.memory_space<semaphore_mem>>) src(%arg14 : memref<40x128xf32, #tpu.memory_space<vmem>>) dst(%dma_wait3A_334 : memref<10000x128xf32, #tpu.memory_space<vmem_shared>>)
    %dma_wait3A_335 = arith.constant 9960 : i32
    %dma_wait3A_336 = tpu.memref_slice %arg9[%dma_wait3A_335] : memref<10000xi32, #tpu.memory_space<vmem>> -> memref<40xi32, #tpu.memory_space<vmem>>
    %dma_wait3A_337 = arith.constant 0 : i32
    %dma_wait3A_338 = arith.constant 0 : i32
    %dma_wait3A_339 = tpu.memref_slice %arg16[%dma_wait3A_337, %dma_wait3A_338] : memref<10000x128xf32, #tpu.memory_space<vmem_shared>> -> memref<10000x128xf32, #tpu.memory_space<vmem_shared>>
    tpu.wait_indirect_dma semaphore(%arg22 : memref<!tpu.dma_semaphore, #tpu.memory_space<semaphore_mem>>) src(%arg15 : memref<40x128xf32, #tpu.memory_space<vmem>>) dst(%dma_wait3A_339 : memref<10000x128xf32, #tpu.memory_space<vmem_shared>>)
    %barrier3A_340 = arith.constant 0 : index
    tpu.barrier barrier_id(%barrier3A_340)
    %add3A_341 = arith.constant 0 : i32
    %add3A_342 = arith.addi %mul3A_13, %add3A_341 : i32
    %add3A_343 = arith.constant 40 : i32
    %add3A_344 = arith.addi %add3A_342, %add3A_343 : i32
    %le3A_345 = arith.constant 10000 : i32
    %le3A_346 = arith.cmpi sle, %add3A_344, %le3A_345 : i32
    %convert_element_type3A_347 = arith.extui %le3A_346 : i1 to i32
    %cond3A_348 = arith.constant 0 : i32
    %cond3A_349 = arith.cmpi ne, %convert_element_type3A_347, %cond3A_348 : i32
    scf.if %cond3A_349 {
      "tpu.region"() ({
        %run_scoped3A = tpu.sem_alloc : memref<!tpu.dma_semaphore, #tpu.memory_space<semaphore_mem>>
        %dma_start3A_494 = arith.constant 0 : i32
        %dma_start3A_495 = tpu.memref_slice %arg16[%add3A_342, %dma_start3A_494] : memref<10000x128xf32, #tpu.memory_space<vmem_shared>> -> memref<40x128xf32, #tpu.memory_space<vmem_shared>>
        %dma_start3A_496 = arith.constant 0 : i32
        %dma_start3A_497 = tpu.memref_slice %arg16[%add3A_342, %dma_start3A_496] : memref<10000x128xf32, #tpu.memory_space<vmem_shared>> -> memref<40x128xf32, #tpu.memory_space<vmem_shared>>
        tpu.enqueue_dma source(%dma_start3A_497 : memref<40x128xf32, #tpu.memory_space<vmem_shared>>) target(%arg14 : memref<40x128xf32, #tpu.memory_space<vmem>>) target_semaphore(%run_scoped3A : memref<!tpu.dma_semaphore, #tpu.memory_space<semaphore_mem>>)
        %dma_wait3A_498 = arith.constant 0 : i32
        %dma_wait3A_499 = tpu.memref_slice %arg16[%add3A_342, %dma_wait3A_498] : memref<10000x128xf32, #tpu.memory_space<vmem_shared>> -> memref<40x128xf32, #tpu.memory_space<vmem_shared>>
        %dma_wait3A_500 = arith.constant 0 : i32
        %dma_wait3A_501 = tpu.memref_slice %arg16[%add3A_342, %dma_wait3A_500] : memref<10000x128xf32, #tpu.memory_space<vmem_shared>> -> memref<40x128xf32, #tpu.memory_space<vmem_shared>>
        tpu.wait_dma2 semaphore(%run_scoped3A : memref<!tpu.dma_semaphore, #tpu.memory_space<semaphore_mem>>) src(%dma_wait3A_501 : memref<40x128xf32, #tpu.memory_space<vmem_shared>>) dst(%arg14 : memref<40x128xf32, #tpu.memory_space<vmem>>)
        tpu.yield
      }) : () -> ()
      %eq3A = arith.constant 0 : i32
      %eq3A_485 = arith.cmpi eq, %arg0, %eq3A : i32
      %convert_element_type3A_486 = arith.extui %eq3A_485 : i1 to i32
      %cond3A_487 = arith.constant 0 : i32
      %cond3A_488 = arith.cmpi ne, %convert_element_type3A_486, %cond3A_487 : i32
      scf.if %cond3A_488 {
        "tpu.region"() ({
          %run_scoped3A = tpu.sem_alloc : memref<!tpu.dma_semaphore, #tpu.memory_space<semaphore_mem>>
          %dma_start3A_494 = arith.constant 0 : i32
          %dma_start3A_495 = tpu.memref_slice %arg6[%add3A_342, %dma_start3A_494] : memref<10000x128xf32, #tpu.memory_space<hbm>> -> memref<40x128xf32, #tpu.memory_space<hbm>>
          %dma_start3A_496 = arith.constant 0 : i32
          %dma_start3A_497 = tpu.memref_slice %arg6[%add3A_342, %dma_start3A_496] : memref<10000x128xf32, #tpu.memory_space<hbm>> -> memref<40x128xf32, #tpu.memory_space<hbm>>
          tpu.enqueue_dma source(%arg14 : memref<40x128xf32, #tpu.memory_space<vmem>>) target(%dma_start3A_497 : memref<40x128xf32, #tpu.memory_space<hbm>>) target_semaphore(%run_scoped3A : memref<!tpu.dma_semaphore, #tpu.memory_space<semaphore_mem>>)
          %dma_wait3A_498 = arith.constant 0 : i32
          %dma_wait3A_499 = tpu.memref_slice %arg6[%add3A_342, %dma_wait3A_498] : memref<10000x128xf32, #tpu.memory_space<hbm>> -> memref<40x128xf32, #tpu.memory_space<hbm>>
          %dma_wait3A_500 = arith.constant 0 : i32
          %dma_wait3A_501 = tpu.memref_slice %arg6[%add3A_342, %dma_wait3A_500] : memref<10000x128xf32, #tpu.memory_space<hbm>> -> memref<40x128xf32, #tpu.memory_space<hbm>>
          tpu.wait_dma2 semaphore(%run_scoped3A : memref<!tpu.dma_semaphore, #tpu.memory_space<semaphore_mem>>) src(%arg14 : memref<40x128xf32, #tpu.memory_space<vmem>>) dst(%dma_wait3A_501 : memref<40x128xf32, #tpu.memory_space<hbm>>)
          tpu.yield
        }) : () -> ()
      } else {
      }
      %eq3A_489 = arith.constant 1 : i32
      %eq3A_490 = arith.cmpi eq, %arg0, %eq3A_489 : i32
      %convert_element_type3A_491 = arith.extui %eq3A_490 : i1 to i32
      %cond3A_492 = arith.constant 0 : i32
      %cond3A_493 = arith.cmpi ne, %convert_element_type3A_491, %cond3A_492 : i32
      scf.if %cond3A_493 {
        "tpu.region"() ({
          %run_scoped3A = tpu.sem_alloc : memref<!tpu.dma_semaphore, #tpu.memory_space<semaphore_mem>>
          %dma_start3A_494 = arith.constant 0 : i32
          %dma_start3A_495 = tpu.memref_slice %arg7[%add3A_342, %dma_start3A_494] : memref<10000x128xf32, #tpu.memory_space<hbm>> -> memref<40x128xf32, #tpu.memory_space<hbm>>
          %dma_start3A_496 = arith.constant 0 : i32
          %dma_start3A_497 = tpu.memref_slice %arg7[%add3A_342, %dma_start3A_496] : memref<10000x128xf32, #tpu.memory_space<hbm>> -> memref<40x128xf32, #tpu.memory_space<hbm>>
          tpu.enqueue_dma source(%arg14 : memref<40x128xf32, #tpu.memory_space<vmem>>) target(%dma_start3A_497 : memref<40x128xf32, #tpu.memory_space<hbm>>) target_semaphore(%run_scoped3A : memref<!tpu.dma_semaphore, #tpu.memory_space<semaphore_mem>>)
          %dma_wait3A_498 = arith.constant 0 : i32
          %dma_wait3A_499 = tpu.memref_slice %arg7[%add3A_342, %dma_wait3A_498] : memref<10000x128xf32, #tpu.memory_space<hbm>> -> memref<40x128xf32, #tpu.memory_space<hbm>>
          %dma_wait3A_500 = arith.constant 0 : i32
          %dma_wait3A_501 = tpu.memref_slice %arg7[%add3A_342, %dma_wait3A_500] : memref<10000x128xf32, #tpu.memory_space<hbm>> -> memref<40x128xf32, #tpu.memory_space<hbm>>
          tpu.wait_dma2 semaphore(%run_scoped3A : memref<!tpu.dma_semaphore, #tpu.memory_space<semaphore_mem>>) src(%arg14 : memref<40x128xf32, #tpu.memory_space<vmem>>) dst(%dma_wait3A_501 : memref<40x128xf32, #tpu.memory_space<hbm>>)
          tpu.yield
        }) : () -> ()
      } else {
      }
    } else {
    }
    %add3A_350 = arith.constant 40 : i32
    %add3A_351 = arith.addi %mul3A_13, %add3A_350 : i32
    %add3A_352 = arith.constant 40 : i32
    %add3A_353 = arith.addi %add3A_351, %add3A_352 : i32
    %le3A_354 = arith.constant 10000 : i32
    %le3A_355 = arith.cmpi sle, %add3A_353, %le3A_354 : i32
    %convert_element_type3A_356 = arith.extui %le3A_355 : i1 to i32
    %cond3A_357 = arith.constant 0 : i32
    %cond3A_358 = arith.cmpi ne, %convert_element_type3A_356, %cond3A_357 : i32
    scf.if %cond3A_358 {
      "tpu.region"() ({
        %run_scoped3A = tpu.sem_alloc : memref<!tpu.dma_semaphore, #tpu.memory_space<semaphore_mem>>
        %dma_start3A_494 = arith.constant 0 : i32
        %dma_start3A_495 = tpu.memref_slice %arg16[%add3A_351, %dma_start3A_494] : memref<10000x128xf32, #tpu.memory_space<vmem_shared>> -> memref<40x128xf32, #tpu.memory_space<vmem_shared>>
        %dma_start3A_496 = arith.constant 0 : i32
        %dma_start3A_497 = tpu.memref_slice %arg16[%add3A_351, %dma_start3A_496] : memref<10000x128xf32, #tpu.memory_space<vmem_shared>> -> memref<40x128xf32, #tpu.memory_space<vmem_shared>>
        tpu.enqueue_dma source(%dma_start3A_497 : memref<40x128xf32, #tpu.memory_space<vmem_shared>>) target(%arg14 : memref<40x128xf32, #tpu.memory_space<vmem>>) target_semaphore(%run_scoped3A : memref<!tpu.dma_semaphore, #tpu.memory_space<semaphore_mem>>)
        %dma_wait3A_498 = arith.constant 0 : i32
        %dma_wait3A_499 = tpu.memref_slice %arg16[%add3A_351, %dma_wait3A_498] : memref<10000x128xf32, #tpu.memory_space<vmem_shared>> -> memref<40x128xf32, #tpu.memory_space<vmem_shared>>
        %dma_wait3A_500 = arith.constant 0 : i32
        %dma_wait3A_501 = tpu.memref_slice %arg16[%add3A_351, %dma_wait3A_500] : memref<10000x128xf32, #tpu.memory_space<vmem_shared>> -> memref<40x128xf32, #tpu.memory_space<vmem_shared>>
        tpu.wait_dma2 semaphore(%run_scoped3A : memref<!tpu.dma_semaphore, #tpu.memory_space<semaphore_mem>>) src(%dma_wait3A_501 : memref<40x128xf32, #tpu.memory_space<vmem_shared>>) dst(%arg14 : memref<40x128xf32, #tpu.memory_space<vmem>>)
        tpu.yield
      }) : () -> ()
      %eq3A = arith.constant 0 : i32
      %eq3A_485 = arith.cmpi eq, %arg0, %eq3A : i32
      %convert_element_type3A_486 = arith.extui %eq3A_485 : i1 to i32
      %cond3A_487 = arith.constant 0 : i32
      %cond3A_488 = arith.cmpi ne, %convert_element_type3A_486, %cond3A_487 : i32
      scf.if %cond3A_488 {
        "tpu.region"() ({
          %run_scoped3A = tpu.sem_alloc : memref<!tpu.dma_semaphore, #tpu.memory_space<semaphore_mem>>
          %dma_start3A_494 = arith.constant 0 : i32
          %dma_start3A_495 = tpu.memref_slice %arg6[%add3A_351, %dma_start3A_494] : memref<10000x128xf32, #tpu.memory_space<hbm>> -> memref<40x128xf32, #tpu.memory_space<hbm>>
          %dma_start3A_496 = arith.constant 0 : i32
          %dma_start3A_497 = tpu.memref_slice %arg6[%add3A_351, %dma_start3A_496] : memref<10000x128xf32, #tpu.memory_space<hbm>> -> memref<40x128xf32, #tpu.memory_space<hbm>>
          tpu.enqueue_dma source(%arg14 : memref<40x128xf32, #tpu.memory_space<vmem>>) target(%dma_start3A_497 : memref<40x128xf32, #tpu.memory_space<hbm>>) target_semaphore(%run_scoped3A : memref<!tpu.dma_semaphore, #tpu.memory_space<semaphore_mem>>)
          %dma_wait3A_498 = arith.constant 0 : i32
          %dma_wait3A_499 = tpu.memref_slice %arg6[%add3A_351, %dma_wait3A_498] : memref<10000x128xf32, #tpu.memory_space<hbm>> -> memref<40x128xf32, #tpu.memory_space<hbm>>
          %dma_wait3A_500 = arith.constant 0 : i32
          %dma_wait3A_501 = tpu.memref_slice %arg6[%add3A_351, %dma_wait3A_500] : memref<10000x128xf32, #tpu.memory_space<hbm>> -> memref<40x128xf32, #tpu.memory_space<hbm>>
          tpu.wait_dma2 semaphore(%run_scoped3A : memref<!tpu.dma_semaphore, #tpu.memory_space<semaphore_mem>>) src(%arg14 : memref<40x128xf32, #tpu.memory_space<vmem>>) dst(%dma_wait3A_501 : memref<40x128xf32, #tpu.memory_space<hbm>>)
          tpu.yield
        }) : () -> ()
      } else {
      }
      %eq3A_489 = arith.constant 1 : i32
      %eq3A_490 = arith.cmpi eq, %arg0, %eq3A_489 : i32
      %convert_element_type3A_491 = arith.extui %eq3A_490 : i1 to i32
      %cond3A_492 = arith.constant 0 : i32
      %cond3A_493 = arith.cmpi ne, %convert_element_type3A_491, %cond3A_492 : i32
      scf.if %cond3A_493 {
        "tpu.region"() ({
          %run_scoped3A = tpu.sem_alloc : memref<!tpu.dma_semaphore, #tpu.memory_space<semaphore_mem>>
          %dma_start3A_494 = arith.constant 0 : i32
          %dma_start3A_495 = tpu.memref_slice %arg7[%add3A_351, %dma_start3A_494] : memref<10000x128xf32, #tpu.memory_space<hbm>> -> memref<40x128xf32, #tpu.memory_space<hbm>>
          %dma_start3A_496 = arith.constant 0 : i32
          %dma_start3A_497 = tpu.memref_slice %arg7[%add3A_351, %dma_start3A_496] : memref<10000x128xf32, #tpu.memory_space<hbm>> -> memref<40x128xf32, #tpu.memory_space<hbm>>
          tpu.enqueue_dma source(%arg14 : memref<40x128xf32, #tpu.memory_space<vmem>>) target(%dma_start3A_497 : memref<40x128xf32, #tpu.memory_space<hbm>>) target_semaphore(%run_scoped3A : memref<!tpu.dma_semaphore, #tpu.memory_space<semaphore_mem>>)
          %dma_wait3A_498 = arith.constant 0 : i32
          %dma_wait3A_499 = tpu.memref_slice %arg7[%add3A_351, %dma_wait3A_498] : memref<10000x128xf32, #tpu.memory_space<hbm>> -> memref<40x128xf32, #tpu.memory_space<hbm>>
          %dma_wait3A_500 = arith.constant 0 : i32
          %dma_wait3A_501 = tpu.memref_slice %arg7[%add3A_351, %dma_wait3A_500] : memref<10000x128xf32, #tpu.memory_space<hbm>> -> memref<40x128xf32, #tpu.memory_space<hbm>>
          tpu.wait_dma2 semaphore(%run_scoped3A : memref<!tpu.dma_semaphore, #tpu.memory_space<semaphore_mem>>) src(%arg14 : memref<40x128xf32, #tpu.memory_space<vmem>>) dst(%dma_wait3A_501 : memref<40x128xf32, #tpu.memory_space<hbm>>)
          tpu.yield
        }) : () -> ()
      } else {
      }
    } else {
    }
    %add3A_359 = arith.constant 80 : i32
    %add3A_360 = arith.addi %mul3A_13, %add3A_359 : i32
    %add3A_361 = arith.constant 40 : i32
    %add3A_362 = arith.addi %add3A_360, %add3A_361 : i32
    %le3A_363 = arith.constant 10000 : i32
    %le3A_364 = arith.cmpi sle, %add3A_362, %le3A_363 : i32
    %convert_element_type3A_365 = arith.extui %le3A_364 : i1 to i32
    %cond3A_366 = arith.constant 0 : i32
    %cond3A_367 = arith.cmpi ne, %convert_element_type3A_365, %cond3A_366 : i32
    scf.if %cond3A_367 {
      "tpu.region"() ({
        %run_scoped3A = tpu.sem_alloc : memref<!tpu.dma_semaphore, #tpu.memory_space<semaphore_mem>>
        %dma_start3A_494 = arith.constant 0 : i32
        %dma_start3A_495 = tpu.memref_slice %arg16[%add3A_360, %dma_start3A_494] : memref<10000x128xf32, #tpu.memory_space<vmem_shared>> -> memref<40x128xf32, #tpu.memory_space<vmem_shared>>
        %dma_start3A_496 = arith.constant 0 : i32
        %dma_start3A_497 = tpu.memref_slice %arg16[%add3A_360, %dma_start3A_496] : memref<10000x128xf32, #tpu.memory_space<vmem_shared>> -> memref<40x128xf32, #tpu.memory_space<vmem_shared>>
        tpu.enqueue_dma source(%dma_start3A_497 : memref<40x128xf32, #tpu.memory_space<vmem_shared>>) target(%arg14 : memref<40x128xf32, #tpu.memory_space<vmem>>) target_semaphore(%run_scoped3A : memref<!tpu.dma_semaphore, #tpu.memory_space<semaphore_mem>>)
        %dma_wait3A_498 = arith.constant 0 : i32
        %dma_wait3A_499 = tpu.memref_slice %arg16[%add3A_360, %dma_wait3A_498] : memref<10000x128xf32, #tpu.memory_space<vmem_shared>> -> memref<40x128xf32, #tpu.memory_space<vmem_shared>>
        %dma_wait3A_500 = arith.constant 0 : i32
        %dma_wait3A_501 = tpu.memref_slice %arg16[%add3A_360, %dma_wait3A_500] : memref<10000x128xf32, #tpu.memory_space<vmem_shared>> -> memref<40x128xf32, #tpu.memory_space<vmem_shared>>
        tpu.wait_dma2 semaphore(%run_scoped3A : memref<!tpu.dma_semaphore, #tpu.memory_space<semaphore_mem>>) src(%dma_wait3A_501 : memref<40x128xf32, #tpu.memory_space<vmem_shared>>) dst(%arg14 : memref<40x128xf32, #tpu.memory_space<vmem>>)
        tpu.yield
      }) : () -> ()
      %eq3A = arith.constant 0 : i32
      %eq3A_485 = arith.cmpi eq, %arg0, %eq3A : i32
      %convert_element_type3A_486 = arith.extui %eq3A_485 : i1 to i32
      %cond3A_487 = arith.constant 0 : i32
      %cond3A_488 = arith.cmpi ne, %convert_element_type3A_486, %cond3A_487 : i32
      scf.if %cond3A_488 {
        "tpu.region"() ({
          %run_scoped3A = tpu.sem_alloc : memref<!tpu.dma_semaphore, #tpu.memory_space<semaphore_mem>>
          %dma_start3A_494 = arith.constant 0 : i32
          %dma_start3A_495 = tpu.memref_slice %arg6[%add3A_360, %dma_start3A_494] : memref<10000x128xf32, #tpu.memory_space<hbm>> -> memref<40x128xf32, #tpu.memory_space<hbm>>
          %dma_start3A_496 = arith.constant 0 : i32
          %dma_start3A_497 = tpu.memref_slice %arg6[%add3A_360, %dma_start3A_496] : memref<10000x128xf32, #tpu.memory_space<hbm>> -> memref<40x128xf32, #tpu.memory_space<hbm>>
          tpu.enqueue_dma source(%arg14 : memref<40x128xf32, #tpu.memory_space<vmem>>) target(%dma_start3A_497 : memref<40x128xf32, #tpu.memory_space<hbm>>) target_semaphore(%run_scoped3A : memref<!tpu.dma_semaphore, #tpu.memory_space<semaphore_mem>>)
          %dma_wait3A_498 = arith.constant 0 : i32
          %dma_wait3A_499 = tpu.memref_slice %arg6[%add3A_360, %dma_wait3A_498] : memref<10000x128xf32, #tpu.memory_space<hbm>> -> memref<40x128xf32, #tpu.memory_space<hbm>>
          %dma_wait3A_500 = arith.constant 0 : i32
          %dma_wait3A_501 = tpu.memref_slice %arg6[%add3A_360, %dma_wait3A_500] : memref<10000x128xf32, #tpu.memory_space<hbm>> -> memref<40x128xf32, #tpu.memory_space<hbm>>
          tpu.wait_dma2 semaphore(%run_scoped3A : memref<!tpu.dma_semaphore, #tpu.memory_space<semaphore_mem>>) src(%arg14 : memref<40x128xf32, #tpu.memory_space<vmem>>) dst(%dma_wait3A_501 : memref<40x128xf32, #tpu.memory_space<hbm>>)
          tpu.yield
        }) : () -> ()
      } else {
      }
      %eq3A_489 = arith.constant 1 : i32
      %eq3A_490 = arith.cmpi eq, %arg0, %eq3A_489 : i32
      %convert_element_type3A_491 = arith.extui %eq3A_490 : i1 to i32
      %cond3A_492 = arith.constant 0 : i32
      %cond3A_493 = arith.cmpi ne, %convert_element_type3A_491, %cond3A_492 : i32
      scf.if %cond3A_493 {
        "tpu.region"() ({
          %run_scoped3A = tpu.sem_alloc : memref<!tpu.dma_semaphore, #tpu.memory_space<semaphore_mem>>
          %dma_start3A_494 = arith.constant 0 : i32
          %dma_start3A_495 = tpu.memref_slice %arg7[%add3A_360, %dma_start3A_494] : memref<10000x128xf32, #tpu.memory_space<hbm>> -> memref<40x128xf32, #tpu.memory_space<hbm>>
          %dma_start3A_496 = arith.constant 0 : i32
          %dma_start3A_497 = tpu.memref_slice %arg7[%add3A_360, %dma_start3A_496] : memref<10000x128xf32, #tpu.memory_space<hbm>> -> memref<40x128xf32, #tpu.memory_space<hbm>>
          tpu.enqueue_dma source(%arg14 : memref<40x128xf32, #tpu.memory_space<vmem>>) target(%dma_start3A_497 : memref<40x128xf32, #tpu.memory_space<hbm>>) target_semaphore(%run_scoped3A : memref<!tpu.dma_semaphore, #tpu.memory_space<semaphore_mem>>)
          %dma_wait3A_498 = arith.constant 0 : i32
          %dma_wait3A_499 = tpu.memref_slice %arg7[%add3A_360, %dma_wait3A_498] : memref<10000x128xf32, #tpu.memory_space<hbm>> -> memref<40x128xf32, #tpu.memory_space<hbm>>
          %dma_wait3A_500 = arith.constant 0 : i32
          %dma_wait3A_501 = tpu.memref_slice %arg7[%add3A_360, %dma_wait3A_500] : memref<10000x128xf32, #tpu.memory_space<hbm>> -> memref<40x128xf32, #tpu.memory_space<hbm>>
          tpu.wait_dma2 semaphore(%run_scoped3A : memref<!tpu.dma_semaphore, #tpu.memory_space<semaphore_mem>>) src(%arg14 : memref<40x128xf32, #tpu.memory_space<vmem>>) dst(%dma_wait3A_501 : memref<40x128xf32, #tpu.memory_space<hbm>>)
          tpu.yield
        }) : () -> ()
      } else {
      }
    } else {
    }
    %add3A_368 = arith.constant 120 : i32
    %add3A_369 = arith.addi %mul3A_13, %add3A_368 : i32
    %add3A_370 = arith.constant 40 : i32
    %add3A_371 = arith.addi %add3A_369, %add3A_370 : i32
    %le3A_372 = arith.constant 10000 : i32
    %le3A_373 = arith.cmpi sle, %add3A_371, %le3A_372 : i32
    %convert_element_type3A_374 = arith.extui %le3A_373 : i1 to i32
    %cond3A_375 = arith.constant 0 : i32
    %cond3A_376 = arith.cmpi ne, %convert_element_type3A_374, %cond3A_375 : i32
    scf.if %cond3A_376 {
      "tpu.region"() ({
        %run_scoped3A = tpu.sem_alloc : memref<!tpu.dma_semaphore, #tpu.memory_space<semaphore_mem>>
        %dma_start3A_494 = arith.constant 0 : i32
        %dma_start3A_495 = tpu.memref_slice %arg16[%add3A_369, %dma_start3A_494] : memref<10000x128xf32, #tpu.memory_space<vmem_shared>> -> memref<40x128xf32, #tpu.memory_space<vmem_shared>>
        %dma_start3A_496 = arith.constant 0 : i32
        %dma_start3A_497 = tpu.memref_slice %arg16[%add3A_369, %dma_start3A_496] : memref<10000x128xf32, #tpu.memory_space<vmem_shared>> -> memref<40x128xf32, #tpu.memory_space<vmem_shared>>
        tpu.enqueue_dma source(%dma_start3A_497 : memref<40x128xf32, #tpu.memory_space<vmem_shared>>) target(%arg14 : memref<40x128xf32, #tpu.memory_space<vmem>>) target_semaphore(%run_scoped3A : memref<!tpu.dma_semaphore, #tpu.memory_space<semaphore_mem>>)
        %dma_wait3A_498 = arith.constant 0 : i32
        %dma_wait3A_499 = tpu.memref_slice %arg16[%add3A_369, %dma_wait3A_498] : memref<10000x128xf32, #tpu.memory_space<vmem_shared>> -> memref<40x128xf32, #tpu.memory_space<vmem_shared>>
        %dma_wait3A_500 = arith.constant 0 : i32
        %dma_wait3A_501 = tpu.memref_slice %arg16[%add3A_369, %dma_wait3A_500] : memref<10000x128xf32, #tpu.memory_space<vmem_shared>> -> memref<40x128xf32, #tpu.memory_space<vmem_shared>>
        tpu.wait_dma2 semaphore(%run_scoped3A : memref<!tpu.dma_semaphore, #tpu.memory_space<semaphore_mem>>) src(%dma_wait3A_501 : memref<40x128xf32, #tpu.memory_space<vmem_shared>>) dst(%arg14 : memref<40x128xf32, #tpu.memory_space<vmem>>)
        tpu.yield
      }) : () -> ()
      %eq3A = arith.constant 0 : i32
      %eq3A_485 = arith.cmpi eq, %arg0, %eq3A : i32
      %convert_element_type3A_486 = arith.extui %eq3A_485 : i1 to i32
      %cond3A_487 = arith.constant 0 : i32
      %cond3A_488 = arith.cmpi ne, %convert_element_type3A_486, %cond3A_487 : i32
      scf.if %cond3A_488 {
        "tpu.region"() ({
          %run_scoped3A = tpu.sem_alloc : memref<!tpu.dma_semaphore, #tpu.memory_space<semaphore_mem>>
          %dma_start3A_494 = arith.constant 0 : i32
          %dma_start3A_495 = tpu.memref_slice %arg6[%add3A_369, %dma_start3A_494] : memref<10000x128xf32, #tpu.memory_space<hbm>> -> memref<40x128xf32, #tpu.memory_space<hbm>>
          %dma_start3A_496 = arith.constant 0 : i32
          %dma_start3A_497 = tpu.memref_slice %arg6[%add3A_369, %dma_start3A_496] : memref<10000x128xf32, #tpu.memory_space<hbm>> -> memref<40x128xf32, #tpu.memory_space<hbm>>
          tpu.enqueue_dma source(%arg14 : memref<40x128xf32, #tpu.memory_space<vmem>>) target(%dma_start3A_497 : memref<40x128xf32, #tpu.memory_space<hbm>>) target_semaphore(%run_scoped3A : memref<!tpu.dma_semaphore, #tpu.memory_space<semaphore_mem>>)
          %dma_wait3A_498 = arith.constant 0 : i32
          %dma_wait3A_499 = tpu.memref_slice %arg6[%add3A_369, %dma_wait3A_498] : memref<10000x128xf32, #tpu.memory_space<hbm>> -> memref<40x128xf32, #tpu.memory_space<hbm>>
          %dma_wait3A_500 = arith.constant 0 : i32
          %dma_wait3A_501 = tpu.memref_slice %arg6[%add3A_369, %dma_wait3A_500] : memref<10000x128xf32, #tpu.memory_space<hbm>> -> memref<40x128xf32, #tpu.memory_space<hbm>>
          tpu.wait_dma2 semaphore(%run_scoped3A : memref<!tpu.dma_semaphore, #tpu.memory_space<semaphore_mem>>) src(%arg14 : memref<40x128xf32, #tpu.memory_space<vmem>>) dst(%dma_wait3A_501 : memref<40x128xf32, #tpu.memory_space<hbm>>)
          tpu.yield
        }) : () -> ()
      } else {
      }
      %eq3A_489 = arith.constant 1 : i32
      %eq3A_490 = arith.cmpi eq, %arg0, %eq3A_489 : i32
      %convert_element_type3A_491 = arith.extui %eq3A_490 : i1 to i32
      %cond3A_492 = arith.constant 0 : i32
      %cond3A_493 = arith.cmpi ne, %convert_element_type3A_491, %cond3A_492 : i32
      scf.if %cond3A_493 {
        "tpu.region"() ({
          %run_scoped3A = tpu.sem_alloc : memref<!tpu.dma_semaphore, #tpu.memory_space<semaphore_mem>>
          %dma_start3A_494 = arith.constant 0 : i32
          %dma_start3A_495 = tpu.memref_slice %arg7[%add3A_369, %dma_start3A_494] : memref<10000x128xf32, #tpu.memory_space<hbm>> -> memref<40x128xf32, #tpu.memory_space<hbm>>
          %dma_start3A_496 = arith.constant 0 : i32
          %dma_start3A_497 = tpu.memref_slice %arg7[%add3A_369, %dma_start3A_496] : memref<10000x128xf32, #tpu.memory_space<hbm>> -> memref<40x128xf32, #tpu.memory_space<hbm>>
          tpu.enqueue_dma source(%arg14 : memref<40x128xf32, #tpu.memory_space<vmem>>) target(%dma_start3A_497 : memref<40x128xf32, #tpu.memory_space<hbm>>) target_semaphore(%run_scoped3A : memref<!tpu.dma_semaphore, #tpu.memory_space<semaphore_mem>>)
          %dma_wait3A_498 = arith.constant 0 : i32
          %dma_wait3A_499 = tpu.memref_slice %arg7[%add3A_369, %dma_wait3A_498] : memref<10000x128xf32, #tpu.memory_space<hbm>> -> memref<40x128xf32, #tpu.memory_space<hbm>>
          %dma_wait3A_500 = arith.constant 0 : i32
          %dma_wait3A_501 = tpu.memref_slice %arg7[%add3A_369, %dma_wait3A_500] : memref<10000x128xf32, #tpu.memory_space<hbm>> -> memref<40x128xf32, #tpu.memory_space<hbm>>
          tpu.wait_dma2 semaphore(%run_scoped3A : memref<!tpu.dma_semaphore, #tpu.memory_space<semaphore_mem>>) src(%arg14 : memref<40x128xf32, #tpu.memory_space<vmem>>) dst(%dma_wait3A_501 : memref<40x128xf32, #tpu.memory_space<hbm>>)
          tpu.yield
        }) : () -> ()
      } else {
      }
    } else {
    }
    %add3A_377 = arith.constant 160 : i32
    %add3A_378 = arith.addi %mul3A_13, %add3A_377 : i32
    %add3A_379 = arith.constant 40 : i32
    %add3A_380 = arith.addi %add3A_378, %add3A_379 : i32
    %le3A_381 = arith.constant 10000 : i32
    %le3A_382 = arith.cmpi sle, %add3A_380, %le3A_381 : i32
    %convert_element_type3A_383 = arith.extui %le3A_382 : i1 to i32
    %cond3A_384 = arith.constant 0 : i32
    %cond3A_385 = arith.cmpi ne, %convert_element_type3A_383, %cond3A_384 : i32
    scf.if %cond3A_385 {
      "tpu.region"() ({
        %run_scoped3A = tpu.sem_alloc : memref<!tpu.dma_semaphore, #tpu.memory_space<semaphore_mem>>
        %dma_start3A_494 = arith.constant 0 : i32
        %dma_start3A_495 = tpu.memref_slice %arg16[%add3A_378, %dma_start3A_494] : memref<10000x128xf32, #tpu.memory_space<vmem_shared>> -> memref<40x128xf32, #tpu.memory_space<vmem_shared>>
        %dma_start3A_496 = arith.constant 0 : i32
        %dma_start3A_497 = tpu.memref_slice %arg16[%add3A_378, %dma_start3A_496] : memref<10000x128xf32, #tpu.memory_space<vmem_shared>> -> memref<40x128xf32, #tpu.memory_space<vmem_shared>>
        tpu.enqueue_dma source(%dma_start3A_497 : memref<40x128xf32, #tpu.memory_space<vmem_shared>>) target(%arg14 : memref<40x128xf32, #tpu.memory_space<vmem>>) target_semaphore(%run_scoped3A : memref<!tpu.dma_semaphore, #tpu.memory_space<semaphore_mem>>)
        %dma_wait3A_498 = arith.constant 0 : i32
        %dma_wait3A_499 = tpu.memref_slice %arg16[%add3A_378, %dma_wait3A_498] : memref<10000x128xf32, #tpu.memory_space<vmem_shared>> -> memref<40x128xf32, #tpu.memory_space<vmem_shared>>
        %dma_wait3A_500 = arith.constant 0 : i32
        %dma_wait3A_501 = tpu.memref_slice %arg16[%add3A_378, %dma_wait3A_500] : memref<10000x128xf32, #tpu.memory_space<vmem_shared>> -> memref<40x128xf32, #tpu.memory_space<vmem_shared>>
        tpu.wait_dma2 semaphore(%run_scoped3A : memref<!tpu.dma_semaphore, #tpu.memory_space<semaphore_mem>>) src(%dma_wait3A_501 : memref<40x128xf32, #tpu.memory_space<vmem_shared>>) dst(%arg14 : memref<40x128xf32, #tpu.memory_space<vmem>>)
        tpu.yield
      }) : () -> ()
      %eq3A = arith.constant 0 : i32
      %eq3A_485 = arith.cmpi eq, %arg0, %eq3A : i32
      %convert_element_type3A_486 = arith.extui %eq3A_485 : i1 to i32
      %cond3A_487 = arith.constant 0 : i32
      %cond3A_488 = arith.cmpi ne, %convert_element_type3A_486, %cond3A_487 : i32
      scf.if %cond3A_488 {
        "tpu.region"() ({
          %run_scoped3A = tpu.sem_alloc : memref<!tpu.dma_semaphore, #tpu.memory_space<semaphore_mem>>
          %dma_start3A_494 = arith.constant 0 : i32
          %dma_start3A_495 = tpu.memref_slice %arg6[%add3A_378, %dma_start3A_494] : memref<10000x128xf32, #tpu.memory_space<hbm>> -> memref<40x128xf32, #tpu.memory_space<hbm>>
          %dma_start3A_496 = arith.constant 0 : i32
          %dma_start3A_497 = tpu.memref_slice %arg6[%add3A_378, %dma_start3A_496] : memref<10000x128xf32, #tpu.memory_space<hbm>> -> memref<40x128xf32, #tpu.memory_space<hbm>>
          tpu.enqueue_dma source(%arg14 : memref<40x128xf32, #tpu.memory_space<vmem>>) target(%dma_start3A_497 : memref<40x128xf32, #tpu.memory_space<hbm>>) target_semaphore(%run_scoped3A : memref<!tpu.dma_semaphore, #tpu.memory_space<semaphore_mem>>)
          %dma_wait3A_498 = arith.constant 0 : i32
          %dma_wait3A_499 = tpu.memref_slice %arg6[%add3A_378, %dma_wait3A_498] : memref<10000x128xf32, #tpu.memory_space<hbm>> -> memref<40x128xf32, #tpu.memory_space<hbm>>
          %dma_wait3A_500 = arith.constant 0 : i32
          %dma_wait3A_501 = tpu.memref_slice %arg6[%add3A_378, %dma_wait3A_500] : memref<10000x128xf32, #tpu.memory_space<hbm>> -> memref<40x128xf32, #tpu.memory_space<hbm>>
          tpu.wait_dma2 semaphore(%run_scoped3A : memref<!tpu.dma_semaphore, #tpu.memory_space<semaphore_mem>>) src(%arg14 : memref<40x128xf32, #tpu.memory_space<vmem>>) dst(%dma_wait3A_501 : memref<40x128xf32, #tpu.memory_space<hbm>>)
          tpu.yield
        }) : () -> ()
      } else {
      }
      %eq3A_489 = arith.constant 1 : i32
      %eq3A_490 = arith.cmpi eq, %arg0, %eq3A_489 : i32
      %convert_element_type3A_491 = arith.extui %eq3A_490 : i1 to i32
      %cond3A_492 = arith.constant 0 : i32
      %cond3A_493 = arith.cmpi ne, %convert_element_type3A_491, %cond3A_492 : i32
      scf.if %cond3A_493 {
        "tpu.region"() ({
          %run_scoped3A = tpu.sem_alloc : memref<!tpu.dma_semaphore, #tpu.memory_space<semaphore_mem>>
          %dma_start3A_494 = arith.constant 0 : i32
          %dma_start3A_495 = tpu.memref_slice %arg7[%add3A_378, %dma_start3A_494] : memref<10000x128xf32, #tpu.memory_space<hbm>> -> memref<40x128xf32, #tpu.memory_space<hbm>>
          %dma_start3A_496 = arith.constant 0 : i32
          %dma_start3A_497 = tpu.memref_slice %arg7[%add3A_378, %dma_start3A_496] : memref<10000x128xf32, #tpu.memory_space<hbm>> -> memref<40x128xf32, #tpu.memory_space<hbm>>
          tpu.enqueue_dma source(%arg14 : memref<40x128xf32, #tpu.memory_space<vmem>>) target(%dma_start3A_497 : memref<40x128xf32, #tpu.memory_space<hbm>>) target_semaphore(%run_scoped3A : memref<!tpu.dma_semaphore, #tpu.memory_space<semaphore_mem>>)
          %dma_wait3A_498 = arith.constant 0 : i32
          %dma_wait3A_499 = tpu.memref_slice %arg7[%add3A_378, %dma_wait3A_498] : memref<10000x128xf32, #tpu.memory_space<hbm>> -> memref<40x128xf32, #tpu.memory_space<hbm>>
          %dma_wait3A_500 = arith.constant 0 : i32
          %dma_wait3A_501 = tpu.memref_slice %arg7[%add3A_378, %dma_wait3A_500] : memref<10000x128xf32, #tpu.memory_space<hbm>> -> memref<40x128xf32, #tpu.memory_space<hbm>>
          tpu.wait_dma2 semaphore(%run_scoped3A : memref<!tpu.dma_semaphore, #tpu.memory_space<semaphore_mem>>) src(%arg14 : memref<40x128xf32, #tpu.memory_space<vmem>>) dst(%dma_wait3A_501 : memref<40x128xf32, #tpu.memory_space<hbm>>)
          tpu.yield
        }) : () -> ()
      } else {
      }
    } else {
    }
    %add3A_386 = arith.constant 200 : i32
    %add3A_387 = arith.addi %mul3A_13, %add3A_386 : i32
    %add3A_388 = arith.constant 40 : i32
    %add3A_389 = arith.addi %add3A_387, %add3A_388 : i32
    %le3A_390 = arith.constant 10000 : i32
    %le3A_391 = arith.cmpi sle, %add3A_389, %le3A_390 : i32
    %convert_element_type3A_392 = arith.extui %le3A_391 : i1 to i32
    %cond3A_393 = arith.constant 0 : i32
    %cond3A_394 = arith.cmpi ne, %convert_element_type3A_392, %cond3A_393 : i32
    scf.if %cond3A_394 {
      "tpu.region"() ({
        %run_scoped3A = tpu.sem_alloc : memref<!tpu.dma_semaphore, #tpu.memory_space<semaphore_mem>>
        %dma_start3A_494 = arith.constant 0 : i32
        %dma_start3A_495 = tpu.memref_slice %arg16[%add3A_387, %dma_start3A_494] : memref<10000x128xf32, #tpu.memory_space<vmem_shared>> -> memref<40x128xf32, #tpu.memory_space<vmem_shared>>
        %dma_start3A_496 = arith.constant 0 : i32
        %dma_start3A_497 = tpu.memref_slice %arg16[%add3A_387, %dma_start3A_496] : memref<10000x128xf32, #tpu.memory_space<vmem_shared>> -> memref<40x128xf32, #tpu.memory_space<vmem_shared>>
        tpu.enqueue_dma source(%dma_start3A_497 : memref<40x128xf32, #tpu.memory_space<vmem_shared>>) target(%arg14 : memref<40x128xf32, #tpu.memory_space<vmem>>) target_semaphore(%run_scoped3A : memref<!tpu.dma_semaphore, #tpu.memory_space<semaphore_mem>>)
        %dma_wait3A_498 = arith.constant 0 : i32
        %dma_wait3A_499 = tpu.memref_slice %arg16[%add3A_387, %dma_wait3A_498] : memref<10000x128xf32, #tpu.memory_space<vmem_shared>> -> memref<40x128xf32, #tpu.memory_space<vmem_shared>>
        %dma_wait3A_500 = arith.constant 0 : i32
        %dma_wait3A_501 = tpu.memref_slice %arg16[%add3A_387, %dma_wait3A_500] : memref<10000x128xf32, #tpu.memory_space<vmem_shared>> -> memref<40x128xf32, #tpu.memory_space<vmem_shared>>
        tpu.wait_dma2 semaphore(%run_scoped3A : memref<!tpu.dma_semaphore, #tpu.memory_space<semaphore_mem>>) src(%dma_wait3A_501 : memref<40x128xf32, #tpu.memory_space<vmem_shared>>) dst(%arg14 : memref<40x128xf32, #tpu.memory_space<vmem>>)
        tpu.yield
      }) : () -> ()
      %eq3A = arith.constant 0 : i32
      %eq3A_485 = arith.cmpi eq, %arg0, %eq3A : i32
      %convert_element_type3A_486 = arith.extui %eq3A_485 : i1 to i32
      %cond3A_487 = arith.constant 0 : i32
      %cond3A_488 = arith.cmpi ne, %convert_element_type3A_486, %cond3A_487 : i32
      scf.if %cond3A_488 {
        "tpu.region"() ({
          %run_scoped3A = tpu.sem_alloc : memref<!tpu.dma_semaphore, #tpu.memory_space<semaphore_mem>>
          %dma_start3A_494 = arith.constant 0 : i32
          %dma_start3A_495 = tpu.memref_slice %arg6[%add3A_387, %dma_start3A_494] : memref<10000x128xf32, #tpu.memory_space<hbm>> -> memref<40x128xf32, #tpu.memory_space<hbm>>
          %dma_start3A_496 = arith.constant 0 : i32
          %dma_start3A_497 = tpu.memref_slice %arg6[%add3A_387, %dma_start3A_496] : memref<10000x128xf32, #tpu.memory_space<hbm>> -> memref<40x128xf32, #tpu.memory_space<hbm>>
          tpu.enqueue_dma source(%arg14 : memref<40x128xf32, #tpu.memory_space<vmem>>) target(%dma_start3A_497 : memref<40x128xf32, #tpu.memory_space<hbm>>) target_semaphore(%run_scoped3A : memref<!tpu.dma_semaphore, #tpu.memory_space<semaphore_mem>>)
          %dma_wait3A_498 = arith.constant 0 : i32
          %dma_wait3A_499 = tpu.memref_slice %arg6[%add3A_387, %dma_wait3A_498] : memref<10000x128xf32, #tpu.memory_space<hbm>> -> memref<40x128xf32, #tpu.memory_space<hbm>>
          %dma_wait3A_500 = arith.constant 0 : i32
          %dma_wait3A_501 = tpu.memref_slice %arg6[%add3A_387, %dma_wait3A_500] : memref<10000x128xf32, #tpu.memory_space<hbm>> -> memref<40x128xf32, #tpu.memory_space<hbm>>
          tpu.wait_dma2 semaphore(%run_scoped3A : memref<!tpu.dma_semaphore, #tpu.memory_space<semaphore_mem>>) src(%arg14 : memref<40x128xf32, #tpu.memory_space<vmem>>) dst(%dma_wait3A_501 : memref<40x128xf32, #tpu.memory_space<hbm>>)
          tpu.yield
        }) : () -> ()
      } else {
      }
      %eq3A_489 = arith.constant 1 : i32
      %eq3A_490 = arith.cmpi eq, %arg0, %eq3A_489 : i32
      %convert_element_type3A_491 = arith.extui %eq3A_490 : i1 to i32
      %cond3A_492 = arith.constant 0 : i32
      %cond3A_493 = arith.cmpi ne, %convert_element_type3A_491, %cond3A_492 : i32
      scf.if %cond3A_493 {
        "tpu.region"() ({
          %run_scoped3A = tpu.sem_alloc : memref<!tpu.dma_semaphore, #tpu.memory_space<semaphore_mem>>
          %dma_start3A_494 = arith.constant 0 : i32
          %dma_start3A_495 = tpu.memref_slice %arg7[%add3A_387, %dma_start3A_494] : memref<10000x128xf32, #tpu.memory_space<hbm>> -> memref<40x128xf32, #tpu.memory_space<hbm>>
          %dma_start3A_496 = arith.constant 0 : i32
          %dma_start3A_497 = tpu.memref_slice %arg7[%add3A_387, %dma_start3A_496] : memref<10000x128xf32, #tpu.memory_space<hbm>> -> memref<40x128xf32, #tpu.memory_space<hbm>>
          tpu.enqueue_dma source(%arg14 : memref<40x128xf32, #tpu.memory_space<vmem>>) target(%dma_start3A_497 : memref<40x128xf32, #tpu.memory_space<hbm>>) target_semaphore(%run_scoped3A : memref<!tpu.dma_semaphore, #tpu.memory_space<semaphore_mem>>)
          %dma_wait3A_498 = arith.constant 0 : i32
          %dma_wait3A_499 = tpu.memref_slice %arg7[%add3A_387, %dma_wait3A_498] : memref<10000x128xf32, #tpu.memory_space<hbm>> -> memref<40x128xf32, #tpu.memory_space<hbm>>
          %dma_wait3A_500 = arith.constant 0 : i32
          %dma_wait3A_501 = tpu.memref_slice %arg7[%add3A_387, %dma_wait3A_500] : memref<10000x128xf32, #tpu.memory_space<hbm>> -> memref<40x128xf32, #tpu.memory_space<hbm>>
          tpu.wait_dma2 semaphore(%run_scoped3A : memref<!tpu.dma_semaphore, #tpu.memory_space<semaphore_mem>>) src(%arg14 : memref<40x128xf32, #tpu.memory_space<vmem>>) dst(%dma_wait3A_501 : memref<40x128xf32, #tpu.memory_space<hbm>>)
          tpu.yield
        }) : () -> ()
      } else {
      }
    } else {
    }
    %add3A_395 = arith.constant 240 : i32
    %add3A_396 = arith.addi %mul3A_13, %add3A_395 : i32
    %add3A_397 = arith.constant 40 : i32
    %add3A_398 = arith.addi %add3A_396, %add3A_397 : i32
    %le3A_399 = arith.constant 10000 : i32
    %le3A_400 = arith.cmpi sle, %add3A_398, %le3A_399 : i32
    %convert_element_type3A_401 = arith.extui %le3A_400 : i1 to i32
    %cond3A_402 = arith.constant 0 : i32
    %cond3A_403 = arith.cmpi ne, %convert_element_type3A_401, %cond3A_402 : i32
    scf.if %cond3A_403 {
      "tpu.region"() ({
        %run_scoped3A = tpu.sem_alloc : memref<!tpu.dma_semaphore, #tpu.memory_space<semaphore_mem>>
        %dma_start3A_494 = arith.constant 0 : i32
        %dma_start3A_495 = tpu.memref_slice %arg16[%add3A_396, %dma_start3A_494] : memref<10000x128xf32, #tpu.memory_space<vmem_shared>> -> memref<40x128xf32, #tpu.memory_space<vmem_shared>>
        %dma_start3A_496 = arith.constant 0 : i32
        %dma_start3A_497 = tpu.memref_slice %arg16[%add3A_396, %dma_start3A_496] : memref<10000x128xf32, #tpu.memory_space<vmem_shared>> -> memref<40x128xf32, #tpu.memory_space<vmem_shared>>
        tpu.enqueue_dma source(%dma_start3A_497 : memref<40x128xf32, #tpu.memory_space<vmem_shared>>) target(%arg14 : memref<40x128xf32, #tpu.memory_space<vmem>>) target_semaphore(%run_scoped3A : memref<!tpu.dma_semaphore, #tpu.memory_space<semaphore_mem>>)
        %dma_wait3A_498 = arith.constant 0 : i32
        %dma_wait3A_499 = tpu.memref_slice %arg16[%add3A_396, %dma_wait3A_498] : memref<10000x128xf32, #tpu.memory_space<vmem_shared>> -> memref<40x128xf32, #tpu.memory_space<vmem_shared>>
        %dma_wait3A_500 = arith.constant 0 : i32
        %dma_wait3A_501 = tpu.memref_slice %arg16[%add3A_396, %dma_wait3A_500] : memref<10000x128xf32, #tpu.memory_space<vmem_shared>> -> memref<40x128xf32, #tpu.memory_space<vmem_shared>>
        tpu.wait_dma2 semaphore(%run_scoped3A : memref<!tpu.dma_semaphore, #tpu.memory_space<semaphore_mem>>) src(%dma_wait3A_501 : memref<40x128xf32, #tpu.memory_space<vmem_shared>>) dst(%arg14 : memref<40x128xf32, #tpu.memory_space<vmem>>)
        tpu.yield
      }) : () -> ()
      %eq3A = arith.constant 0 : i32
      %eq3A_485 = arith.cmpi eq, %arg0, %eq3A : i32
      %convert_element_type3A_486 = arith.extui %eq3A_485 : i1 to i32
      %cond3A_487 = arith.constant 0 : i32
      %cond3A_488 = arith.cmpi ne, %convert_element_type3A_486, %cond3A_487 : i32
      scf.if %cond3A_488 {
        "tpu.region"() ({
          %run_scoped3A = tpu.sem_alloc : memref<!tpu.dma_semaphore, #tpu.memory_space<semaphore_mem>>
          %dma_start3A_494 = arith.constant 0 : i32
          %dma_start3A_495 = tpu.memref_slice %arg6[%add3A_396, %dma_start3A_494] : memref<10000x128xf32, #tpu.memory_space<hbm>> -> memref<40x128xf32, #tpu.memory_space<hbm>>
          %dma_start3A_496 = arith.constant 0 : i32
          %dma_start3A_497 = tpu.memref_slice %arg6[%add3A_396, %dma_start3A_496] : memref<10000x128xf32, #tpu.memory_space<hbm>> -> memref<40x128xf32, #tpu.memory_space<hbm>>
          tpu.enqueue_dma source(%arg14 : memref<40x128xf32, #tpu.memory_space<vmem>>) target(%dma_start3A_497 : memref<40x128xf32, #tpu.memory_space<hbm>>) target_semaphore(%run_scoped3A : memref<!tpu.dma_semaphore, #tpu.memory_space<semaphore_mem>>)
          %dma_wait3A_498 = arith.constant 0 : i32
          %dma_wait3A_499 = tpu.memref_slice %arg6[%add3A_396, %dma_wait3A_498] : memref<10000x128xf32, #tpu.memory_space<hbm>> -> memref<40x128xf32, #tpu.memory_space<hbm>>
          %dma_wait3A_500 = arith.constant 0 : i32
          %dma_wait3A_501 = tpu.memref_slice %arg6[%add3A_396, %dma_wait3A_500] : memref<10000x128xf32, #tpu.memory_space<hbm>> -> memref<40x128xf32, #tpu.memory_space<hbm>>
          tpu.wait_dma2 semaphore(%run_scoped3A : memref<!tpu.dma_semaphore, #tpu.memory_space<semaphore_mem>>) src(%arg14 : memref<40x128xf32, #tpu.memory_space<vmem>>) dst(%dma_wait3A_501 : memref<40x128xf32, #tpu.memory_space<hbm>>)
          tpu.yield
        }) : () -> ()
      } else {
      }
      %eq3A_489 = arith.constant 1 : i32
      %eq3A_490 = arith.cmpi eq, %arg0, %eq3A_489 : i32
      %convert_element_type3A_491 = arith.extui %eq3A_490 : i1 to i32
      %cond3A_492 = arith.constant 0 : i32
      %cond3A_493 = arith.cmpi ne, %convert_element_type3A_491, %cond3A_492 : i32
      scf.if %cond3A_493 {
        "tpu.region"() ({
          %run_scoped3A = tpu.sem_alloc : memref<!tpu.dma_semaphore, #tpu.memory_space<semaphore_mem>>
          %dma_start3A_494 = arith.constant 0 : i32
          %dma_start3A_495 = tpu.memref_slice %arg7[%add3A_396, %dma_start3A_494] : memref<10000x128xf32, #tpu.memory_space<hbm>> -> memref<40x128xf32, #tpu.memory_space<hbm>>
          %dma_start3A_496 = arith.constant 0 : i32
          %dma_start3A_497 = tpu.memref_slice %arg7[%add3A_396, %dma_start3A_496] : memref<10000x128xf32, #tpu.memory_space<hbm>> -> memref<40x128xf32, #tpu.memory_space<hbm>>
          tpu.enqueue_dma source(%arg14 : memref<40x128xf32, #tpu.memory_space<vmem>>) target(%dma_start3A_497 : memref<40x128xf32, #tpu.memory_space<hbm>>) target_semaphore(%run_scoped3A : memref<!tpu.dma_semaphore, #tpu.memory_space<semaphore_mem>>)
          %dma_wait3A_498 = arith.constant 0 : i32
          %dma_wait3A_499 = tpu.memref_slice %arg7[%add3A_396, %dma_wait3A_498] : memref<10000x128xf32, #tpu.memory_space<hbm>> -> memref<40x128xf32, #tpu.memory_space<hbm>>
          %dma_wait3A_500 = arith.constant 0 : i32
          %dma_wait3A_501 = tpu.memref_slice %arg7[%add3A_396, %dma_wait3A_500] : memref<10000x128xf32, #tpu.memory_space<hbm>> -> memref<40x128xf32, #tpu.memory_space<hbm>>
          tpu.wait_dma2 semaphore(%run_scoped3A : memref<!tpu.dma_semaphore, #tpu.memory_space<semaphore_mem>>) src(%arg14 : memref<40x128xf32, #tpu.memory_space<vmem>>) dst(%dma_wait3A_501 : memref<40x128xf32, #tpu.memory_space<hbm>>)
          tpu.yield
        }) : () -> ()
      } else {
      }
    } else {
    }
    %add3A_404 = arith.constant 280 : i32
    %add3A_405 = arith.addi %mul3A_13, %add3A_404 : i32
    %add3A_406 = arith.constant 40 : i32
    %add3A_407 = arith.addi %add3A_405, %add3A_406 : i32
    %le3A_408 = arith.constant 10000 : i32
    %le3A_409 = arith.cmpi sle, %add3A_407, %le3A_408 : i32
    %convert_element_type3A_410 = arith.extui %le3A_409 : i1 to i32
    %cond3A_411 = arith.constant 0 : i32
    %cond3A_412 = arith.cmpi ne, %convert_element_type3A_410, %cond3A_411 : i32
    scf.if %cond3A_412 {
      "tpu.region"() ({
        %run_scoped3A = tpu.sem_alloc : memref<!tpu.dma_semaphore, #tpu.memory_space<semaphore_mem>>
        %dma_start3A_494 = arith.constant 0 : i32
        %dma_start3A_495 = tpu.memref_slice %arg16[%add3A_405, %dma_start3A_494] : memref<10000x128xf32, #tpu.memory_space<vmem_shared>> -> memref<40x128xf32, #tpu.memory_space<vmem_shared>>
        %dma_start3A_496 = arith.constant 0 : i32
        %dma_start3A_497 = tpu.memref_slice %arg16[%add3A_405, %dma_start3A_496] : memref<10000x128xf32, #tpu.memory_space<vmem_shared>> -> memref<40x128xf32, #tpu.memory_space<vmem_shared>>
        tpu.enqueue_dma source(%dma_start3A_497 : memref<40x128xf32, #tpu.memory_space<vmem_shared>>) target(%arg14 : memref<40x128xf32, #tpu.memory_space<vmem>>) target_semaphore(%run_scoped3A : memref<!tpu.dma_semaphore, #tpu.memory_space<semaphore_mem>>)
        %dma_wait3A_498 = arith.constant 0 : i32
        %dma_wait3A_499 = tpu.memref_slice %arg16[%add3A_405, %dma_wait3A_498] : memref<10000x128xf32, #tpu.memory_space<vmem_shared>> -> memref<40x128xf32, #tpu.memory_space<vmem_shared>>
        %dma_wait3A_500 = arith.constant 0 : i32
        %dma_wait3A_501 = tpu.memref_slice %arg16[%add3A_405, %dma_wait3A_500] : memref<10000x128xf32, #tpu.memory_space<vmem_shared>> -> memref<40x128xf32, #tpu.memory_space<vmem_shared>>
        tpu.wait_dma2 semaphore(%run_scoped3A : memref<!tpu.dma_semaphore, #tpu.memory_space<semaphore_mem>>) src(%dma_wait3A_501 : memref<40x128xf32, #tpu.memory_space<vmem_shared>>) dst(%arg14 : memref<40x128xf32, #tpu.memory_space<vmem>>)
        tpu.yield
      }) : () -> ()
      %eq3A = arith.constant 0 : i32
      %eq3A_485 = arith.cmpi eq, %arg0, %eq3A : i32
      %convert_element_type3A_486 = arith.extui %eq3A_485 : i1 to i32
      %cond3A_487 = arith.constant 0 : i32
      %cond3A_488 = arith.cmpi ne, %convert_element_type3A_486, %cond3A_487 : i32
      scf.if %cond3A_488 {
        "tpu.region"() ({
          %run_scoped3A = tpu.sem_alloc : memref<!tpu.dma_semaphore, #tpu.memory_space<semaphore_mem>>
          %dma_start3A_494 = arith.constant 0 : i32
          %dma_start3A_495 = tpu.memref_slice %arg6[%add3A_405, %dma_start3A_494] : memref<10000x128xf32, #tpu.memory_space<hbm>> -> memref<40x128xf32, #tpu.memory_space<hbm>>
          %dma_start3A_496 = arith.constant 0 : i32
          %dma_start3A_497 = tpu.memref_slice %arg6[%add3A_405, %dma_start3A_496] : memref<10000x128xf32, #tpu.memory_space<hbm>> -> memref<40x128xf32, #tpu.memory_space<hbm>>
          tpu.enqueue_dma source(%arg14 : memref<40x128xf32, #tpu.memory_space<vmem>>) target(%dma_start3A_497 : memref<40x128xf32, #tpu.memory_space<hbm>>) target_semaphore(%run_scoped3A : memref<!tpu.dma_semaphore, #tpu.memory_space<semaphore_mem>>)
          %dma_wait3A_498 = arith.constant 0 : i32
          %dma_wait3A_499 = tpu.memref_slice %arg6[%add3A_405, %dma_wait3A_498] : memref<10000x128xf32, #tpu.memory_space<hbm>> -> memref<40x128xf32, #tpu.memory_space<hbm>>
          %dma_wait3A_500 = arith.constant 0 : i32
          %dma_wait3A_501 = tpu.memref_slice %arg6[%add3A_405, %dma_wait3A_500] : memref<10000x128xf32, #tpu.memory_space<hbm>> -> memref<40x128xf32, #tpu.memory_space<hbm>>
          tpu.wait_dma2 semaphore(%run_scoped3A : memref<!tpu.dma_semaphore, #tpu.memory_space<semaphore_mem>>) src(%arg14 : memref<40x128xf32, #tpu.memory_space<vmem>>) dst(%dma_wait3A_501 : memref<40x128xf32, #tpu.memory_space<hbm>>)
          tpu.yield
        }) : () -> ()
      } else {
      }
      %eq3A_489 = arith.constant 1 : i32
      %eq3A_490 = arith.cmpi eq, %arg0, %eq3A_489 : i32
      %convert_element_type3A_491 = arith.extui %eq3A_490 : i1 to i32
      %cond3A_492 = arith.constant 0 : i32
      %cond3A_493 = arith.cmpi ne, %convert_element_type3A_491, %cond3A_492 : i32
      scf.if %cond3A_493 {
        "tpu.region"() ({
          %run_scoped3A = tpu.sem_alloc : memref<!tpu.dma_semaphore, #tpu.memory_space<semaphore_mem>>
          %dma_start3A_494 = arith.constant 0 : i32
          %dma_start3A_495 = tpu.memref_slice %arg7[%add3A_405, %dma_start3A_494] : memref<10000x128xf32, #tpu.memory_space<hbm>> -> memref<40x128xf32, #tpu.memory_space<hbm>>
          %dma_start3A_496 = arith.constant 0 : i32
          %dma_start3A_497 = tpu.memref_slice %arg7[%add3A_405, %dma_start3A_496] : memref<10000x128xf32, #tpu.memory_space<hbm>> -> memref<40x128xf32, #tpu.memory_space<hbm>>
          tpu.enqueue_dma source(%arg14 : memref<40x128xf32, #tpu.memory_space<vmem>>) target(%dma_start3A_497 : memref<40x128xf32, #tpu.memory_space<hbm>>) target_semaphore(%run_scoped3A : memref<!tpu.dma_semaphore, #tpu.memory_space<semaphore_mem>>)
          %dma_wait3A_498 = arith.constant 0 : i32
          %dma_wait3A_499 = tpu.memref_slice %arg7[%add3A_405, %dma_wait3A_498] : memref<10000x128xf32, #tpu.memory_space<hbm>> -> memref<40x128xf32, #tpu.memory_space<hbm>>
          %dma_wait3A_500 = arith.constant 0 : i32
          %dma_wait3A_501 = tpu.memref_slice %arg7[%add3A_405, %dma_wait3A_500] : memref<10000x128xf32, #tpu.memory_space<hbm>> -> memref<40x128xf32, #tpu.memory_space<hbm>>
          tpu.wait_dma2 semaphore(%run_scoped3A : memref<!tpu.dma_semaphore, #tpu.memory_space<semaphore_mem>>) src(%arg14 : memref<40x128xf32, #tpu.memory_space<vmem>>) dst(%dma_wait3A_501 : memref<40x128xf32, #tpu.memory_space<hbm>>)
          tpu.yield
        }) : () -> ()
      } else {
      }
    } else {
    }
    %add3A_413 = arith.constant 320 : i32
    %add3A_414 = arith.addi %mul3A_13, %add3A_413 : i32
    %add3A_415 = arith.constant 40 : i32
    %add3A_416 = arith.addi %add3A_414, %add3A_415 : i32
    %le3A_417 = arith.constant 10000 : i32
    %le3A_418 = arith.cmpi sle, %add3A_416, %le3A_417 : i32
    %convert_element_type3A_419 = arith.extui %le3A_418 : i1 to i32
    %cond3A_420 = arith.constant 0 : i32
    %cond3A_421 = arith.cmpi ne, %convert_element_type3A_419, %cond3A_420 : i32
    scf.if %cond3A_421 {
      "tpu.region"() ({
        %run_scoped3A = tpu.sem_alloc : memref<!tpu.dma_semaphore, #tpu.memory_space<semaphore_mem>>
        %dma_start3A_494 = arith.constant 0 : i32
        %dma_start3A_495 = tpu.memref_slice %arg16[%add3A_414, %dma_start3A_494] : memref<10000x128xf32, #tpu.memory_space<vmem_shared>> -> memref<40x128xf32, #tpu.memory_space<vmem_shared>>
        %dma_start3A_496 = arith.constant 0 : i32
        %dma_start3A_497 = tpu.memref_slice %arg16[%add3A_414, %dma_start3A_496] : memref<10000x128xf32, #tpu.memory_space<vmem_shared>> -> memref<40x128xf32, #tpu.memory_space<vmem_shared>>
        tpu.enqueue_dma source(%dma_start3A_497 : memref<40x128xf32, #tpu.memory_space<vmem_shared>>) target(%arg14 : memref<40x128xf32, #tpu.memory_space<vmem>>) target_semaphore(%run_scoped3A : memref<!tpu.dma_semaphore, #tpu.memory_space<semaphore_mem>>)
        %dma_wait3A_498 = arith.constant 0 : i32
        %dma_wait3A_499 = tpu.memref_slice %arg16[%add3A_414, %dma_wait3A_498] : memref<10000x128xf32, #tpu.memory_space<vmem_shared>> -> memref<40x128xf32, #tpu.memory_space<vmem_shared>>
        %dma_wait3A_500 = arith.constant 0 : i32
        %dma_wait3A_501 = tpu.memref_slice %arg16[%add3A_414, %dma_wait3A_500] : memref<10000x128xf32, #tpu.memory_space<vmem_shared>> -> memref<40x128xf32, #tpu.memory_space<vmem_shared>>
        tpu.wait_dma2 semaphore(%run_scoped3A : memref<!tpu.dma_semaphore, #tpu.memory_space<semaphore_mem>>) src(%dma_wait3A_501 : memref<40x128xf32, #tpu.memory_space<vmem_shared>>) dst(%arg14 : memref<40x128xf32, #tpu.memory_space<vmem>>)
        tpu.yield
      }) : () -> ()
      %eq3A = arith.constant 0 : i32
      %eq3A_485 = arith.cmpi eq, %arg0, %eq3A : i32
      %convert_element_type3A_486 = arith.extui %eq3A_485 : i1 to i32
      %cond3A_487 = arith.constant 0 : i32
      %cond3A_488 = arith.cmpi ne, %convert_element_type3A_486, %cond3A_487 : i32
      scf.if %cond3A_488 {
        "tpu.region"() ({
          %run_scoped3A = tpu.sem_alloc : memref<!tpu.dma_semaphore, #tpu.memory_space<semaphore_mem>>
          %dma_start3A_494 = arith.constant 0 : i32
          %dma_start3A_495 = tpu.memref_slice %arg6[%add3A_414, %dma_start3A_494] : memref<10000x128xf32, #tpu.memory_space<hbm>> -> memref<40x128xf32, #tpu.memory_space<hbm>>
          %dma_start3A_496 = arith.constant 0 : i32
          %dma_start3A_497 = tpu.memref_slice %arg6[%add3A_414, %dma_start3A_496] : memref<10000x128xf32, #tpu.memory_space<hbm>> -> memref<40x128xf32, #tpu.memory_space<hbm>>
          tpu.enqueue_dma source(%arg14 : memref<40x128xf32, #tpu.memory_space<vmem>>) target(%dma_start3A_497 : memref<40x128xf32, #tpu.memory_space<hbm>>) target_semaphore(%run_scoped3A : memref<!tpu.dma_semaphore, #tpu.memory_space<semaphore_mem>>)
          %dma_wait3A_498 = arith.constant 0 : i32
          %dma_wait3A_499 = tpu.memref_slice %arg6[%add3A_414, %dma_wait3A_498] : memref<10000x128xf32, #tpu.memory_space<hbm>> -> memref<40x128xf32, #tpu.memory_space<hbm>>
          %dma_wait3A_500 = arith.constant 0 : i32
          %dma_wait3A_501 = tpu.memref_slice %arg6[%add3A_414, %dma_wait3A_500] : memref<10000x128xf32, #tpu.memory_space<hbm>> -> memref<40x128xf32, #tpu.memory_space<hbm>>
          tpu.wait_dma2 semaphore(%run_scoped3A : memref<!tpu.dma_semaphore, #tpu.memory_space<semaphore_mem>>) src(%arg14 : memref<40x128xf32, #tpu.memory_space<vmem>>) dst(%dma_wait3A_501 : memref<40x128xf32, #tpu.memory_space<hbm>>)
          tpu.yield
        }) : () -> ()
      } else {
      }
      %eq3A_489 = arith.constant 1 : i32
      %eq3A_490 = arith.cmpi eq, %arg0, %eq3A_489 : i32
      %convert_element_type3A_491 = arith.extui %eq3A_490 : i1 to i32
      %cond3A_492 = arith.constant 0 : i32
      %cond3A_493 = arith.cmpi ne, %convert_element_type3A_491, %cond3A_492 : i32
      scf.if %cond3A_493 {
        "tpu.region"() ({
          %run_scoped3A = tpu.sem_alloc : memref<!tpu.dma_semaphore, #tpu.memory_space<semaphore_mem>>
          %dma_start3A_494 = arith.constant 0 : i32
          %dma_start3A_495 = tpu.memref_slice %arg7[%add3A_414, %dma_start3A_494] : memref<10000x128xf32, #tpu.memory_space<hbm>> -> memref<40x128xf32, #tpu.memory_space<hbm>>
          %dma_start3A_496 = arith.constant 0 : i32
          %dma_start3A_497 = tpu.memref_slice %arg7[%add3A_414, %dma_start3A_496] : memref<10000x128xf32, #tpu.memory_space<hbm>> -> memref<40x128xf32, #tpu.memory_space<hbm>>
          tpu.enqueue_dma source(%arg14 : memref<40x128xf32, #tpu.memory_space<vmem>>) target(%dma_start3A_497 : memref<40x128xf32, #tpu.memory_space<hbm>>) target_semaphore(%run_scoped3A : memref<!tpu.dma_semaphore, #tpu.memory_space<semaphore_mem>>)
          %dma_wait3A_498 = arith.constant 0 : i32
          %dma_wait3A_499 = tpu.memref_slice %arg7[%add3A_414, %dma_wait3A_498] : memref<10000x128xf32, #tpu.memory_space<hbm>> -> memref<40x128xf32, #tpu.memory_space<hbm>>
          %dma_wait3A_500 = arith.constant 0 : i32
          %dma_wait3A_501 = tpu.memref_slice %arg7[%add3A_414, %dma_wait3A_500] : memref<10000x128xf32, #tpu.memory_space<hbm>> -> memref<40x128xf32, #tpu.memory_space<hbm>>
          tpu.wait_dma2 semaphore(%run_scoped3A : memref<!tpu.dma_semaphore, #tpu.memory_space<semaphore_mem>>) src(%arg14 : memref<40x128xf32, #tpu.memory_space<vmem>>) dst(%dma_wait3A_501 : memref<40x128xf32, #tpu.memory_space<hbm>>)
          tpu.yield
        }) : () -> ()
      } else {
      }
    } else {
    }
    %add3A_422 = arith.constant 360 : i32
    %add3A_423 = arith.addi %mul3A_13, %add3A_422 : i32
    %add3A_424 = arith.constant 40 : i32
    %add3A_425 = arith.addi %add3A_423, %add3A_424 : i32
    %le3A_426 = arith.constant 10000 : i32
    %le3A_427 = arith.cmpi sle, %add3A_425, %le3A_426 : i32
    %convert_element_type3A_428 = arith.extui %le3A_427 : i1 to i32
    %cond3A_429 = arith.constant 0 : i32
    %cond3A_430 = arith.cmpi ne, %convert_element_type3A_428, %cond3A_429 : i32
    scf.if %cond3A_430 {
      "tpu.region"() ({
        %run_scoped3A = tpu.sem_alloc : memref<!tpu.dma_semaphore, #tpu.memory_space<semaphore_mem>>
        %dma_start3A_494 = arith.constant 0 : i32
        %dma_start3A_495 = tpu.memref_slice %arg16[%add3A_423, %dma_start3A_494] : memref<10000x128xf32, #tpu.memory_space<vmem_shared>> -> memref<40x128xf32, #tpu.memory_space<vmem_shared>>
        %dma_start3A_496 = arith.constant 0 : i32
        %dma_start3A_497 = tpu.memref_slice %arg16[%add3A_423, %dma_start3A_496] : memref<10000x128xf32, #tpu.memory_space<vmem_shared>> -> memref<40x128xf32, #tpu.memory_space<vmem_shared>>
        tpu.enqueue_dma source(%dma_start3A_497 : memref<40x128xf32, #tpu.memory_space<vmem_shared>>) target(%arg14 : memref<40x128xf32, #tpu.memory_space<vmem>>) target_semaphore(%run_scoped3A : memref<!tpu.dma_semaphore, #tpu.memory_space<semaphore_mem>>)
        %dma_wait3A_498 = arith.constant 0 : i32
        %dma_wait3A_499 = tpu.memref_slice %arg16[%add3A_423, %dma_wait3A_498] : memref<10000x128xf32, #tpu.memory_space<vmem_shared>> -> memref<40x128xf32, #tpu.memory_space<vmem_shared>>
        %dma_wait3A_500 = arith.constant 0 : i32
        %dma_wait3A_501 = tpu.memref_slice %arg16[%add3A_423, %dma_wait3A_500] : memref<10000x128xf32, #tpu.memory_space<vmem_shared>> -> memref<40x128xf32, #tpu.memory_space<vmem_shared>>
        tpu.wait_dma2 semaphore(%run_scoped3A : memref<!tpu.dma_semaphore, #tpu.memory_space<semaphore_mem>>) src(%dma_wait3A_501 : memref<40x128xf32, #tpu.memory_space<vmem_shared>>) dst(%arg14 : memref<40x128xf32, #tpu.memory_space<vmem>>)
        tpu.yield
      }) : () -> ()
      %eq3A = arith.constant 0 : i32
      %eq3A_485 = arith.cmpi eq, %arg0, %eq3A : i32
      %convert_element_type3A_486 = arith.extui %eq3A_485 : i1 to i32
      %cond3A_487 = arith.constant 0 : i32
      %cond3A_488 = arith.cmpi ne, %convert_element_type3A_486, %cond3A_487 : i32
      scf.if %cond3A_488 {
        "tpu.region"() ({
          %run_scoped3A = tpu.sem_alloc : memref<!tpu.dma_semaphore, #tpu.memory_space<semaphore_mem>>
          %dma_start3A_494 = arith.constant 0 : i32
          %dma_start3A_495 = tpu.memref_slice %arg6[%add3A_423, %dma_start3A_494] : memref<10000x128xf32, #tpu.memory_space<hbm>> -> memref<40x128xf32, #tpu.memory_space<hbm>>
          %dma_start3A_496 = arith.constant 0 : i32
          %dma_start3A_497 = tpu.memref_slice %arg6[%add3A_423, %dma_start3A_496] : memref<10000x128xf32, #tpu.memory_space<hbm>> -> memref<40x128xf32, #tpu.memory_space<hbm>>
          tpu.enqueue_dma source(%arg14 : memref<40x128xf32, #tpu.memory_space<vmem>>) target(%dma_start3A_497 : memref<40x128xf32, #tpu.memory_space<hbm>>) target_semaphore(%run_scoped3A : memref<!tpu.dma_semaphore, #tpu.memory_space<semaphore_mem>>)
          %dma_wait3A_498 = arith.constant 0 : i32
          %dma_wait3A_499 = tpu.memref_slice %arg6[%add3A_423, %dma_wait3A_498] : memref<10000x128xf32, #tpu.memory_space<hbm>> -> memref<40x128xf32, #tpu.memory_space<hbm>>
          %dma_wait3A_500 = arith.constant 0 : i32
          %dma_wait3A_501 = tpu.memref_slice %arg6[%add3A_423, %dma_wait3A_500] : memref<10000x128xf32, #tpu.memory_space<hbm>> -> memref<40x128xf32, #tpu.memory_space<hbm>>
          tpu.wait_dma2 semaphore(%run_scoped3A : memref<!tpu.dma_semaphore, #tpu.memory_space<semaphore_mem>>) src(%arg14 : memref<40x128xf32, #tpu.memory_space<vmem>>) dst(%dma_wait3A_501 : memref<40x128xf32, #tpu.memory_space<hbm>>)
          tpu.yield
        }) : () -> ()
      } else {
      }
      %eq3A_489 = arith.constant 1 : i32
      %eq3A_490 = arith.cmpi eq, %arg0, %eq3A_489 : i32
      %convert_element_type3A_491 = arith.extui %eq3A_490 : i1 to i32
      %cond3A_492 = arith.constant 0 : i32
      %cond3A_493 = arith.cmpi ne, %convert_element_type3A_491, %cond3A_492 : i32
      scf.if %cond3A_493 {
        "tpu.region"() ({
          %run_scoped3A = tpu.sem_alloc : memref<!tpu.dma_semaphore, #tpu.memory_space<semaphore_mem>>
          %dma_start3A_494 = arith.constant 0 : i32
          %dma_start3A_495 = tpu.memref_slice %arg7[%add3A_423, %dma_start3A_494] : memref<10000x128xf32, #tpu.memory_space<hbm>> -> memref<40x128xf32, #tpu.memory_space<hbm>>
          %dma_start3A_496 = arith.constant 0 : i32
          %dma_start3A_497 = tpu.memref_slice %arg7[%add3A_423, %dma_start3A_496] : memref<10000x128xf32, #tpu.memory_space<hbm>> -> memref<40x128xf32, #tpu.memory_space<hbm>>
          tpu.enqueue_dma source(%arg14 : memref<40x128xf32, #tpu.memory_space<vmem>>) target(%dma_start3A_497 : memref<40x128xf32, #tpu.memory_space<hbm>>) target_semaphore(%run_scoped3A : memref<!tpu.dma_semaphore, #tpu.memory_space<semaphore_mem>>)
          %dma_wait3A_498 = arith.constant 0 : i32
          %dma_wait3A_499 = tpu.memref_slice %arg7[%add3A_423, %dma_wait3A_498] : memref<10000x128xf32, #tpu.memory_space<hbm>> -> memref<40x128xf32, #tpu.memory_space<hbm>>
          %dma_wait3A_500 = arith.constant 0 : i32
          %dma_wait3A_501 = tpu.memref_slice %arg7[%add3A_423, %dma_wait3A_500] : memref<10000x128xf32, #tpu.memory_space<hbm>> -> memref<40x128xf32, #tpu.memory_space<hbm>>
          tpu.wait_dma2 semaphore(%run_scoped3A : memref<!tpu.dma_semaphore, #tpu.memory_space<semaphore_mem>>) src(%arg14 : memref<40x128xf32, #tpu.memory_space<vmem>>) dst(%dma_wait3A_501 : memref<40x128xf32, #tpu.memory_space<hbm>>)
          tpu.yield
        }) : () -> ()
      } else {
      }
    } else {
    }
    %add3A_431 = arith.constant 400 : i32
    %add3A_432 = arith.addi %mul3A_13, %add3A_431 : i32
    %add3A_433 = arith.constant 40 : i32
    %add3A_434 = arith.addi %add3A_432, %add3A_433 : i32
    %le3A_435 = arith.constant 10000 : i32
    %le3A_436 = arith.cmpi sle, %add3A_434, %le3A_435 : i32
    %convert_element_type3A_437 = arith.extui %le3A_436 : i1 to i32
    %cond3A_438 = arith.constant 0 : i32
    %cond3A_439 = arith.cmpi ne, %convert_element_type3A_437, %cond3A_438 : i32
    scf.if %cond3A_439 {
      "tpu.region"() ({
        %run_scoped3A = tpu.sem_alloc : memref<!tpu.dma_semaphore, #tpu.memory_space<semaphore_mem>>
        %dma_start3A_494 = arith.constant 0 : i32
        %dma_start3A_495 = tpu.memref_slice %arg16[%add3A_432, %dma_start3A_494] : memref<10000x128xf32, #tpu.memory_space<vmem_shared>> -> memref<40x128xf32, #tpu.memory_space<vmem_shared>>
        %dma_start3A_496 = arith.constant 0 : i32
        %dma_start3A_497 = tpu.memref_slice %arg16[%add3A_432, %dma_start3A_496] : memref<10000x128xf32, #tpu.memory_space<vmem_shared>> -> memref<40x128xf32, #tpu.memory_space<vmem_shared>>
        tpu.enqueue_dma source(%dma_start3A_497 : memref<40x128xf32, #tpu.memory_space<vmem_shared>>) target(%arg14 : memref<40x128xf32, #tpu.memory_space<vmem>>) target_semaphore(%run_scoped3A : memref<!tpu.dma_semaphore, #tpu.memory_space<semaphore_mem>>)
        %dma_wait3A_498 = arith.constant 0 : i32
        %dma_wait3A_499 = tpu.memref_slice %arg16[%add3A_432, %dma_wait3A_498] : memref<10000x128xf32, #tpu.memory_space<vmem_shared>> -> memref<40x128xf32, #tpu.memory_space<vmem_shared>>
        %dma_wait3A_500 = arith.constant 0 : i32
        %dma_wait3A_501 = tpu.memref_slice %arg16[%add3A_432, %dma_wait3A_500] : memref<10000x128xf32, #tpu.memory_space<vmem_shared>> -> memref<40x128xf32, #tpu.memory_space<vmem_shared>>
        tpu.wait_dma2 semaphore(%run_scoped3A : memref<!tpu.dma_semaphore, #tpu.memory_space<semaphore_mem>>) src(%dma_wait3A_501 : memref<40x128xf32, #tpu.memory_space<vmem_shared>>) dst(%arg14 : memref<40x128xf32, #tpu.memory_space<vmem>>)
        tpu.yield
      }) : () -> ()
      %eq3A = arith.constant 0 : i32
      %eq3A_485 = arith.cmpi eq, %arg0, %eq3A : i32
      %convert_element_type3A_486 = arith.extui %eq3A_485 : i1 to i32
      %cond3A_487 = arith.constant 0 : i32
      %cond3A_488 = arith.cmpi ne, %convert_element_type3A_486, %cond3A_487 : i32
      scf.if %cond3A_488 {
        "tpu.region"() ({
          %run_scoped3A = tpu.sem_alloc : memref<!tpu.dma_semaphore, #tpu.memory_space<semaphore_mem>>
          %dma_start3A_494 = arith.constant 0 : i32
          %dma_start3A_495 = tpu.memref_slice %arg6[%add3A_432, %dma_start3A_494] : memref<10000x128xf32, #tpu.memory_space<hbm>> -> memref<40x128xf32, #tpu.memory_space<hbm>>
          %dma_start3A_496 = arith.constant 0 : i32
          %dma_start3A_497 = tpu.memref_slice %arg6[%add3A_432, %dma_start3A_496] : memref<10000x128xf32, #tpu.memory_space<hbm>> -> memref<40x128xf32, #tpu.memory_space<hbm>>
          tpu.enqueue_dma source(%arg14 : memref<40x128xf32, #tpu.memory_space<vmem>>) target(%dma_start3A_497 : memref<40x128xf32, #tpu.memory_space<hbm>>) target_semaphore(%run_scoped3A : memref<!tpu.dma_semaphore, #tpu.memory_space<semaphore_mem>>)
          %dma_wait3A_498 = arith.constant 0 : i32
          %dma_wait3A_499 = tpu.memref_slice %arg6[%add3A_432, %dma_wait3A_498] : memref<10000x128xf32, #tpu.memory_space<hbm>> -> memref<40x128xf32, #tpu.memory_space<hbm>>
          %dma_wait3A_500 = arith.constant 0 : i32
          %dma_wait3A_501 = tpu.memref_slice %arg6[%add3A_432, %dma_wait3A_500] : memref<10000x128xf32, #tpu.memory_space<hbm>> -> memref<40x128xf32, #tpu.memory_space<hbm>>
          tpu.wait_dma2 semaphore(%run_scoped3A : memref<!tpu.dma_semaphore, #tpu.memory_space<semaphore_mem>>) src(%arg14 : memref<40x128xf32, #tpu.memory_space<vmem>>) dst(%dma_wait3A_501 : memref<40x128xf32, #tpu.memory_space<hbm>>)
          tpu.yield
        }) : () -> ()
      } else {
      }
      %eq3A_489 = arith.constant 1 : i32
      %eq3A_490 = arith.cmpi eq, %arg0, %eq3A_489 : i32
      %convert_element_type3A_491 = arith.extui %eq3A_490 : i1 to i32
      %cond3A_492 = arith.constant 0 : i32
      %cond3A_493 = arith.cmpi ne, %convert_element_type3A_491, %cond3A_492 : i32
      scf.if %cond3A_493 {
        "tpu.region"() ({
          %run_scoped3A = tpu.sem_alloc : memref<!tpu.dma_semaphore, #tpu.memory_space<semaphore_mem>>
          %dma_start3A_494 = arith.constant 0 : i32
          %dma_start3A_495 = tpu.memref_slice %arg7[%add3A_432, %dma_start3A_494] : memref<10000x128xf32, #tpu.memory_space<hbm>> -> memref<40x128xf32, #tpu.memory_space<hbm>>
          %dma_start3A_496 = arith.constant 0 : i32
          %dma_start3A_497 = tpu.memref_slice %arg7[%add3A_432, %dma_start3A_496] : memref<10000x128xf32, #tpu.memory_space<hbm>> -> memref<40x128xf32, #tpu.memory_space<hbm>>
          tpu.enqueue_dma source(%arg14 : memref<40x128xf32, #tpu.memory_space<vmem>>) target(%dma_start3A_497 : memref<40x128xf32, #tpu.memory_space<hbm>>) target_semaphore(%run_scoped3A : memref<!tpu.dma_semaphore, #tpu.memory_space<semaphore_mem>>)
          %dma_wait3A_498 = arith.constant 0 : i32
          %dma_wait3A_499 = tpu.memref_slice %arg7[%add3A_432, %dma_wait3A_498] : memref<10000x128xf32, #tpu.memory_space<hbm>> -> memref<40x128xf32, #tpu.memory_space<hbm>>
          %dma_wait3A_500 = arith.constant 0 : i32
          %dma_wait3A_501 = tpu.memref_slice %arg7[%add3A_432, %dma_wait3A_500] : memref<10000x128xf32, #tpu.memory_space<hbm>> -> memref<40x128xf32, #tpu.memory_space<hbm>>
          tpu.wait_dma2 semaphore(%run_scoped3A : memref<!tpu.dma_semaphore, #tpu.memory_space<semaphore_mem>>) src(%arg14 : memref<40x128xf32, #tpu.memory_space<vmem>>) dst(%dma_wait3A_501 : memref<40x128xf32, #tpu.memory_space<hbm>>)
          tpu.yield
        }) : () -> ()
      } else {
      }
    } else {
    }
    %add3A_440 = arith.constant 440 : i32
    %add3A_441 = arith.addi %mul3A_13, %add3A_440 : i32
    %add3A_442 = arith.constant 40 : i32
    %add3A_443 = arith.addi %add3A_441, %add3A_442 : i32
    %le3A_444 = arith.constant 10000 : i32
    %le3A_445 = arith.cmpi sle, %add3A_443, %le3A_444 : i32
    %convert_element_type3A_446 = arith.extui %le3A_445 : i1 to i32
    %cond3A_447 = arith.constant 0 : i32
    %cond3A_448 = arith.cmpi ne, %convert_element_type3A_446, %cond3A_447 : i32
    scf.if %cond3A_448 {
      "tpu.region"() ({
        %run_scoped3A = tpu.sem_alloc : memref<!tpu.dma_semaphore, #tpu.memory_space<semaphore_mem>>
        %dma_start3A_494 = arith.constant 0 : i32
        %dma_start3A_495 = tpu.memref_slice %arg16[%add3A_441, %dma_start3A_494] : memref<10000x128xf32, #tpu.memory_space<vmem_shared>> -> memref<40x128xf32, #tpu.memory_space<vmem_shared>>
        %dma_start3A_496 = arith.constant 0 : i32
        %dma_start3A_497 = tpu.memref_slice %arg16[%add3A_441, %dma_start3A_496] : memref<10000x128xf32, #tpu.memory_space<vmem_shared>> -> memref<40x128xf32, #tpu.memory_space<vmem_shared>>
        tpu.enqueue_dma source(%dma_start3A_497 : memref<40x128xf32, #tpu.memory_space<vmem_shared>>) target(%arg14 : memref<40x128xf32, #tpu.memory_space<vmem>>) target_semaphore(%run_scoped3A : memref<!tpu.dma_semaphore, #tpu.memory_space<semaphore_mem>>)
        %dma_wait3A_498 = arith.constant 0 : i32
        %dma_wait3A_499 = tpu.memref_slice %arg16[%add3A_441, %dma_wait3A_498] : memref<10000x128xf32, #tpu.memory_space<vmem_shared>> -> memref<40x128xf32, #tpu.memory_space<vmem_shared>>
        %dma_wait3A_500 = arith.constant 0 : i32
        %dma_wait3A_501 = tpu.memref_slice %arg16[%add3A_441, %dma_wait3A_500] : memref<10000x128xf32, #tpu.memory_space<vmem_shared>> -> memref<40x128xf32, #tpu.memory_space<vmem_shared>>
        tpu.wait_dma2 semaphore(%run_scoped3A : memref<!tpu.dma_semaphore, #tpu.memory_space<semaphore_mem>>) src(%dma_wait3A_501 : memref<40x128xf32, #tpu.memory_space<vmem_shared>>) dst(%arg14 : memref<40x128xf32, #tpu.memory_space<vmem>>)
        tpu.yield
      }) : () -> ()
      %eq3A = arith.constant 0 : i32
      %eq3A_485 = arith.cmpi eq, %arg0, %eq3A : i32
      %convert_element_type3A_486 = arith.extui %eq3A_485 : i1 to i32
      %cond3A_487 = arith.constant 0 : i32
      %cond3A_488 = arith.cmpi ne, %convert_element_type3A_486, %cond3A_487 : i32
      scf.if %cond3A_488 {
        "tpu.region"() ({
          %run_scoped3A = tpu.sem_alloc : memref<!tpu.dma_semaphore, #tpu.memory_space<semaphore_mem>>
          %dma_start3A_494 = arith.constant 0 : i32
          %dma_start3A_495 = tpu.memref_slice %arg6[%add3A_441, %dma_start3A_494] : memref<10000x128xf32, #tpu.memory_space<hbm>> -> memref<40x128xf32, #tpu.memory_space<hbm>>
          %dma_start3A_496 = arith.constant 0 : i32
          %dma_start3A_497 = tpu.memref_slice %arg6[%add3A_441, %dma_start3A_496] : memref<10000x128xf32, #tpu.memory_space<hbm>> -> memref<40x128xf32, #tpu.memory_space<hbm>>
          tpu.enqueue_dma source(%arg14 : memref<40x128xf32, #tpu.memory_space<vmem>>) target(%dma_start3A_497 : memref<40x128xf32, #tpu.memory_space<hbm>>) target_semaphore(%run_scoped3A : memref<!tpu.dma_semaphore, #tpu.memory_space<semaphore_mem>>)
          %dma_wait3A_498 = arith.constant 0 : i32
          %dma_wait3A_499 = tpu.memref_slice %arg6[%add3A_441, %dma_wait3A_498] : memref<10000x128xf32, #tpu.memory_space<hbm>> -> memref<40x128xf32, #tpu.memory_space<hbm>>
          %dma_wait3A_500 = arith.constant 0 : i32
          %dma_wait3A_501 = tpu.memref_slice %arg6[%add3A_441, %dma_wait3A_500] : memref<10000x128xf32, #tpu.memory_space<hbm>> -> memref<40x128xf32, #tpu.memory_space<hbm>>
          tpu.wait_dma2 semaphore(%run_scoped3A : memref<!tpu.dma_semaphore, #tpu.memory_space<semaphore_mem>>) src(%arg14 : memref<40x128xf32, #tpu.memory_space<vmem>>) dst(%dma_wait3A_501 : memref<40x128xf32, #tpu.memory_space<hbm>>)
          tpu.yield
        }) : () -> ()
      } else {
      }
      %eq3A_489 = arith.constant 1 : i32
      %eq3A_490 = arith.cmpi eq, %arg0, %eq3A_489 : i32
      %convert_element_type3A_491 = arith.extui %eq3A_490 : i1 to i32
      %cond3A_492 = arith.constant 0 : i32
      %cond3A_493 = arith.cmpi ne, %convert_element_type3A_491, %cond3A_492 : i32
      scf.if %cond3A_493 {
        "tpu.region"() ({
          %run_scoped3A = tpu.sem_alloc : memref<!tpu.dma_semaphore, #tpu.memory_space<semaphore_mem>>
          %dma_start3A_494 = arith.constant 0 : i32
          %dma_start3A_495 = tpu.memref_slice %arg7[%add3A_441, %dma_start3A_494] : memref<10000x128xf32, #tpu.memory_space<hbm>> -> memref<40x128xf32, #tpu.memory_space<hbm>>
          %dma_start3A_496 = arith.constant 0 : i32
          %dma_start3A_497 = tpu.memref_slice %arg7[%add3A_441, %dma_start3A_496] : memref<10000x128xf32, #tpu.memory_space<hbm>> -> memref<40x128xf32, #tpu.memory_space<hbm>>
          tpu.enqueue_dma source(%arg14 : memref<40x128xf32, #tpu.memory_space<vmem>>) target(%dma_start3A_497 : memref<40x128xf32, #tpu.memory_space<hbm>>) target_semaphore(%run_scoped3A : memref<!tpu.dma_semaphore, #tpu.memory_space<semaphore_mem>>)
          %dma_wait3A_498 = arith.constant 0 : i32
          %dma_wait3A_499 = tpu.memref_slice %arg7[%add3A_441, %dma_wait3A_498] : memref<10000x128xf32, #tpu.memory_space<hbm>> -> memref<40x128xf32, #tpu.memory_space<hbm>>
          %dma_wait3A_500 = arith.constant 0 : i32
          %dma_wait3A_501 = tpu.memref_slice %arg7[%add3A_441, %dma_wait3A_500] : memref<10000x128xf32, #tpu.memory_space<hbm>> -> memref<40x128xf32, #tpu.memory_space<hbm>>
          tpu.wait_dma2 semaphore(%run_scoped3A : memref<!tpu.dma_semaphore, #tpu.memory_space<semaphore_mem>>) src(%arg14 : memref<40x128xf32, #tpu.memory_space<vmem>>) dst(%dma_wait3A_501 : memref<40x128xf32, #tpu.memory_space<hbm>>)
          tpu.yield
        }) : () -> ()
      } else {
      }
    } else {
    }
    %add3A_449 = arith.constant 480 : i32
    %add3A_450 = arith.addi %mul3A_13, %add3A_449 : i32
    %add3A_451 = arith.constant 40 : i32
    %add3A_452 = arith.addi %add3A_450, %add3A_451 : i32
    %le3A_453 = arith.constant 10000 : i32
    %le3A_454 = arith.cmpi sle, %add3A_452, %le3A_453 : i32
    %convert_element_type3A_455 = arith.extui %le3A_454 : i1 to i32
    %cond3A_456 = arith.constant 0 : i32
    %cond3A_457 = arith.cmpi ne, %convert_element_type3A_455, %cond3A_456 : i32
    scf.if %cond3A_457 {
      "tpu.region"() ({
        %run_scoped3A = tpu.sem_alloc : memref<!tpu.dma_semaphore, #tpu.memory_space<semaphore_mem>>
        %dma_start3A_494 = arith.constant 0 : i32
        %dma_start3A_495 = tpu.memref_slice %arg16[%add3A_450, %dma_start3A_494] : memref<10000x128xf32, #tpu.memory_space<vmem_shared>> -> memref<40x128xf32, #tpu.memory_space<vmem_shared>>
        %dma_start3A_496 = arith.constant 0 : i32
        %dma_start3A_497 = tpu.memref_slice %arg16[%add3A_450, %dma_start3A_496] : memref<10000x128xf32, #tpu.memory_space<vmem_shared>> -> memref<40x128xf32, #tpu.memory_space<vmem_shared>>
        tpu.enqueue_dma source(%dma_start3A_497 : memref<40x128xf32, #tpu.memory_space<vmem_shared>>) target(%arg14 : memref<40x128xf32, #tpu.memory_space<vmem>>) target_semaphore(%run_scoped3A : memref<!tpu.dma_semaphore, #tpu.memory_space<semaphore_mem>>)
        %dma_wait3A_498 = arith.constant 0 : i32
        %dma_wait3A_499 = tpu.memref_slice %arg16[%add3A_450, %dma_wait3A_498] : memref<10000x128xf32, #tpu.memory_space<vmem_shared>> -> memref<40x128xf32, #tpu.memory_space<vmem_shared>>
        %dma_wait3A_500 = arith.constant 0 : i32
        %dma_wait3A_501 = tpu.memref_slice %arg16[%add3A_450, %dma_wait3A_500] : memref<10000x128xf32, #tpu.memory_space<vmem_shared>> -> memref<40x128xf32, #tpu.memory_space<vmem_shared>>
        tpu.wait_dma2 semaphore(%run_scoped3A : memref<!tpu.dma_semaphore, #tpu.memory_space<semaphore_mem>>) src(%dma_wait3A_501 : memref<40x128xf32, #tpu.memory_space<vmem_shared>>) dst(%arg14 : memref<40x128xf32, #tpu.memory_space<vmem>>)
        tpu.yield
      }) : () -> ()
      %eq3A = arith.constant 0 : i32
      %eq3A_485 = arith.cmpi eq, %arg0, %eq3A : i32
      %convert_element_type3A_486 = arith.extui %eq3A_485 : i1 to i32
      %cond3A_487 = arith.constant 0 : i32
      %cond3A_488 = arith.cmpi ne, %convert_element_type3A_486, %cond3A_487 : i32
      scf.if %cond3A_488 {
        "tpu.region"() ({
          %run_scoped3A = tpu.sem_alloc : memref<!tpu.dma_semaphore, #tpu.memory_space<semaphore_mem>>
          %dma_start3A_494 = arith.constant 0 : i32
          %dma_start3A_495 = tpu.memref_slice %arg6[%add3A_450, %dma_start3A_494] : memref<10000x128xf32, #tpu.memory_space<hbm>> -> memref<40x128xf32, #tpu.memory_space<hbm>>
          %dma_start3A_496 = arith.constant 0 : i32
          %dma_start3A_497 = tpu.memref_slice %arg6[%add3A_450, %dma_start3A_496] : memref<10000x128xf32, #tpu.memory_space<hbm>> -> memref<40x128xf32, #tpu.memory_space<hbm>>
          tpu.enqueue_dma source(%arg14 : memref<40x128xf32, #tpu.memory_space<vmem>>) target(%dma_start3A_497 : memref<40x128xf32, #tpu.memory_space<hbm>>) target_semaphore(%run_scoped3A : memref<!tpu.dma_semaphore, #tpu.memory_space<semaphore_mem>>)
          %dma_wait3A_498 = arith.constant 0 : i32
          %dma_wait3A_499 = tpu.memref_slice %arg6[%add3A_450, %dma_wait3A_498] : memref<10000x128xf32, #tpu.memory_space<hbm>> -> memref<40x128xf32, #tpu.memory_space<hbm>>
          %dma_wait3A_500 = arith.constant 0 : i32
          %dma_wait3A_501 = tpu.memref_slice %arg6[%add3A_450, %dma_wait3A_500] : memref<10000x128xf32, #tpu.memory_space<hbm>> -> memref<40x128xf32, #tpu.memory_space<hbm>>
          tpu.wait_dma2 semaphore(%run_scoped3A : memref<!tpu.dma_semaphore, #tpu.memory_space<semaphore_mem>>) src(%arg14 : memref<40x128xf32, #tpu.memory_space<vmem>>) dst(%dma_wait3A_501 : memref<40x128xf32, #tpu.memory_space<hbm>>)
          tpu.yield
        }) : () -> ()
      } else {
      }
      %eq3A_489 = arith.constant 1 : i32
      %eq3A_490 = arith.cmpi eq, %arg0, %eq3A_489 : i32
      %convert_element_type3A_491 = arith.extui %eq3A_490 : i1 to i32
      %cond3A_492 = arith.constant 0 : i32
      %cond3A_493 = arith.cmpi ne, %convert_element_type3A_491, %cond3A_492 : i32
      scf.if %cond3A_493 {
        "tpu.region"() ({
          %run_scoped3A = tpu.sem_alloc : memref<!tpu.dma_semaphore, #tpu.memory_space<semaphore_mem>>
          %dma_start3A_494 = arith.constant 0 : i32
          %dma_start3A_495 = tpu.memref_slice %arg7[%add3A_450, %dma_start3A_494] : memref<10000x128xf32, #tpu.memory_space<hbm>> -> memref<40x128xf32, #tpu.memory_space<hbm>>
          %dma_start3A_496 = arith.constant 0 : i32
          %dma_start3A_497 = tpu.memref_slice %arg7[%add3A_450, %dma_start3A_496] : memref<10000x128xf32, #tpu.memory_space<hbm>> -> memref<40x128xf32, #tpu.memory_space<hbm>>
          tpu.enqueue_dma source(%arg14 : memref<40x128xf32, #tpu.memory_space<vmem>>) target(%dma_start3A_497 : memref<40x128xf32, #tpu.memory_space<hbm>>) target_semaphore(%run_scoped3A : memref<!tpu.dma_semaphore, #tpu.memory_space<semaphore_mem>>)
          %dma_wait3A_498 = arith.constant 0 : i32
          %dma_wait3A_499 = tpu.memref_slice %arg7[%add3A_450, %dma_wait3A_498] : memref<10000x128xf32, #tpu.memory_space<hbm>> -> memref<40x128xf32, #tpu.memory_space<hbm>>
          %dma_wait3A_500 = arith.constant 0 : i32
          %dma_wait3A_501 = tpu.memref_slice %arg7[%add3A_450, %dma_wait3A_500] : memref<10000x128xf32, #tpu.memory_space<hbm>> -> memref<40x128xf32, #tpu.memory_space<hbm>>
          tpu.wait_dma2 semaphore(%run_scoped3A : memref<!tpu.dma_semaphore, #tpu.memory_space<semaphore_mem>>) src(%arg14 : memref<40x128xf32, #tpu.memory_space<vmem>>) dst(%dma_wait3A_501 : memref<40x128xf32, #tpu.memory_space<hbm>>)
          tpu.yield
        }) : () -> ()
      } else {
      }
    } else {
    }
    %add3A_458 = arith.constant 520 : i32
    %add3A_459 = arith.addi %mul3A_13, %add3A_458 : i32
    %add3A_460 = arith.constant 40 : i32
    %add3A_461 = arith.addi %add3A_459, %add3A_460 : i32
    %le3A_462 = arith.constant 10000 : i32
    %le3A_463 = arith.cmpi sle, %add3A_461, %le3A_462 : i32
    %convert_element_type3A_464 = arith.extui %le3A_463 : i1 to i32
    %cond3A_465 = arith.constant 0 : i32
    %cond3A_466 = arith.cmpi ne, %convert_element_type3A_464, %cond3A_465 : i32
    scf.if %cond3A_466 {
      "tpu.region"() ({
        %run_scoped3A = tpu.sem_alloc : memref<!tpu.dma_semaphore, #tpu.memory_space<semaphore_mem>>
        %dma_start3A_494 = arith.constant 0 : i32
        %dma_start3A_495 = tpu.memref_slice %arg16[%add3A_459, %dma_start3A_494] : memref<10000x128xf32, #tpu.memory_space<vmem_shared>> -> memref<40x128xf32, #tpu.memory_space<vmem_shared>>
        %dma_start3A_496 = arith.constant 0 : i32
        %dma_start3A_497 = tpu.memref_slice %arg16[%add3A_459, %dma_start3A_496] : memref<10000x128xf32, #tpu.memory_space<vmem_shared>> -> memref<40x128xf32, #tpu.memory_space<vmem_shared>>
        tpu.enqueue_dma source(%dma_start3A_497 : memref<40x128xf32, #tpu.memory_space<vmem_shared>>) target(%arg14 : memref<40x128xf32, #tpu.memory_space<vmem>>) target_semaphore(%run_scoped3A : memref<!tpu.dma_semaphore, #tpu.memory_space<semaphore_mem>>)
        %dma_wait3A_498 = arith.constant 0 : i32
        %dma_wait3A_499 = tpu.memref_slice %arg16[%add3A_459, %dma_wait3A_498] : memref<10000x128xf32, #tpu.memory_space<vmem_shared>> -> memref<40x128xf32, #tpu.memory_space<vmem_shared>>
        %dma_wait3A_500 = arith.constant 0 : i32
        %dma_wait3A_501 = tpu.memref_slice %arg16[%add3A_459, %dma_wait3A_500] : memref<10000x128xf32, #tpu.memory_space<vmem_shared>> -> memref<40x128xf32, #tpu.memory_space<vmem_shared>>
        tpu.wait_dma2 semaphore(%run_scoped3A : memref<!tpu.dma_semaphore, #tpu.memory_space<semaphore_mem>>) src(%dma_wait3A_501 : memref<40x128xf32, #tpu.memory_space<vmem_shared>>) dst(%arg14 : memref<40x128xf32, #tpu.memory_space<vmem>>)
        tpu.yield
      }) : () -> ()
      %eq3A = arith.constant 0 : i32
      %eq3A_485 = arith.cmpi eq, %arg0, %eq3A : i32
      %convert_element_type3A_486 = arith.extui %eq3A_485 : i1 to i32
      %cond3A_487 = arith.constant 0 : i32
      %cond3A_488 = arith.cmpi ne, %convert_element_type3A_486, %cond3A_487 : i32
      scf.if %cond3A_488 {
        "tpu.region"() ({
          %run_scoped3A = tpu.sem_alloc : memref<!tpu.dma_semaphore, #tpu.memory_space<semaphore_mem>>
          %dma_start3A_494 = arith.constant 0 : i32
          %dma_start3A_495 = tpu.memref_slice %arg6[%add3A_459, %dma_start3A_494] : memref<10000x128xf32, #tpu.memory_space<hbm>> -> memref<40x128xf32, #tpu.memory_space<hbm>>
          %dma_start3A_496 = arith.constant 0 : i32
          %dma_start3A_497 = tpu.memref_slice %arg6[%add3A_459, %dma_start3A_496] : memref<10000x128xf32, #tpu.memory_space<hbm>> -> memref<40x128xf32, #tpu.memory_space<hbm>>
          tpu.enqueue_dma source(%arg14 : memref<40x128xf32, #tpu.memory_space<vmem>>) target(%dma_start3A_497 : memref<40x128xf32, #tpu.memory_space<hbm>>) target_semaphore(%run_scoped3A : memref<!tpu.dma_semaphore, #tpu.memory_space<semaphore_mem>>)
          %dma_wait3A_498 = arith.constant 0 : i32
          %dma_wait3A_499 = tpu.memref_slice %arg6[%add3A_459, %dma_wait3A_498] : memref<10000x128xf32, #tpu.memory_space<hbm>> -> memref<40x128xf32, #tpu.memory_space<hbm>>
          %dma_wait3A_500 = arith.constant 0 : i32
          %dma_wait3A_501 = tpu.memref_slice %arg6[%add3A_459, %dma_wait3A_500] : memref<10000x128xf32, #tpu.memory_space<hbm>> -> memref<40x128xf32, #tpu.memory_space<hbm>>
          tpu.wait_dma2 semaphore(%run_scoped3A : memref<!tpu.dma_semaphore, #tpu.memory_space<semaphore_mem>>) src(%arg14 : memref<40x128xf32, #tpu.memory_space<vmem>>) dst(%dma_wait3A_501 : memref<40x128xf32, #tpu.memory_space<hbm>>)
          tpu.yield
        }) : () -> ()
      } else {
      }
      %eq3A_489 = arith.constant 1 : i32
      %eq3A_490 = arith.cmpi eq, %arg0, %eq3A_489 : i32
      %convert_element_type3A_491 = arith.extui %eq3A_490 : i1 to i32
      %cond3A_492 = arith.constant 0 : i32
      %cond3A_493 = arith.cmpi ne, %convert_element_type3A_491, %cond3A_492 : i32
      scf.if %cond3A_493 {
        "tpu.region"() ({
          %run_scoped3A = tpu.sem_alloc : memref<!tpu.dma_semaphore, #tpu.memory_space<semaphore_mem>>
          %dma_start3A_494 = arith.constant 0 : i32
          %dma_start3A_495 = tpu.memref_slice %arg7[%add3A_459, %dma_start3A_494] : memref<10000x128xf32, #tpu.memory_space<hbm>> -> memref<40x128xf32, #tpu.memory_space<hbm>>
          %dma_start3A_496 = arith.constant 0 : i32
          %dma_start3A_497 = tpu.memref_slice %arg7[%add3A_459, %dma_start3A_496] : memref<10000x128xf32, #tpu.memory_space<hbm>> -> memref<40x128xf32, #tpu.memory_space<hbm>>
          tpu.enqueue_dma source(%arg14 : memref<40x128xf32, #tpu.memory_space<vmem>>) target(%dma_start3A_497 : memref<40x128xf32, #tpu.memory_space<hbm>>) target_semaphore(%run_scoped3A : memref<!tpu.dma_semaphore, #tpu.memory_space<semaphore_mem>>)
          %dma_wait3A_498 = arith.constant 0 : i32
          %dma_wait3A_499 = tpu.memref_slice %arg7[%add3A_459, %dma_wait3A_498] : memref<10000x128xf32, #tpu.memory_space<hbm>> -> memref<40x128xf32, #tpu.memory_space<hbm>>
          %dma_wait3A_500 = arith.constant 0 : i32
          %dma_wait3A_501 = tpu.memref_slice %arg7[%add3A_459, %dma_wait3A_500] : memref<10000x128xf32, #tpu.memory_space<hbm>> -> memref<40x128xf32, #tpu.memory_space<hbm>>
          tpu.wait_dma2 semaphore(%run_scoped3A : memref<!tpu.dma_semaphore, #tpu.memory_space<semaphore_mem>>) src(%arg14 : memref<40x128xf32, #tpu.memory_space<vmem>>) dst(%dma_wait3A_501 : memref<40x128xf32, #tpu.memory_space<hbm>>)
          tpu.yield
        }) : () -> ()
      } else {
      }
    } else {
    }
    %add3A_467 = arith.constant 560 : i32
    %add3A_468 = arith.addi %mul3A_13, %add3A_467 : i32
    %add3A_469 = arith.constant 40 : i32
    %add3A_470 = arith.addi %add3A_468, %add3A_469 : i32
    %le3A_471 = arith.constant 10000 : i32
    %le3A_472 = arith.cmpi sle, %add3A_470, %le3A_471 : i32
    %convert_element_type3A_473 = arith.extui %le3A_472 : i1 to i32
    %cond3A_474 = arith.constant 0 : i32
    %cond3A_475 = arith.cmpi ne, %convert_element_type3A_473, %cond3A_474 : i32
    scf.if %cond3A_475 {
      "tpu.region"() ({
        %run_scoped3A = tpu.sem_alloc : memref<!tpu.dma_semaphore, #tpu.memory_space<semaphore_mem>>
        %dma_start3A_494 = arith.constant 0 : i32
        %dma_start3A_495 = tpu.memref_slice %arg16[%add3A_468, %dma_start3A_494] : memref<10000x128xf32, #tpu.memory_space<vmem_shared>> -> memref<40x128xf32, #tpu.memory_space<vmem_shared>>
        %dma_start3A_496 = arith.constant 0 : i32
        %dma_start3A_497 = tpu.memref_slice %arg16[%add3A_468, %dma_start3A_496] : memref<10000x128xf32, #tpu.memory_space<vmem_shared>> -> memref<40x128xf32, #tpu.memory_space<vmem_shared>>
        tpu.enqueue_dma source(%dma_start3A_497 : memref<40x128xf32, #tpu.memory_space<vmem_shared>>) target(%arg14 : memref<40x128xf32, #tpu.memory_space<vmem>>) target_semaphore(%run_scoped3A : memref<!tpu.dma_semaphore, #tpu.memory_space<semaphore_mem>>)
        %dma_wait3A_498 = arith.constant 0 : i32
        %dma_wait3A_499 = tpu.memref_slice %arg16[%add3A_468, %dma_wait3A_498] : memref<10000x128xf32, #tpu.memory_space<vmem_shared>> -> memref<40x128xf32, #tpu.memory_space<vmem_shared>>
        %dma_wait3A_500 = arith.constant 0 : i32
        %dma_wait3A_501 = tpu.memref_slice %arg16[%add3A_468, %dma_wait3A_500] : memref<10000x128xf32, #tpu.memory_space<vmem_shared>> -> memref<40x128xf32, #tpu.memory_space<vmem_shared>>
        tpu.wait_dma2 semaphore(%run_scoped3A : memref<!tpu.dma_semaphore, #tpu.memory_space<semaphore_mem>>) src(%dma_wait3A_501 : memref<40x128xf32, #tpu.memory_space<vmem_shared>>) dst(%arg14 : memref<40x128xf32, #tpu.memory_space<vmem>>)
        tpu.yield
      }) : () -> ()
      %eq3A = arith.constant 0 : i32
      %eq3A_485 = arith.cmpi eq, %arg0, %eq3A : i32
      %convert_element_type3A_486 = arith.extui %eq3A_485 : i1 to i32
      %cond3A_487 = arith.constant 0 : i32
      %cond3A_488 = arith.cmpi ne, %convert_element_type3A_486, %cond3A_487 : i32
      scf.if %cond3A_488 {
        "tpu.region"() ({
          %run_scoped3A = tpu.sem_alloc : memref<!tpu.dma_semaphore, #tpu.memory_space<semaphore_mem>>
          %dma_start3A_494 = arith.constant 0 : i32
          %dma_start3A_495 = tpu.memref_slice %arg6[%add3A_468, %dma_start3A_494] : memref<10000x128xf32, #tpu.memory_space<hbm>> -> memref<40x128xf32, #tpu.memory_space<hbm>>
          %dma_start3A_496 = arith.constant 0 : i32
          %dma_start3A_497 = tpu.memref_slice %arg6[%add3A_468, %dma_start3A_496] : memref<10000x128xf32, #tpu.memory_space<hbm>> -> memref<40x128xf32, #tpu.memory_space<hbm>>
          tpu.enqueue_dma source(%arg14 : memref<40x128xf32, #tpu.memory_space<vmem>>) target(%dma_start3A_497 : memref<40x128xf32, #tpu.memory_space<hbm>>) target_semaphore(%run_scoped3A : memref<!tpu.dma_semaphore, #tpu.memory_space<semaphore_mem>>)
          %dma_wait3A_498 = arith.constant 0 : i32
          %dma_wait3A_499 = tpu.memref_slice %arg6[%add3A_468, %dma_wait3A_498] : memref<10000x128xf32, #tpu.memory_space<hbm>> -> memref<40x128xf32, #tpu.memory_space<hbm>>
          %dma_wait3A_500 = arith.constant 0 : i32
          %dma_wait3A_501 = tpu.memref_slice %arg6[%add3A_468, %dma_wait3A_500] : memref<10000x128xf32, #tpu.memory_space<hbm>> -> memref<40x128xf32, #tpu.memory_space<hbm>>
          tpu.wait_dma2 semaphore(%run_scoped3A : memref<!tpu.dma_semaphore, #tpu.memory_space<semaphore_mem>>) src(%arg14 : memref<40x128xf32, #tpu.memory_space<vmem>>) dst(%dma_wait3A_501 : memref<40x128xf32, #tpu.memory_space<hbm>>)
          tpu.yield
        }) : () -> ()
      } else {
      }
      %eq3A_489 = arith.constant 1 : i32
      %eq3A_490 = arith.cmpi eq, %arg0, %eq3A_489 : i32
      %convert_element_type3A_491 = arith.extui %eq3A_490 : i1 to i32
      %cond3A_492 = arith.constant 0 : i32
      %cond3A_493 = arith.cmpi ne, %convert_element_type3A_491, %cond3A_492 : i32
      scf.if %cond3A_493 {
        "tpu.region"() ({
          %run_scoped3A = tpu.sem_alloc : memref<!tpu.dma_semaphore, #tpu.memory_space<semaphore_mem>>
          %dma_start3A_494 = arith.constant 0 : i32
          %dma_start3A_495 = tpu.memref_slice %arg7[%add3A_468, %dma_start3A_494] : memref<10000x128xf32, #tpu.memory_space<hbm>> -> memref<40x128xf32, #tpu.memory_space<hbm>>
          %dma_start3A_496 = arith.constant 0 : i32
          %dma_start3A_497 = tpu.memref_slice %arg7[%add3A_468, %dma_start3A_496] : memref<10000x128xf32, #tpu.memory_space<hbm>> -> memref<40x128xf32, #tpu.memory_space<hbm>>
          tpu.enqueue_dma source(%arg14 : memref<40x128xf32, #tpu.memory_space<vmem>>) target(%dma_start3A_497 : memref<40x128xf32, #tpu.memory_space<hbm>>) target_semaphore(%run_scoped3A : memref<!tpu.dma_semaphore, #tpu.memory_space<semaphore_mem>>)
          %dma_wait3A_498 = arith.constant 0 : i32
          %dma_wait3A_499 = tpu.memref_slice %arg7[%add3A_468, %dma_wait3A_498] : memref<10000x128xf32, #tpu.memory_space<hbm>> -> memref<40x128xf32, #tpu.memory_space<hbm>>
          %dma_wait3A_500 = arith.constant 0 : i32
          %dma_wait3A_501 = tpu.memref_slice %arg7[%add3A_468, %dma_wait3A_500] : memref<10000x128xf32, #tpu.memory_space<hbm>> -> memref<40x128xf32, #tpu.memory_space<hbm>>
          tpu.wait_dma2 semaphore(%run_scoped3A : memref<!tpu.dma_semaphore, #tpu.memory_space<semaphore_mem>>) src(%arg14 : memref<40x128xf32, #tpu.memory_space<vmem>>) dst(%dma_wait3A_501 : memref<40x128xf32, #tpu.memory_space<hbm>>)
          tpu.yield
        }) : () -> ()
      } else {
      }
    } else {
    }
    %add3A_476 = arith.constant 600 : i32
    %add3A_477 = arith.addi %mul3A_13, %add3A_476 : i32
    %add3A_478 = arith.constant 40 : i32
    %add3A_479 = arith.addi %add3A_477, %add3A_478 : i32
    %le3A_480 = arith.constant 10000 : i32
    %le3A_481 = arith.cmpi sle, %add3A_479, %le3A_480 : i32
    %convert_element_type3A_482 = arith.extui %le3A_481 : i1 to i32
    %cond3A_483 = arith.constant 0 : i32
    %cond3A_484 = arith.cmpi ne, %convert_element_type3A_482, %cond3A_483 : i32
    scf.if %cond3A_484 {
      "tpu.region"() ({
        %run_scoped3A = tpu.sem_alloc : memref<!tpu.dma_semaphore, #tpu.memory_space<semaphore_mem>>
        %dma_start3A_494 = arith.constant 0 : i32
        %dma_start3A_495 = tpu.memref_slice %arg16[%add3A_477, %dma_start3A_494] : memref<10000x128xf32, #tpu.memory_space<vmem_shared>> -> memref<40x128xf32, #tpu.memory_space<vmem_shared>>
        %dma_start3A_496 = arith.constant 0 : i32
        %dma_start3A_497 = tpu.memref_slice %arg16[%add3A_477, %dma_start3A_496] : memref<10000x128xf32, #tpu.memory_space<vmem_shared>> -> memref<40x128xf32, #tpu.memory_space<vmem_shared>>
        tpu.enqueue_dma source(%dma_start3A_497 : memref<40x128xf32, #tpu.memory_space<vmem_shared>>) target(%arg14 : memref<40x128xf32, #tpu.memory_space<vmem>>) target_semaphore(%run_scoped3A : memref<!tpu.dma_semaphore, #tpu.memory_space<semaphore_mem>>)
        %dma_wait3A_498 = arith.constant 0 : i32
        %dma_wait3A_499 = tpu.memref_slice %arg16[%add3A_477, %dma_wait3A_498] : memref<10000x128xf32, #tpu.memory_space<vmem_shared>> -> memref<40x128xf32, #tpu.memory_space<vmem_shared>>
        %dma_wait3A_500 = arith.constant 0 : i32
        %dma_wait3A_501 = tpu.memref_slice %arg16[%add3A_477, %dma_wait3A_500] : memref<10000x128xf32, #tpu.memory_space<vmem_shared>> -> memref<40x128xf32, #tpu.memory_space<vmem_shared>>
        tpu.wait_dma2 semaphore(%run_scoped3A : memref<!tpu.dma_semaphore, #tpu.memory_space<semaphore_mem>>) src(%dma_wait3A_501 : memref<40x128xf32, #tpu.memory_space<vmem_shared>>) dst(%arg14 : memref<40x128xf32, #tpu.memory_space<vmem>>)
        tpu.yield
      }) : () -> ()
      %eq3A = arith.constant 0 : i32
      %eq3A_485 = arith.cmpi eq, %arg0, %eq3A : i32
      %convert_element_type3A_486 = arith.extui %eq3A_485 : i1 to i32
      %cond3A_487 = arith.constant 0 : i32
      %cond3A_488 = arith.cmpi ne, %convert_element_type3A_486, %cond3A_487 : i32
      scf.if %cond3A_488 {
        "tpu.region"() ({
          %run_scoped3A = tpu.sem_alloc : memref<!tpu.dma_semaphore, #tpu.memory_space<semaphore_mem>>
          %dma_start3A_494 = arith.constant 0 : i32
          %dma_start3A_495 = tpu.memref_slice %arg6[%add3A_477, %dma_start3A_494] : memref<10000x128xf32, #tpu.memory_space<hbm>> -> memref<40x128xf32, #tpu.memory_space<hbm>>
          %dma_start3A_496 = arith.constant 0 : i32
          %dma_start3A_497 = tpu.memref_slice %arg6[%add3A_477, %dma_start3A_496] : memref<10000x128xf32, #tpu.memory_space<hbm>> -> memref<40x128xf32, #tpu.memory_space<hbm>>
          tpu.enqueue_dma source(%arg14 : memref<40x128xf32, #tpu.memory_space<vmem>>) target(%dma_start3A_497 : memref<40x128xf32, #tpu.memory_space<hbm>>) target_semaphore(%run_scoped3A : memref<!tpu.dma_semaphore, #tpu.memory_space<semaphore_mem>>)
          %dma_wait3A_498 = arith.constant 0 : i32
          %dma_wait3A_499 = tpu.memref_slice %arg6[%add3A_477, %dma_wait3A_498] : memref<10000x128xf32, #tpu.memory_space<hbm>> -> memref<40x128xf32, #tpu.memory_space<hbm>>
          %dma_wait3A_500 = arith.constant 0 : i32
          %dma_wait3A_501 = tpu.memref_slice %arg6[%add3A_477, %dma_wait3A_500] : memref<10000x128xf32, #tpu.memory_space<hbm>> -> memref<40x128xf32, #tpu.memory_space<hbm>>
          tpu.wait_dma2 semaphore(%run_scoped3A : memref<!tpu.dma_semaphore, #tpu.memory_space<semaphore_mem>>) src(%arg14 : memref<40x128xf32, #tpu.memory_space<vmem>>) dst(%dma_wait3A_501 : memref<40x128xf32, #tpu.memory_space<hbm>>)
          tpu.yield
        }) : () -> ()
      } else {
      }
      %eq3A_489 = arith.constant 1 : i32
      %eq3A_490 = arith.cmpi eq, %arg0, %eq3A_489 : i32
      %convert_element_type3A_491 = arith.extui %eq3A_490 : i1 to i32
      %cond3A_492 = arith.constant 0 : i32
      %cond3A_493 = arith.cmpi ne, %convert_element_type3A_491, %cond3A_492 : i32
      scf.if %cond3A_493 {
        "tpu.region"() ({
          %run_scoped3A = tpu.sem_alloc : memref<!tpu.dma_semaphore, #tpu.memory_space<semaphore_mem>>
          %dma_start3A_494 = arith.constant 0 : i32
          %dma_start3A_495 = tpu.memref_slice %arg7[%add3A_477, %dma_start3A_494] : memref<10000x128xf32, #tpu.memory_space<hbm>> -> memref<40x128xf32, #tpu.memory_space<hbm>>
          %dma_start3A_496 = arith.constant 0 : i32
          %dma_start3A_497 = tpu.memref_slice %arg7[%add3A_477, %dma_start3A_496] : memref<10000x128xf32, #tpu.memory_space<hbm>> -> memref<40x128xf32, #tpu.memory_space<hbm>>
          tpu.enqueue_dma source(%arg14 : memref<40x128xf32, #tpu.memory_space<vmem>>) target(%dma_start3A_497 : memref<40x128xf32, #tpu.memory_space<hbm>>) target_semaphore(%run_scoped3A : memref<!tpu.dma_semaphore, #tpu.memory_space<semaphore_mem>>)
          %dma_wait3A_498 = arith.constant 0 : i32
          %dma_wait3A_499 = tpu.memref_slice %arg7[%add3A_477, %dma_wait3A_498] : memref<10000x128xf32, #tpu.memory_space<hbm>> -> memref<40x128xf32, #tpu.memory_space<hbm>>
          %dma_wait3A_500 = arith.constant 0 : i32
          %dma_wait3A_501 = tpu.memref_slice %arg7[%add3A_477, %dma_wait3A_500] : memref<10000x128xf32, #tpu.memory_space<hbm>> -> memref<40x128xf32, #tpu.memory_space<hbm>>
          tpu.wait_dma2 semaphore(%run_scoped3A : memref<!tpu.dma_semaphore, #tpu.memory_space<semaphore_mem>>) src(%arg14 : memref<40x128xf32, #tpu.memory_space<vmem>>) dst(%dma_wait3A_501 : memref<40x128xf32, #tpu.memory_space<hbm>>)
          tpu.yield
        }) : () -> ()
      } else {
      }
    } else {
    }
    return
  }
}

module attributes {stable_mosaic.version = 14 : i64} {
  func.func @_mm_bias_body(%arg0: i32, %arg1: memref<4000x16xf32, #tpu.memory_space<vmem>>, %arg2: memref<16x128xf32, #tpu.memory_space<vmem>>, %arg3: memref<1x128xf32, #tpu.memory_space<vmem>>, %arg4: memref<4000x128xf32, #tpu.memory_space<vmem>>) attributes {dimension_semantics = [#tpu.dimension_semantics<arbitrary>], iteration_bounds = array<i64: 80>, scalar_prefetch = 0 : i64, scratch_operands = 0 : i64, tpu.core_type = #tpu.core_type<tc>, window_params = [{transform_indices = @transform_0, window_bounds = array<i64: 4000, 16>}, {pipeline_mode = #tpu.pipeline_mode<synchronous>, transform_indices = @transform_1, window_bounds = array<i64: 16, 128>}, {pipeline_mode = #tpu.pipeline_mode<synchronous>, transform_indices = @transform_2, window_bounds = array<i64: 1, 128>}, {transform_indices = @transform_3, window_bounds = array<i64: 4000, 128>}]} {
    %get3A = arith.constant 0 : index
    %get3A_0 = arith.constant 0 : index
    %get3A_1 = vector.load %arg1[%get3A, %get3A_0] : memref<4000x16xf32, #tpu.memory_space<vmem>>, vector<4000x16xf32>
    %get3A_2 = arith.constant 0 : index
    %get3A_3 = arith.constant 0 : index
    %get3A_4 = vector.load %arg2[%get3A_2, %get3A_3] : memref<16x128xf32, #tpu.memory_space<vmem>>, vector<16x128xf32>
    %dot_general3A = arith.constant dense<0.000000e+00> : vector<4000x128xf32>
    %dot_general3A_5 = tpu.matmul %get3A_1, %get3A_4, %dot_general3A {dimension_numbers = #tpu.dot_dimension_numbers<[1], [0], [0], [1], [0, 0, 1, 1], [], []>, transpose_lhs_hint = false} : vector<4000x16xf32>, vector<16x128xf32>, vector<4000x128xf32> -> vector<4000x128xf32>
    %get3A_6 = arith.constant 0 : index
    %get3A_7 = arith.constant 0 : index
    %get3A_8 = vector.load %arg3[%get3A_6, %get3A_7] : memref<1x128xf32, #tpu.memory_space<vmem>>, vector<1x128xf32>
    %add3A = vector.broadcast %get3A_8 : vector<1x128xf32> to vector<4000x128xf32>
    %add3A_9 = arith.addf %dot_general3A_5, %add3A : vector<4000x128xf32>
    %swap3A = arith.constant 0 : index
    %swap3A_10 = arith.constant 0 : index
    %swap3A_11 = vector.load %arg4[%swap3A, %swap3A_10] : memref<4000x128xf32, #tpu.memory_space<vmem>>, vector<4000x128xf32>
    tpu.vector_store %arg4[%swap3A, %swap3A_10], %add3A_9 {strides = array<i32>} : memref<4000x128xf32, #tpu.memory_space<vmem>>, vector<4000x128xf32>,
    return
  }
  func.func @transform_0(%arg0: i32) -> (i32, i32) {
    %c0_i32 = arith.constant 0 : i32
    %c0_i32_0 = arith.constant 0 : i32
    return %arg0, %c0_i32 : i32, i32
  }
  func.func @transform_1(%arg0: i32) -> (i32, i32) {
    %c0_i32 = arith.constant 0 : i32
    %c0_i32_0 = arith.constant 0 : i32
    %c0_i32_1 = arith.constant 0 : i32
    return %c0_i32, %c0_i32_0 : i32, i32
  }
  func.func @transform_2(%arg0: i32) -> (i32, i32) {
    %c0_i32 = arith.constant 0 : i32
    %c0_i32_0 = arith.constant 0 : i32
    %c0_i32_1 = arith.constant 0 : i32
    return %c0_i32, %c0_i32_0 : i32, i32
  }
  func.func @transform_3(%arg0: i32) -> (i32, i32) {
    %c0_i32 = arith.constant 0 : i32
    %c0_i32_0 = arith.constant 0 : i32
    return %arg0, %c0_i32 : i32, i32
  }
}

module attributes {stable_mosaic.version = 14 : i64} {
  func.func @_mm_body(%arg0: i32, %arg1: memref<2000x128xf32, #tpu.memory_space<vmem>>, %arg2: memref<128x128xf32, #tpu.memory_space<vmem>>, %arg3: memref<2000x128xf32, #tpu.memory_space<vmem>>) attributes {dimension_semantics = [#tpu.dimension_semantics<arbitrary>], iteration_bounds = array<i64: 5>, scalar_prefetch = 0 : i64, scratch_operands = 0 : i64, tpu.core_type = #tpu.core_type<tc>, window_params = [{transform_indices = @transform_0, window_bounds = array<i64: 2000, 128>}, {pipeline_mode = #tpu.pipeline_mode<synchronous>, transform_indices = @transform_1, window_bounds = array<i64: 128, 128>}, {transform_indices = @transform_2, window_bounds = array<i64: 2000, 128>}]} {
    %get3A = arith.constant 0 : index
    %get3A_0 = arith.constant 0 : index
    %get3A_1 = vector.load %arg1[%get3A, %get3A_0] : memref<2000x128xf32, #tpu.memory_space<vmem>>, vector<2000x128xf32>
    %get3A_2 = arith.constant 0 : index
    %get3A_3 = arith.constant 0 : index
    %get3A_4 = vector.load %arg2[%get3A_2, %get3A_3] : memref<128x128xf32, #tpu.memory_space<vmem>>, vector<128x128xf32>
    %dot_general3A = arith.constant dense<0.000000e+00> : vector<2000x128xf32>
    %dot_general3A_5 = tpu.matmul %get3A_1, %get3A_4, %dot_general3A {dimension_numbers = #tpu.dot_dimension_numbers<[1], [0], [0], [1], [0, 0, 1, 1], [], []>, transpose_lhs_hint = false} : vector<2000x128xf32>, vector<128x128xf32>, vector<2000x128xf32> -> vector<2000x128xf32>
    %swap3A = arith.constant 0 : index
    %swap3A_6 = arith.constant 0 : index
    %swap3A_7 = vector.load %arg3[%swap3A, %swap3A_6] : memref<2000x128xf32, #tpu.memory_space<vmem>>, vector<2000x128xf32>
    tpu.vector_store %arg3[%swap3A, %swap3A_6], %dot_general3A_5 {strides = array<i32>} : memref<2000x128xf32, #tpu.memory_space<vmem>>, vector<2000x128xf32>,
    return
  }
  func.func @transform_0(%arg0: i32) -> (i32, i32) {
    %c0_i32 = arith.constant 0 : i32
    %c0_i32_0 = arith.constant 0 : i32
    return %arg0, %c0_i32 : i32, i32
  }
  func.func @transform_1(%arg0: i32) -> (i32, i32) {
    %c0_i32 = arith.constant 0 : i32
    %c0_i32_0 = arith.constant 0 : i32
    %c0_i32_1 = arith.constant 0 : i32
    return %c0_i32, %c0_i32_0 : i32, i32
  }
  func.func @transform_2(%arg0: i32) -> (i32, i32) {
    %c0_i32 = arith.constant 0 : i32
    %c0_i32_0 = arith.constant 0 : i32
    return %arg0, %c0_i32 : i32, i32
  }
}

module attributes {stable_mosaic.version = 14 : i64} {
  func.func @_update_body(%arg0: i32, %arg1: memref<2000x128xf32, #tpu.memory_space<vmem>>, %arg2: memref<2000x128xf32, #tpu.memory_space<vmem>>, %arg3: memref<2000x128xf32, #tpu.memory_space<vmem>>, %arg4: memref<128x128xf32, #tpu.memory_space<vmem>>, %arg5: memref<128x128xf32, #tpu.memory_space<vmem>>, %arg6: memref<1x128xf32, #tpu.memory_space<vmem>>, %arg7: memref<2000x128xf32, #tpu.memory_space<vmem>>) attributes {dimension_semantics = [#tpu.dimension_semantics<arbitrary>], iteration_bounds = array<i64: 5>, scalar_prefetch = 0 : i64, scratch_operands = 0 : i64, tpu.core_type = #tpu.core_type<tc>, window_params = [{transform_indices = @transform_0, window_bounds = array<i64: 2000, 128>}, {transform_indices = @transform_1, window_bounds = array<i64: 2000, 128>}, {transform_indices = @transform_2, window_bounds = array<i64: 2000, 128>}, {pipeline_mode = #tpu.pipeline_mode<synchronous>, transform_indices = @transform_3, window_bounds = array<i64: 128, 128>}, {pipeline_mode = #tpu.pipeline_mode<synchronous>, transform_indices = @transform_4, window_bounds = array<i64: 128, 128>}, {pipeline_mode = #tpu.pipeline_mode<synchronous>, transform_indices = @transform_5, window_bounds = array<i64: 1, 128>}, {transform_indices = @transform_6, window_bounds = array<i64: 2000, 128>}]} {
    %get3A = arith.constant 0 : index
    %get3A_0 = arith.constant 0 : index
    %get3A_1 = vector.load %arg2[%get3A, %get3A_0] : memref<2000x128xf32, #tpu.memory_space<vmem>>, vector<2000x128xf32>
    %get3A_2 = arith.constant 0 : index
    %get3A_3 = arith.constant 0 : index
    %get3A_4 = vector.load %arg3[%get3A_2, %get3A_3] : memref<2000x128xf32, #tpu.memory_space<vmem>>, vector<2000x128xf32>
    %add3A = arith.addf %get3A_1, %get3A_4 : vector<2000x128xf32>
    %get3A_5 = arith.constant 0 : index
    %get3A_6 = arith.constant 0 : index
    %get3A_7 = vector.load %arg1[%get3A_5, %get3A_6] : memref<2000x128xf32, #tpu.memory_space<vmem>>, vector<2000x128xf32>
    %get3A_8 = arith.constant 0 : index
    %get3A_9 = arith.constant 0 : index
    %get3A_10 = vector.load %arg4[%get3A_8, %get3A_9] : memref<128x128xf32, #tpu.memory_space<vmem>>, vector<128x128xf32>
    %dot_general3A = arith.constant dense<0.000000e+00> : vector<2000x128xf32>
    %dot_general3A_11 = tpu.matmul %get3A_7, %get3A_10, %dot_general3A {dimension_numbers = #tpu.dot_dimension_numbers<[1], [0], [0], [1], [0, 0, 1, 1], [], []>, transpose_lhs_hint = false} : vector<2000x128xf32>, vector<128x128xf32>, vector<2000x128xf32> -> vector<2000x128xf32>
    %get3A_12 = arith.constant 0 : index
    %get3A_13 = arith.constant 0 : index
    %get3A_14 = vector.load %arg5[%get3A_12, %get3A_13] : memref<128x128xf32, #tpu.memory_space<vmem>>, vector<128x128xf32>
    %dot_general3A_15 = arith.constant dense<0.000000e+00> : vector<2000x128xf32>
    %dot_general3A_16 = tpu.matmul %add3A, %get3A_14, %dot_general3A_15 {dimension_numbers = #tpu.dot_dimension_numbers<[1], [0], [0], [1], [0, 0, 1, 1], [], []>, transpose_lhs_hint = false} : vector<2000x128xf32>, vector<128x128xf32>, vector<2000x128xf32> -> vector<2000x128xf32>
    %add3A_17 = arith.addf %dot_general3A_11, %dot_general3A_16 : vector<2000x128xf32>
    %get3A_18 = arith.constant 0 : index
    %get3A_19 = arith.constant 0 : index
    %get3A_20 = vector.load %arg6[%get3A_18, %get3A_19] : memref<1x128xf32, #tpu.memory_space<vmem>>, vector<1x128xf32>
    %add3A_21 = vector.broadcast %get3A_20 : vector<1x128xf32> to vector<2000x128xf32>
    %add3A_22 = arith.addf %add3A_17, %add3A_21 : vector<2000x128xf32>
    %max3A = arith.constant 0.000000e+00 : f32
    %max3A_23 = vector.broadcast %max3A : f32 to vector<2000x128xf32>
    %max3A_24 = arith.maximumf %add3A_22, %max3A_23 : vector<2000x128xf32>
    %swap3A = arith.constant 0 : index
    %swap3A_25 = arith.constant 0 : index
    %swap3A_26 = vector.load %arg7[%swap3A, %swap3A_25] : memref<2000x128xf32, #tpu.memory_space<vmem>>, vector<2000x128xf32>
    tpu.vector_store %arg7[%swap3A, %swap3A_25], %max3A_24 {strides = array<i32>} : memref<2000x128xf32, #tpu.memory_space<vmem>>, vector<2000x128xf32>,
    return
  }
  func.func @transform_0(%arg0: i32) -> (i32, i32) {
    %c0_i32 = arith.constant 0 : i32
    %c0_i32_0 = arith.constant 0 : i32
    return %arg0, %c0_i32 : i32, i32
  }
  func.func @transform_1(%arg0: i32) -> (i32, i32) {
    %c0_i32 = arith.constant 0 : i32
    %c0_i32_0 = arith.constant 0 : i32
    return %arg0, %c0_i32 : i32, i32
  }
  func.func @transform_2(%arg0: i32) -> (i32, i32) {
    %c0_i32 = arith.constant 0 : i32
    %c0_i32_0 = arith.constant 0 : i32
    return %arg0, %c0_i32 : i32, i32
  }
  func.func @transform_3(%arg0: i32) -> (i32, i32) {
    %c0_i32 = arith.constant 0 : i32
    %c0_i32_0 = arith.constant 0 : i32
    %c0_i32_1 = arith.constant 0 : i32
    return %c0_i32, %c0_i32_0 : i32, i32
  }
  func.func @transform_4(%arg0: i32) -> (i32, i32) {
    %c0_i32 = arith.constant 0 : i32
    %c0_i32_0 = arith.constant 0 : i32
    %c0_i32_1 = arith.constant 0 : i32
    return %c0_i32, %c0_i32_0 : i32, i32
  }
  func.func @transform_5(%arg0: i32) -> (i32, i32) {
    %c0_i32 = arith.constant 0 : i32
    %c0_i32_0 = arith.constant 0 : i32
    %c0_i32_1 = arith.constant 0 : i32
    return %c0_i32, %c0_i32_0 : i32, i32
  }
  func.func @transform_6(%arg0: i32) -> (i32, i32) {
    %c0_i32 = arith.constant 0 : i32
    %c0_i32_0 = arith.constant 0 : i32
    return %arg0, %c0_i32 : i32, i32
  }
}

</mosaic_0001>

<sc_bundles>
// kernel: kernel.6.cloned.1.call-start
scs
__scs_entry_jumppad:
0x0: {  	(pc) =	sbr.rel $0x88, $3  }
0x1: {  	(tag) =	ssettag $0x0;
	lr =	simm.s32 $0x1  }
0x2: {  	[smem:$0x3F9A] =	sst lr;
	_ =	strace $0xD0000000  }
0x3: {  	_ = 	snop  }
0x4: {  	_ = 	snop  }
0x5: {  	_ = 	snop  }
0x6: {  	_ = 	snop  }
0x7: {  	_ = 	snop  }
__scs_overlays_trampoline_lowered:
0x8: {  	[smem:$0x3FA9] =	sst s0  }
0x9: {  	[smem:$0x3FAA] =	sst s1  }
0xa: {  	[smem:$0x3FAB] =	sst s2  }
0xb: {  	[smem:$0x3FAC] =	sst s3  }
0xc: {  	[smem:$0x3FAD] =	sst s4  }
0xd: {  	[smem:$0x3FAE] =	sst s5  }
0xe: {  	[smem:$0x3FAF] =	sst s6  }
0xf: {  	[smem:$0x3FB0] =	sst s7  }
0x10: {  	[smem:$0x3FB1] =	sst s8  }
0x11: {  	[smem:$0x3FB2] =	sst s9;
	s0 =	simm.s32 @!p0 $0x0  }
0x12: {  	s1 =	sld [smem:$0x3F98];
	s0 =	simm.s32 @p0 $0x1  }
0x13: {  	[smem:$0x3FB3] =	sst s0;
	s0 =	simm.s32 @!p1 $0x0  }
0x14: {  	s2 =	sld [smem:$0x3F97];
	s0 =	simm.s32 @p1 $0x1  }
0x15: {  	[smem:$0x3FB4] =	sst s0;
	s0 =	simm.s32 @!p2 $0x0  }
0x16: {  	s3 =	sld [smem:$0x3FDB];
	s0 =	simm.s32 @p2 $0x1  }
0x17: {  	s4 =	simm.s32 $0x1BF5;
	[smem:$0x3FB6] =	sst s0  }
0x18: {  	s0 =	sld [smem:$0x3F99];
	_ =	swait.ge [sflag:s4], $0x0  }
0x19: {  	s7 =	sld [smem:$0x3F9A]  }
0x1a: {  	s8 =	sadd.s32 $0xFFFFE003, lr  }
0x1b: {  	s9 =	sadd.s32 $0xFFFFFEF7, lr;
	s5 =	simm.s32 $0xFFFFFFFF;
	p2 =	slt.u32 s8, $0xFFFFF086  }
0x1c: {  	p1 =	slt.u32 s9, $0xF7A;
	s5 =	simm.s32 @!p2 $0x0  }
0x1d: {  	s5 =	simm.s32 @p1 $0x1;
	p0 =	seq.s32 s7, s2  }
0x1e: {  	s7 =	smul.u32 @!p0 $0xF7A, s2;
	p2 =	seq.s32 @!p0 s5, $0x0  }
0x1f: {  	s9 =	smul.u32 $0xF7A, s1;
	s8 =	simm.s32 @!p0 $0x1BF5;
	p2 =	por !p2, p0  }
0x20: {  	[sflag:s8] =	ssyncset.s32 @!p0 $0xFFFFF086;
	s6 =	sadd.s32 @!p0 s3, s7;
	s7 =	simm.s32 @!p0 $0x108  }
0x21: {  	s3 =	sadd.s32 s3, s9;
	s6 =	sadd.s32 @!p0 $0x88, s6;
	s7 =	simm.s32 @p2 $0x1082  }
0x22: {  	[simem:s7], [sflag:s8] =	dma.local @!p0 [hbm:s6], $0xF7A  }
0x23: {  	s9 =	sor.u32 $0xD0000000, s2;
	s6 =	simm.s32 $0x108;
	_ =	swait.ge @!p0 [sflag:s8], $0x0  }
0x24: {  	s3 =	sadd.s32 $0x88, s3;
	s6 =	simm.s32 @!p1 $0x1082;
	[sflag:s4] =	ssyncset.s32 $0xFFFFF086  }
0x25: {  	[simem:s6], [sflag:s4] =	dma.local [hbm:s3], $0xF7A  }
0x26: {  	[smem:$0x3F9A] =	sst s1;
	(tag) =	ssettag s2;
	_ =	strace s9  }
0x27: {  	s1 =	sld [smem:$0x3FAA]  }
0x28: {  	s2 =	sld [smem:$0x3FAB]  }
0x29: {  	s4 =	sld [smem:$0x3FAD]  }
0x2a: {  	p0 =	seq.s32 s5, $0x0;
	s5 =	sld [smem:$0x3FAE]  }
0x2b: {  	s6 =	sld [smem:$0x3FAF]  }
0x2c: {  	s7 =	sld [smem:$0x3FB0]  }
0x2d: {  	s3 =	simm.s32 $0x108;
	s8 =	sld [smem:$0x3FB1]  }
0x2e: {  	s3 =	simm.s32 @!p0 $0x1082;
	s9 =	sld [smem:$0x3FB2]  }
0x2f: {  	lr =	sadd.s32 s0, s3;
	s0 =	sld [smem:$0x3FA9]  }
0x30: {  	s3 =	sld [smem:$0x3FAC]  }
0x31: {  	[smem:$0x3FB5] =	sst s10  }
0x32: {  	s10 =	sld [smem:$0x3FB3];
	_ =	sdelay $0x3  }
0x33: {  	p0 =	seq.s32 s10, $0x1;
	s10 =	sld [smem:$0x3FB5];
	_ =	sdelay $0x3  }
0x34: {  	[smem:$0x3FB5] =	sst s10  }
0x35: {  	s10 =	sld [smem:$0x3FB4];
	_ =	sdelay $0x3  }
0x36: {  	p1 =	seq.s32 s10, $0x1;
	s10 =	sld [smem:$0x3FB5];
	_ =	sdelay $0x3  }
0x37: {  	[smem:$0x3FB5] =	sst s10  }
0x38: {  	s10 =	sld [smem:$0x3FB6]  }
0x39: {  	_ = 	snop;
	(pc) =	sbr.ind lr, $3  }
0x3a: {  	_ = 	snop  }
0x3b: {  	_ = 	snop  }
0x3c: {  	p2 =	seq.s32 s10, $0x1;
	s10 =	sld [smem:$0x3FB5]  }
0x3d: {  	_ =	shalt  }
0x3e: {  	_ =	shalt  }
0x3f: {  	_ =	shalt  }
0x40: {  	_ =	shalt  }
0x41: {  	_ =	shalt  }
0x42: {  	_ =	shalt  }
0x43: {  	_ =	shalt  }
0x44: {  	_ =	shalt  }
0x45: {  	_ =	shalt  }
0x46: {  	_ =	shalt  }
0x47: {  	_ =	shalt  }
0x48: {  	_ =	shalt  }
0x49: {  	_ =	shalt  }
0x4a: {  	_ =	shalt  }
0x4b: {  	_ =	shalt  }
0x4c: {  	_ =	shalt  }
0x4d: {  	_ =	shalt  }
0x4e: {  	_ =	shalt  }
0x4f: {  	_ =	shalt  }
0x50: {  	_ =	shalt  }
0x51: {  	_ =	shalt  }
0x52: {  	_ =	shalt  }
0x53: {  	_ =	shalt  }
0x54: {  	_ =	shalt  }
0x55: {  	_ =	shalt  }
0x56: {  	_ =	shalt  }
0x57: {  	_ =	shalt  }
0x58: {  	_ =	shalt  }
0x59: {  	_ =	shalt  }
0x5a: {  	_ =	shalt  }
0x5b: {  	_ =	shalt  }
0x5c: {  	_ =	shalt  }
0x5d: {  	_ =	shalt  }
0x5e: {  	_ =	shalt  }
0x5f: {  	_ =	shalt  }
0x60: {  	_ =	shalt  }
0x61: {  	_ =	shalt  }
0x62: {  	_ =	shalt  }
0x63: {  	_ =	shalt  }
0x64: {  	_ =	shalt  }
0x65: {  	_ =	shalt  }
0x66: {  	_ =	shalt  }
0x67: {  	_ =	shalt  }
0x68: {  	_ =	shalt  }
0x69: {  	_ =	shalt  }
0x6a: {  	_ =	shalt  }
0x6b: {  	_ =	shalt  }
0x6c: {  	_ =	shalt  }
0x6d: {  	_ =	shalt  }
0x6e: {  	_ =	shalt  }
0x6f: {  	_ =	shalt  }
0x70: {  	_ =	shalt  }
0x71: {  	_ =	shalt  }
0x72: {  	_ =	shalt  }
0x73: {  	_ =	shalt  }
0x74: {  	_ =	shalt  }
0x75: {  	_ =	shalt  }
0x76: {  	_ =	shalt  }
0x77: {  	_ =	shalt  }
0x78: {  	_ =	shalt  }
0x79: {  	_ =	shalt  }
0x7a: {  	_ =	shalt  }
0x7b: {  	_ =	shalt  }
0x7c: {  	_ =	shalt  }
0x7d: {  	_ =	shalt  }
0x7e: {  	_ =	shalt  }
0x7f: {  	_ =	shalt  }
0x80: {  	_ =	shalt  }
0x81: {  	_ =	shalt  }
0x82: {  	_ =	shalt  }
0x83: {  	_ =	shalt  }
0x84: {  	_ =	shalt  }
0x85: {  	_ =	shalt  }
0x86: {  	_ =	shalt  }
0x87: {  	_ =	shalt  }
.Lfunc_end0:
.L_simem_size_0:
called_computation_lowered:
.L_overlay_start_0:
0x88: {  	s2 =	sld [smem:$0x3FD9]  }
0x89: {  	s3 =	sld [smem:$0x3FFE];
	_ =	sdelay $0x1  }
0x8a: {  	s1 =	srdreg.scid  }
0x8b: {  	s0 =	sand.u32 $0x1, s1  }
0x8c: {  	s17 =	sshll.u32 s0, $0xA;
	s2 =	sadd.s32 s3, s2  }
0x8d: {  	s2 =	sadd.s32 s2, s17  }
0x8e: {  	[smem:$0x3FC1] =	sst s2  }
0x8f: {  	_ = 	snop  }
0x90: {  	s2 =	sld [smem:$0x3FD0];
	(tm) =	ssettm $0x1  }
0x91: {  	s18 =	sld [smem:$0x3FFB];
	_ =	sdelay $0x3  }
0x92: {  	_ =	strace s18  }
0x93: {  	s3 =	sld [smem:$0x3FFC];
	_ =	sdelay $0x3  }
0x94: {  	_ =	strace s3  }
0x95: {  	s3 =	sld [smem:$0x3FFD];
	_ =	sdelay $0x3  }
0x96: {  	_ =	strace s3  }
0x97: {  	_ =	strace $0x8FFFFFFF  }
0x98: {  	s19 =	sld [smem:$0x3FDB];
	_ =	sdelay $0x1  }
0x99: {  	s4 =	simm.s32 $_scs_section_size  }
0x9a: {  	s5 =	simm.s32 $_size__tile_overlayer_lowered;
	s6 =	simm.s32 $_tile_overlayer_lowered  }
0x9b: {  	s22 =	simm.s32 $0x1BFF;
	s21 =	sshll.u32 s6, $0x1;
	s3 =	sadd.s32 s4, s19  }
0x9c: {  	s7 =	simm.s32 $0x0;
	s20 =	sshll.u32 s5, $0x1;
	s5 =	sadd.s32 s21, s3  }
0x9d: {  	[timem:s7], [sflag:s22] =	dma.local [hbm:s5], s20  }
0x9e: {  	_ =	swait.ge [sflag:s22], s20  }
0x9f: {  	s4 =	ssub.s32 $0x0, s20;
	[sflag:s22] =	ssyncset.done $0x0  }
0xa0: {  	[sflag:s22] =	ssyncadd.s32 s4;
	_ =	sdelay $0x1  }
0xa1: {  	s23 =	simm.s32 $0x1B8B  }
0xa2: {  	_ =	swait.ge [sflag:s23], $0x1  }
0xa3: {  	[sflag:s23] =	ssyncset.done $0x0  }
0xa4: {  	s25 =	simm.s32 $0x1B8E;
	s24 =	sld [smem:$0x3FFE];
	[sflag:s23] =	ssyncadd.s32 $0xFFFFFFFF  }
0xa5: {  	s26 =	simm.s32 $execute0_lowered;
	[smem:$0x3FD2] =	sst s25  }
0xa6: {  	s5 =	sshll.u32 s26, $0x1;
	_ =	strace $0x80000046;
	[dreg:$0x1] =	wrdreg $0xFFFFFFFF  }
0xa7: {  	s28 =	simm.s32 $_size_execute0_lowered;
	s3 =	sadd.s32 s3, s5;
	[dreg:$0x0] =	wrdreg $0x0  }
0xa8: {  	s5 =	sshll.u32 s28, $0x1;
	[dreg:$0x2] =	wrdreg s3  }
0xa9: {  	[dreg:$0x3] =	wrdreg s5  }
0xaa: {  	[dreg:$0x4] =	wrdreg $0xC0  }
0xab: {  	_ =	task [dreg:s7], $0x5FFFF  }
0xac: {  	[dreg:$0x1] =	wrdreg $0xFFFFFFFF  }
0xad: {  	[dreg:$0x0] =	wrdreg $0x60  }
0xae: {  	[dreg:$0x2] =	wrdreg s2  }
0xaf: {  	[dreg:$0x3] =	wrdreg s24  }
0xb0: {  	[dreg:$0x4] =	wrdreg $0xC7000  }
0xb1: {  	[dreg:$0x5] =	wrdreg $0x9  }
0xb2: {  	_ =	task.clear_ibuf [dreg:s7], $0x6FFFF;
	_ =	strace $0x90000046  }
0xb3: {  	s29 =	simm.s32 $0x9;
	_ =	strace $0x80000048  }
0xb4: {  	_ =	swait.ge [sflag:s29], $0x1  }
0xb5: {  	[sflag:s29] =	ssyncadd.s32 $0xFFFFFFFF  }
0xb6: {  	_ =	strace $0x90000048  }
0xb7: {  	_ =	sfence  }
0xb8: {  	s30 =	sld [smem:$0x0];
	_ =	sdelay $0x2  }
0xb9: {  	s31 =	sshll.u32 s1, $0xD;
	s1 =	sshrl.u32 s1, $0x2  }
0xba: {  	s3 =	sand.u32 $0x4000, s31;
	s1 =	sadd.s32 s1, s30  }
0xbb: {  	s0 =	sor.u32 s3, s0;
	s1 =	sshll.u32 s1, $0x11  }
0xbc: {  	s0 =	sor.u32 s1, s0  }
0xbd: {  	s0 =	sadd.s32 $0x8F2B, s0  }
0xbe: {  	[sflag:s0] =	ssyncadd.remote.s32 $0x1  }
0xbf: {  	_ =	sfence.sel $0xFFFF  }
0xc0: {  	[dreg:$0x0] =	wrdreg $0xFFFFFFFF;
	(pc) =	sbr.abs _section_cstart, $3  }
0xc1: {  	[dreg:$0x1] =	wrdreg $0xFFFFFFFF  }
0xc2: {  	_ =	task.clear_ibuf [dreg:s7], $0x2FFFF;
	_ =	strace $0x9FFFFFFF  }
0xc3: {  	(tm) =	ssettm $0x7FFFFFFF  }
tec
execute0_lowered:
.L_overlay_start_1:
0x0: {  	(tag) =	ssettag $0x1  }
0x1: {  	s0 =	rddreg [dreg:$0x0]  }
0x2: {  	s2 =	rddreg [dreg:$0x1]  }
0x3: {  	s1 =	srdreg.scid;
	s3 =	rddreg [dreg:$0x2]  }
0x4: {  	s12 =	stileid.u32;
	s4 =	simm.s32 $0x0;
	s7 =	sand.u32 $0x1, s1  }
0x5: {  	[smem:$0x7FF] =	sst s4;
	s6 =	sadd.s32 $0x4F7400, s2;
	s11 =	smul.u32 $0x50000, s12  }
0x6: {  	s1 =	sshll.u32 s7, $0x4;
	_ =	strace $0x80000047;
	s20 =	ssub.s32 $0x2, s7  }
0x7: {  	p0 =	seq.s32 s7, $0x1;
	s7 =	simm.s32 $0x3C600;
	s8 =	sor.u32 s12, s1  }
0x8: {  	s10 =	sshrl.u32 s20, $0x1;
	s22 =	sshrl.u32 s11, $0x2;
	s5 =	smul.u32 $0x2710, s8  }
0x9: {  	s7 =	simm.s32 @!p0 $0x15400;
	s1 =	ssub.s32 s20, s10;
	s10 =	smul.u32 $0x280, s12  }
0xa: {  	s14 =	sadd.s32 s7, s2;
	[smem:$0x7FB] =	sst s1;
	s9 =	sshrl.u32 s5, $0x3  }
0xb: {  	s23 =	sor.u32 $0x28, s10;
	s31 =	sor.u32 $0x78, s10;
	s20 =	sadd.s32 $0xA0, s10  }
0xc: {  	s9 =	sadd.s32 s9, s2;
	[smem:$0x7FA] =	sst s23;
	s24 =	sshll.u32 s23, $0x7  }
0xd: {  	s1 =	sshll.u32 s31, $0x7;
	s13 =	sshll.u32 s20, $0x7;
	s23 =	sadd.s32 $0x140, s10  }
0xe: {  	s20 =	sshll.u32 s20, $0x4;
	s21 =	sadd.s32 $0xB600, s9;
	s9 =	sadd.s32 $0x1800, s9  }
0xf: {  	s11 =	sadd.s32 s24, s3;
	s12 =	sadd.s32 s1, s3;
	s13 =	sadd.s32 s13, s3  }
0x10: {  	s24 =	sadd.s32 $0x118, s10;
	[dreg:$0x5] =	wrdreg s9;
	s9 =	sadd.s32 s22, s3  }
0x11: {  	s18 =	sshll.u32 s23, $0x7;
	[dreg:$0x6] =	wrdreg s9;
	s9 =	sor.u32 $0x50, s10  }
0x12: {  	s1 =	sadd.s32 $0x230, s10;
	[dreg:$0x4] =	wrdreg s21;
	s25 =	sshll.u32 s9, $0x7  }
0x13: {  	[dreg:$0x7] =	wrdreg s11;
	s21 =	sadd.s32 $0xC8, s10;
	s26 =	sadd.s32 s25, s3  }
0x14: {  	s22 =	sadd.s32 $0xF0, s10;
	[dreg:$0x8] =	wrdreg s26;
	s26 =	sadd.s32 $0x190, s10  }
0x15: {  	s17 =	sshll.u32 s24, $0x7;
	s11 =	sadd.s32 $0x1E0, s10;
	s28 =	sshll.u32 s26, $0x7  }
0x16: {  	s2 =	sshll.u32 s22, $0x7;
	s7 =	sadd.s32 s28, s3;
	s28 =	sadd.s32 $0x1B8, s10  }
0x17: {  	s22 =	sshll.u32 s22, $0x4;
	s9 =	sshll.u32 s9, $0x4;
	s29 =	sshll.u32 s28, $0x7  }
0x18: {  	s9 =	sadd.s32 s14, s9;
	[dreg:$0x9] =	wrdreg s7;
	s29 =	sadd.s32 s29, s3  }
0x19: {  	s7 =	sadd.s32 $0x208, s10;
	[dreg:$0xc] =	wrdreg s29;
	s29 =	sshll.u32 s11, $0x7  }
0x1a: {  	[dreg:$0x18] =	wrdreg s9;
	s30 =	sshll.u32 s7, $0x7;
	s29 =	sadd.s32 s29, s3  }
0x1b: {  	s16 =	sadd.s32 s2, s3;
	[dreg:$0xd] =	wrdreg s29;
	s29 =	sadd.s32 s30, s3  }
0x1c: {  	s9 =	sadd.s32 s14, s20;
	[dreg:$0xe] =	wrdreg s29;
	s29 =	smul.u32 $0x138800, s8  }
0x1d: {  	s20 =	sadd.s32 s14, s22;
	[dreg:$0x1a] =	wrdreg s9;
	s8 =	smul.u32 $0x27100, s8  }
0x1e: {  	s2 =	sadd.s32 $0x258, s10;
	s25 =	sadd.s32 $0x168, s10;
	[dreg:$0x1c] =	wrdreg s20  }
0x1f: {  	s10 =	sshrl.u32 s29, $0x3;
	s29 =	sshll.u32 s1, $0x7;
	s8 =	sadd.s32 s6, s8  }
0x20: {  	s19 =	sshll.u32 s25, $0x7;
	s29 =	sadd.s32 s29, s3;
	[dreg:$0x13] =	wrdreg s8  }
0x21: {  	s30 =	sshll.u32 s2, $0x7;
	s10 =	sadd.s32 s6, s10;
	[dreg:$0x11] =	wrdreg s29  }
0x22: {  	s29 =	sadd.s32 s30, s3;
	s30 =	sshll.u32 s23, $0x4;
	s23 =	sshll.u32 s25, $0x4  }
0x23: {  	s25 =	sshll.u32 s26, $0x4;
	s26 =	sshll.u32 s28, $0x4;
	s28 =	sld [smem:$0x7FB]  }
0x24: {  	s18 =	sadd.s32 s18, s3;
	s10 =	sadd.s32 $0x280, s10;
	[dreg:$0x12] =	wrdreg s29  }
0x25: {  	s15 =	sshll.u32 s21, $0x7;
	s17 =	sadd.s32 s17, s3;
	[dreg:$0x14] =	wrdreg s10  }
0x26: {  	s21 =	sshll.u32 s21, $0x4;
	s10 =	sld [smem:$0x7FA];
	s22 =	sadd.s32 s14, s30  }
0x27: {  	s15 =	sadd.s32 s15, s3;
	s25 =	sadd.s32 s14, s25;
	[dreg:$0x1e] =	wrdreg s22  }
0x28: {  	s19 =	sadd.s32 s19, s3;
	s26 =	sadd.s32 s14, s26;
	[smem:$0x7FC] =	sst s25  }
0x29: {  	s29 =	sshll.u32 s24, $0x4;
	s30 =	simm.s32 $0x28;
	[smem:$0x7FD] =	sst s26  }
0x2a: {  	s25 =	simm.s32 $0x1;
	s26 =	simm.s32 $0x7;
	s28 =	smax.u32 s28, $0x1  }
0x2b: {  	s8 =	sshll.u32 s10, $0x4;
	s10 =	sshll.u32 s31, $0x4;
	s31 =	stileid.u32  }
0x2c: {  	[dreg:$0x15] =	wrdreg s28;
	s8 =	sadd.s32 s14, s8;
	p0 =	seq.s32 s31, $0xF  }
0x2d: {  	s28 =	simm.s32 $0x0;
	[dreg:$0x17] =	wrdreg s8;
	s1 =	simm.s32 @p0 $0x27B0  }
0x2e: {  	s24 =	smul.u32 $0x2800, s31;
	s11 =	simm.s32 @p0 $0x2760;
	[dreg:$0xf] =	wrdreg s1  }
0x2f: {  	s31 =	simm.s32 $0x8B00;
	s7 =	simm.s32 @p0 $0x2788;
	[dreg:$0xa] =	wrdreg s11  }
0x30: {  	s2 =	simm.s32 @p0 $0x27D8;
	s8 =	simm.s32 $0x9F00;
	[dreg:$0xb] =	wrdreg s7  }
0x31: {  	s24 =	sadd.s32 s14, s24;
	[dreg:$0x10] =	wrdreg s2;
	s1 =	simm.s32 $0x6300  }
.Ltmp0:
0x32: {  	[dreg:$0x16] =	wrdreg s24;
	s24 =	sadd.s32 s14, s10;
	(pc) =	sbr.rel .LBB2_1-.Ltmp0, $4  }
0x33: {  	s2 =	simm.s32 $0x3;
	s10 =	sadd.s32 s14, s21;
	[dreg:$0x19] =	wrdreg s24  }
0x34: {  	s7 =	simm.s32 $0x4;
	s21 =	sadd.s32 s14, s29;
	[dreg:$0x1b] =	wrdreg s10  }
0x35: {  	s29 =	simm.s32 $0x2;
	[dreg:$0x1d] =	wrdreg s21;
	s24 =	sadd.s32 s14, s23  }
0x36: {  	v0 =	vimm.f32 $0.0e+00;
	s21 =	simm.s32 $0xB300;
	[dreg:$0x1f] =	wrdreg s24;
	s24 =	simm.s32 $0x5  }
.LBB2_12:
0x37: {  	s28 =	sadd.s32 $0x1, s28;
	s9 =	rddreg [dreg:$0x15]  }
0x38: {  	p1 =	sne.s32 s28, s9  }
.Ltmp1:
0x39: {  	_ = 	snop;
	(pc) =	sbr.rel @!p1 .LBB2_13-.Ltmp1, $1  }
0x3a: {  	_ =	sdelay $0x3  }
.LBB2_1:
0x3b: {  	s9 =	rddreg [dreg:$0x4]  }
0x3c: {  	[tilespmem:s4], [sflag:$0x1] =	stream.linear.gather [hbm4b:s9+s4], $0x2710, $0x38;
	[tilespmem:$0x1FF80] =	vst v63  }
0x3d: {  	s23 =	rddreg [dreg:$0x5];
	s10 =	simm.s32 $0x2780  }
0x3e: {  	[tilespmem:s10], [sflag:$0x2] =	stream.linear.gather [hbm4b:s23+s4], $0x2710, $0x38;
	[tilespmem:$0x1FF80] =	vst v63  }
0x3f: {  	s9 =	simm.s32 $0x0;
	s10 =	simm.s32 $0x200  }
.LBB2_2:
0x40: {  	p1 =	sne.s32 s10, $0x4E00;
	[tilespmem:s9+$0x9F70] =	vst v0  }
0x41: {  	[tilespmem:s9+$0x9F00] =	vst v0  }
0x42: {  	[tilespmem:s9+$0x9F10] =	vst v0  }
.Ltmp2:
0x43: {  	[tilespmem:s9+$0x9F20] =	vst v0;
	(pc) =	sbr.rel @p1 .LBB2_2-.Ltmp2, $4  }
0x44: {  	[tilespmem:s9+$0x9F30] =	vst v0  }
0x45: {  	[tilespmem:s9+$0x9F40] =	vst v0  }
0x46: {  	[tilespmem:s9+$0x9F50] =	vst v0  }
0x47: {  	[tilespmem:s9+$0x9F60] =	vst v0;
	s9 =	sshra.s32 s10, $0x2;
	s10 =	sadd.s32 $0x200, s10  }
0x48: {  	[tilespmem:s9+$0x9F70] =	vst v0  }
0x49: {  	[tilespmem:s9+$0x9F00] =	vst v0  }
0x4a: {  	[tilespmem:s9+$0x9F10] =	vst v0  }
0x4b: {  	[tilespmem:s9+$0x9F20] =	vst v0  }
0x4c: {  	[tilespmem:s9+$0x9F30] =	vst v0  }
0x4d: {  	[tilespmem:s9+$0x9F40] =	vst v0  }
0x4e: {  	[tilespmem:s9+$0x9F50] =	vst v0  }
0x4f: {  	[tilespmem:s9+$0x9F60] =	vst v0;
	s20 =	rddreg [dreg:$0x6]  }
0x50: {  	[spmem:s20] =	stream.linear.scatter [tilespmem:s8], [sflag:$0x5], $0x1400, $0x38;
	[tilespmem:$0x1FF80] =	vst v63  }
0x51: {  	s22 =	rddreg [dreg:$0x7]  }
0x52: {  	[spmem:s22] =	stream.linear.scatter [tilespmem:s8], [sflag:$0x5], $0x1400, $0x38;
	[tilespmem:$0x1FF80] =	vst v63  }
0x53: {  	s23 =	rddreg [dreg:$0x8]  }
0x54: {  	[spmem:s23] =	stream.linear.scatter [tilespmem:s8], [sflag:$0x5], $0x1400, $0x38;
	[tilespmem:$0x1FF80] =	vst v63  }
0x55: {  	_ = 	snop  }
0x56: {  	[spmem:s12] =	stream.linear.scatter [tilespmem:s8], [sflag:$0x5], $0x1400, $0x38;
	[tilespmem:$0x1FF80] =	vst v63  }
0x57: {  	_ = 	snop  }
0x58: {  	[spmem:s13] =	stream.linear.scatter [tilespmem:s8], [sflag:$0x5], $0x1400, $0x38;
	[tilespmem:$0x1FF80] =	vst v63  }
0x59: {  	_ = 	snop  }
0x5a: {  	[spmem:s15] =	stream.linear.scatter [tilespmem:s8], [sflag:$0x5], $0x1400, $0x38;
	[tilespmem:$0x1FF80] =	vst v63  }
0x5b: {  	_ = 	snop  }
0x5c: {  	[spmem:s16] =	stream.linear.scatter [tilespmem:s8], [sflag:$0x5], $0x1400, $0x38;
	[tilespmem:$0x1FF80] =	vst v63  }
0x5d: {  	_ = 	snop  }
0x5e: {  	[spmem:s17] =	stream.linear.scatter [tilespmem:s8], [sflag:$0x5], $0x1400, $0x38;
	[tilespmem:$0x1FF80] =	vst v63  }
0x5f: {  	_ = 	snop  }
0x60: {  	[spmem:s18] =	stream.linear.scatter [tilespmem:s8], [sflag:$0x5], $0x1400, $0x38;
	[tilespmem:$0x1FF80] =	vst v63  }
0x61: {  	_ = 	snop  }
0x62: {  	[spmem:s19] =	stream.linear.scatter [tilespmem:s8], [sflag:$0x5], $0x1400, $0x38;
	[tilespmem:$0x1FF80] =	vst v63  }
0x63: {  	s9 =	simm.s32 @!p0 $0x9F00;
	s10 =	rddreg [dreg:$0x9]  }
0x64: {  	[spmem:s10] =	stream.linear.scatter @!p0 [tilespmem:s9], [sflag:$0x5], $0x1400, $0x38;
	[tilespmem:$0x1FF80] =	vst v63  }
0x65: {  	s10 =	rddreg [dreg:$0xc]  }
0x66: {  	[spmem:s10] =	stream.linear.scatter @!p0 [tilespmem:s9], [sflag:$0x5], $0x1400, $0x38;
	[tilespmem:$0x1FF80] =	vst v63  }
0x67: {  	s10 =	rddreg [dreg:$0xd]  }
0x68: {  	[spmem:s10] =	stream.linear.scatter @!p0 [tilespmem:s9], [sflag:$0x5], $0x1400, $0x38;
	[tilespmem:$0x1FF80] =	vst v63  }
0x69: {  	s10 =	rddreg [dreg:$0xe]  }
0x6a: {  	[spmem:s10] =	stream.linear.scatter @!p0 [tilespmem:s9], [sflag:$0x5], $0x1400, $0x38;
	[tilespmem:$0x1FF80] =	vst v63  }
0x6b: {  	s10 =	rddreg [dreg:$0x11]  }
0x6c: {  	[spmem:s10] =	stream.linear.scatter @!p0 [tilespmem:s9], [sflag:$0x5], $0x1400, $0x38;
	[tilespmem:$0x1FF80] =	vst v63  }
0x6d: {  	s10 =	rddreg [dreg:$0x12]  }
0x6e: {  	[spmem:s10] =	stream.linear.scatter @!p0 [tilespmem:s9], [sflag:$0x5], $0x1400, $0x38;
	[tilespmem:$0x1FF80] =	vst v63  }
0x6f: {  	_ =	swait.ge [sflag:s24], $0x1400  }
0x70: {  	[sflag:s24] =	ssyncset.done $0x0  }
0x71: {  	[sflag:s24] =	ssyncadd.s32 $0xFFFFEC00  }
0x72: {  	_ =	swait.ge [sflag:s24], $0x1400  }
0x73: {  	[sflag:s24] =	ssyncset.done $0x0  }
0x74: {  	[sflag:s24] =	ssyncadd.s32 $0xFFFFEC00  }
0x75: {  	_ =	swait.ge [sflag:s24], $0x1400  }
0x76: {  	[sflag:s24] =	ssyncset.done $0x0  }
0x77: {  	[sflag:s24] =	ssyncadd.s32 $0xFFFFEC00  }
0x78: {  	_ =	swait.ge [sflag:s24], $0x1400  }
0x79: {  	[sflag:s24] =	ssyncset.done $0x0  }
0x7a: {  	[sflag:s24] =	ssyncadd.s32 $0xFFFFEC00  }
0x7b: {  	_ =	swait.ge [sflag:s24], $0x1400  }
0x7c: {  	[sflag:s24] =	ssyncset.done $0x0  }
0x7d: {  	[sflag:s24] =	ssyncadd.s32 $0xFFFFEC00  }
0x7e: {  	_ =	swait.ge [sflag:s24], $0x1400  }
0x7f: {  	[sflag:s24] =	ssyncset.done $0x0  }
0x80: {  	[sflag:s24] =	ssyncadd.s32 $0xFFFFEC00  }
0x81: {  	_ =	swait.ge [sflag:s24], $0x1400  }
0x82: {  	[sflag:s24] =	ssyncset.done $0x0  }
0x83: {  	[sflag:s24] =	ssyncadd.s32 $0xFFFFEC00  }
0x84: {  	_ =	swait.ge [sflag:s24], $0x1400  }
0x85: {  	[sflag:s24] =	ssyncset.done $0x0  }
0x86: {  	[sflag:s24] =	ssyncadd.s32 $0xFFFFEC00  }
0x87: {  	_ =	swait.ge [sflag:s24], $0x1400  }
0x88: {  	[sflag:s24] =	ssyncset.done $0x0  }
0x89: {  	[sflag:s24] =	ssyncadd.s32 $0xFFFFEC00  }
0x8a: {  	_ =	swait.ge [sflag:s24], $0x1400  }
0x8b: {  	[sflag:s24] =	ssyncset.done $0x0  }
0x8c: {  	s9 =	simm.s32 @!p0 $0x5;
	[sflag:s24] =	ssyncadd.s32 $0xFFFFEC00  }
0x8d: {  	_ =	swait.ge @!p0 [sflag:s9], $0x1400  }
0x8e: {  	[sflag:s9] =	ssyncset.done @!p0 $0x0  }
0x8f: {  	[sflag:s9] =	ssyncadd.s32 @!p0 $0xFFFFEC00  }
0x90: {  	_ =	swait.ge @!p0 [sflag:s9], $0x1400  }
0x91: {  	[sflag:s9] =	ssyncset.done @!p0 $0x0  }
0x92: {  	[sflag:s9] =	ssyncadd.s32 @!p0 $0xFFFFEC00  }
0x93: {  	_ =	swait.ge @!p0 [sflag:s9], $0x1400  }
0x94: {  	[sflag:s9] =	ssyncset.done @!p0 $0x0  }
0x95: {  	[sflag:s9] =	ssyncadd.s32 @!p0 $0xFFFFEC00  }
0x96: {  	_ =	swait.ge @!p0 [sflag:s9], $0x1400  }
0x97: {  	[sflag:s9] =	ssyncset.done @!p0 $0x0  }
0x98: {  	[sflag:s9] =	ssyncadd.s32 @!p0 $0xFFFFEC00  }
0x99: {  	_ =	swait.ge @!p0 [sflag:s9], $0x1400  }
0x9a: {  	[sflag:s9] =	ssyncset.done @!p0 $0x0  }
0x9b: {  	[sflag:s9] =	ssyncadd.s32 @!p0 $0xFFFFEC00  }
0x9c: {  	_ =	swait.ge @!p0 [sflag:s9], $0x1400  }
0x9d: {  	[sflag:s9] =	ssyncset.done @!p0 $0x0  }
0x9e: {  	[sflag:s9] =	ssyncadd.s32 @!p0 $0xFFFFEC00  }
0x9f: {  	_ =	swait.ge [sflag:s25], $0x2710  }
0xa0: {  	[sflag:s25] =	ssyncset.done $0x0  }
0xa1: {  	[sflag:s25] =	ssyncadd.s32 $0xFFFFD8F0  }
0xa2: {  	_ =	swait.ge [sflag:s29], $0x2710  }
0xa3: {  	[sflag:s29] =	ssyncset.done $0x0  }
0xa4: {  	[sflag:s29] =	ssyncadd.s32 $0xFFFFD8F0  }
0xa5: {  	[bflag:$0x0] =	sbarrier.arrive $0xFFFF  }
0xa6: {  	s11 =	simm.s32 $0x7700;
	s20 =	simm.s32 $0x0;
	s10 =	rddreg [dreg:$0x13]  }
0xa7: {  	[tilespmem:s11], [sflag:$0x3] =	stream.linear.gather [hbm4b:s10+s20], $0x1400, $0x38;
	[tilespmem:$0x1FF80] =	vst v63  }
0xa8: {  	s22 =	simm.s32 $0x4F00  }
0xa9: {  	[tilespmem:s22], [sflag:$0x1] =	stream.indirect.gather [hbm4b:s0+s30], $0x80, s20, s30, $0xb8;
	[tilespmem:$0x1FF80] =	vst v63  }
0xaa: {  	s23 =	rddreg [dreg:$0x14]  }
0xab: {  	[tilespmem:s31], [sflag:$0x4] =	stream.linear.gather [hbm4b:s23+s20], $0x1400, $0x38;
	[tilespmem:$0x1FF80] =	vst v63  }
0xac: {  	_ = 	snop  }
0xad: {  	[tilespmem:s1], [sflag:$0x2] =	stream.indirect.gather [hbm4b:s0+s30], $0x80, s30, s30, $0xb8;
	[tilespmem:$0x1FF80] =	vst v63  }
.LBB2_4:
0xae: {  	_ =	swait.ge [sflag:s2], $0x1400  }
0xaf: {  	[sflag:s2] =	ssyncset.done $0x0  }
0xb0: {  	[sflag:s2] =	ssyncadd.s32 $0xFFFFEC00  }
0xb1: {  	_ =	swait.ge [sflag:s25], $0x1400  }
0xb2: {  	p1 =	seq.s32 s20, $0x0;
	[sflag:s25] =	ssyncset.done $0x0  }
0xb3: {  	s9 =	simm.s32 @!p1 $0x5;
	[sflag:s25] =	ssyncadd.s32 $0xFFFFEC00  }
0xb4: {  	_ =	swait.ge @!p1 [sflag:s9], $0x1400  }
0xb5: {  	[sflag:s9] =	ssyncset.done @!p1 $0x0  }
0xb6: {  	s23 =	simm.s32 $0x0;
	[sflag:s9] =	ssyncadd.s32 @!p1 $0xFFFFEC00  }
0xb7: {  	v1 =	vld [tilespmem:s23+$0x4F70]  }
0xb8: {  	v2 =	vld [tilespmem:s23+$0x7770]  }
0xb9: {  	v3 =	vld [tilespmem:s23+$0x4F00]  }
0xba: {  	v4 =	vld [tilespmem:s23+$0x7700]  }
0xbb: {  	v5 =	vld [tilespmem:s23+$0x4F10]  }
0xbc: {  	v6 =	vld [tilespmem:s23+$0x7710]  }
0xbd: {  	v7 =	vld [tilespmem:s23+$0x4F20]  }
0xbe: {  	v1 =	vadd.f32 v2, v1;
	v2 =	vld [tilespmem:s23+$0x7720]  }
0xbf: {  	v8 =	vld [tilespmem:s23+$0x4F30]  }
0xc0: {  	v9 =	vld [tilespmem:s23+$0x7730];
	v3 =	vadd.f32 v4, v3  }
0xc1: {  	v10 =	vld [tilespmem:s23+$0x4F40];
	v1 =	vmax.f32 v1, $0.0e+00  }
0xc2: {  	[tilespmem:s23+$0x9F70] =	vst v1;
	v1 =	vmax.f32 v3, $0.0e+00;
	v3 =	vadd.f32 v6, v5;
	v6 =	vld [tilespmem:s23+$0x7740]  }
0xc3: {  	v4 =	vld [tilespmem:s23+$0x7750];
	v2 =	vadd.f32 v2, v7  }
0xc4: {  	[tilespmem:s23+$0x9F00] =	vst v1;
	v1 =	vld [tilespmem:s23+$0x4F50];
	v3 =	vmax.f32 v3, $0.0e+00  }
0xc5: {  	v5 =	vld [tilespmem:s23+$0x7760];
	v7 =	vadd.f32 v9, v8;
	[tilespmem:s23+$0x9F10] =	vst v3;
	v3 =	vmax.f32 v2, $0.0e+00  }
0xc6: {  	s22 =	simm.s32 $0x80;
	v2 =	vld [tilespmem:s23+$0x4F60];
	[tilespmem:s23+$0x9F20] =	vst v3  }
0xc7: {  	s9 =	simm.s32 $0x400;
	v7 =	vmax.f32 v7, $0.0e+00;
	v6 =	vadd.f32 v6, v10;
	v3 =	vld [tilespmem:s22+$0x4F70]  }
.LBB2_5:
0xc8: {  	p2 =	sne.s32 s9, $0x4E00;
	v8 =	vld [tilespmem:s22+$0x7770];
	[tilespmem:s23+$0x9F30] =	vst v7  }
0xc9: {  	v7 =	vld [tilespmem:s22+$0x4F00];
	v6 =	vmax.f32 v6, $0.0e+00;
	v1 =	vadd.f32 v4, v1  }
0xca: {  	v4 =	vld [tilespmem:s22+$0x7700];
	[tilespmem:s23+$0x9F40] =	vst v6  }
0xcb: {  	v6 =	vld [tilespmem:s22+$0x4F10];
	v1 =	vmax.f32 v1, $0.0e+00;
	v2 =	vadd.f32 v5, v2  }
0xcc: {  	v5 =	vld [tilespmem:s22+$0x7710];
	[tilespmem:s23+$0x9F50] =	vst v1  }
0xcd: {  	v1 =	vld [tilespmem:s22+$0x4F20];
	v3 =	vadd.f32 v8, v3;
	v2 =	vmax.f32 v2, $0.0e+00  }
0xce: {  	v8 =	vld [tilespmem:s22+$0x7720];
	[tilespmem:s23+$0x9F60] =	vst v2;
	s23 =	smov.u32 s22  }
0xcf: {  	v2 =	vadd.f32 v4, v7;
	v7 =	vld [tilespmem:s23+$0x4F30];
	v3 =	vmax.f32 v3, $0.0e+00  }
0xd0: {  	v9 =	vld [tilespmem:s23+$0x7730];
	[tilespmem:s23+$0x9F70] =	vst v3  }
0xd1: {  	v2 =	vmax.f32 v2, $0.0e+00;
	v3 =	vadd.f32 v5, v6;
	v6 =	vld [tilespmem:s23+$0x4F40]  }
0xd2: {  	[tilespmem:s23+$0x9F00] =	vst v2;
	v10 =	vld [tilespmem:s23+$0x7740]  }
.Ltmp3:
0xd3: {  	v2 =	vmax.f32 v3, $0.0e+00;
	v3 =	vadd.f32 v8, v1;
	v1 =	vld [tilespmem:s23+$0x4F50];
	(pc) =	sbr.rel @p2 .LBB2_5-.Ltmp3, $4  }
0xd4: {  	[tilespmem:s23+$0x9F10] =	vst v2;
	v4 =	vld [tilespmem:s23+$0x7750]  }
0xd5: {  	v3 =	vmax.f32 v3, $0.0e+00;
	v7 =	vadd.f32 v9, v7;
	v2 =	vld [tilespmem:s23+$0x4F60]  }
0xd6: {  	s22 =	sshra.s32 s9, $0x2;
	[tilespmem:s23+$0x9F20] =	vst v3;
	v5 =	vld [tilespmem:s23+$0x7760]  }
0xd7: {  	s9 =	sadd.s32 $0x200, s9;
	v3 =	vld [tilespmem:s22+$0x4F70];
	v7 =	vmax.f32 v7, $0.0e+00;
	v6 =	vadd.f32 v10, v6  }
0xd8: {  	v8 =	vld [tilespmem:s22+$0x7770];
	[tilespmem:s23+$0x9F30] =	vst v7  }
0xd9: {  	v7 =	vld [tilespmem:s22+$0x4F00];
	v6 =	vmax.f32 v6, $0.0e+00;
	v1 =	vadd.f32 v4, v1  }
0xda: {  	v9 =	vld [tilespmem:s22+$0x7700];
	[tilespmem:s23+$0x9F40] =	vst v6  }
0xdb: {  	v4 =	vld [tilespmem:s22+$0x4F10];
	v1 =	vmax.f32 v1, $0.0e+00;
	v2 =	vadd.f32 v5, v2  }
0xdc: {  	v6 =	vld [tilespmem:s22+$0x7710];
	[tilespmem:s23+$0x9F50] =	vst v1  }
0xdd: {  	v1 =	vld [tilespmem:s22+$0x4F20];
	v2 =	vmax.f32 v2, $0.0e+00  }
0xde: {  	v5 =	vld [tilespmem:s22+$0x7720];
	v3 =	vadd.f32 v8, v3;
	[tilespmem:s23+$0x9F60] =	vst v2  }
0xdf: {  	v7 =	vadd.f32 v9, v7;
	v2 =	vld [tilespmem:s22+$0x4F30]  }
0xe0: {  	v3 =	vmax.f32 v3, $0.0e+00;
	v8 =	vld [tilespmem:s22+$0x7730]  }
0xe1: {  	[tilespmem:s22+$0x9F70] =	vst v3;
	v3 =	vmax.f32 v7, $0.0e+00;
	v7 =	vld [tilespmem:s22+$0x4F40]  }
0xe2: {  	v4 =	vadd.f32 v6, v4;
	v6 =	vld [tilespmem:s22+$0x4F50]  }
0xe3: {  	[tilespmem:s22+$0x9F00] =	vst v3;
	v3 =	vld [tilespmem:s22+$0x7740];
	v1 =	vadd.f32 v5, v1  }
0xe4: {  	v4 =	vmax.f32 v4, $0.0e+00;
	v5 =	vld [tilespmem:s22+$0x4F60]  }
0xe5: {  	[tilespmem:s22+$0x9F10] =	vst v4;
	v4 =	vld [tilespmem:s22+$0x7750];
	v1 =	vmax.f32 v1, $0.0e+00  }
0xe6: {  	[tilespmem:s22+$0x9F20] =	vst v1;
	v1 =	vld [tilespmem:s22+$0x7760];
	_ =	sdelay $0x1  }
0xe7: {  	v2 =	vadd.f32 v8, v2  }
0xe8: {  	v3 =	vadd.f32 v3, v7  }
0xe9: {  	v2 =	vmax.f32 v2, $0.0e+00;
	v4 =	vadd.f32 v4, v6  }
0xea: {  	s9 =	smul.u32 $0x140, s20;
	[tilespmem:s22+$0x9F30] =	vst v2;
	v2 =	vmax.f32 v3, $0.0e+00;
	v1 =	vadd.f32 v1, v5  }
0xeb: {  	[tilespmem:s22+$0x9F40] =	vst v2;
	v2 =	vmax.f32 v4, $0.0e+00  }
0xec: {  	p2 =	seq.s32 s20, $0x7C;
	s23 =	sshra.s32 s9, $0x2;
	[tilespmem:s22+$0x9F50] =	vst v2;
	v1 =	vmax.f32 v1, $0.0e+00  }
0xed: {  	s10 =	smul.u32 @!p2 $0x50, s20;
	s9 =	sadd.s32 $0x2780, s23;
	[tilespmem:s22+$0x9F60] =	vst v1  }
0xee: {  	[spmem:s3] =	stream.indirect.scatter.add.f32 [tilespmem:s8], [sflag:$0x5], $0x80, s9, s30, $0xb8;
	[tilespmem:$0x1FF80] =	vst v63  }
0xef: {  	s9 =	sadd.s32 @!p2 $0x50, s10  }
0xf0: {  	s10 =	sadd.s32 @!p2 s5, s9  }
0xf1: {  	s10 =	sshll.u32 @!p2 s10, $0x4  }
0xf2: {  	s11 =	simm.s32 @!p2 $0x7700;
	s22 =	simm.s32 @!p2 $0x0;
	s10 =	sadd.s32 @!p2 s6, s10  }
0xf3: {  	[tilespmem:s11], [sflag:$0x3] =	stream.linear.gather @!p2 [hbm4b:s10+s22], $0x1400, $0x38;
	[tilespmem:$0x1FF80] =	vst v63  }
0xf4: {  	s10 =	simm.s32 @!p2 $0x28;
	s11 =	simm.s32 @!p2 $0x4F00  }
0xf5: {  	[tilespmem:s11], [sflag:$0x1] =	stream.indirect.gather @!p2 [hbm4b:s0+s10], $0x80, s9, s10, $0xb8;
	[tilespmem:$0x1FF80] =	vst v63  }
0xf6: {  	_ =	swait.ge [sflag:s7], $0x1400  }
0xf7: {  	[sflag:s7] =	ssyncset.done $0x0  }
0xf8: {  	[sflag:s7] =	ssyncadd.s32 $0xFFFFEC00  }
0xf9: {  	_ =	swait.ge [sflag:s29], $0x1400  }
0xfa: {  	[sflag:s29] =	ssyncset.done $0x0  }
0xfb: {  	s9 =	simm.s32 @!p1 $0x6;
	[sflag:s29] =	ssyncadd.s32 $0xFFFFEC00  }
0xfc: {  	_ =	swait.ge @!p1 [sflag:s9], $0x1400  }
0xfd: {  	[sflag:s9] =	ssyncset.done @!p1 $0x0  }
0xfe: {  	s22 =	simm.s32 $0x0;
	[sflag:s9] =	ssyncadd.s32 @!p1 $0xFFFFEC00  }
0xff: {  	v1 =	vld [tilespmem:s22+$0x6370]  }
0x100: {  	v2 =	vld [tilespmem:s22+$0x8B70]  }
0x101: {  	v3 =	vld [tilespmem:s22+$0x6300]  }
0x102: {  	v4 =	vld [tilespmem:s22+$0x8B00]  }
0x103: {  	v5 =	vld [tilespmem:s22+$0x6310]  }
0x104: {  	v6 =	vld [tilespmem:s22+$0x8B10]  }
0x105: {  	v7 =	vld [tilespmem:s22+$0x6320]  }
0x106: {  	v1 =	vadd.f32 v2, v1;
	v2 =	vld [tilespmem:s22+$0x8B20]  }
0x107: {  	v8 =	vld [tilespmem:s22+$0x6330]  }
0x108: {  	v63 =	vld [tilespmem:s22+$0x8B30];
	v3 =	vadd.f32 v4, v3  }
0x109: {  	v10 =	vld [tilespmem:s22+$0x6340];
	v1 =	vmax.f32 v1, $0.0e+00  }
0x10a: {  	[tilespmem:s22+$0xB370] =	vst v1;
	v1 =	vmax.f32 v3, $0.0e+00;
	v3 =	vadd.f32 v6, v5;
	v6 =	vld [tilespmem:s22+$0x8B40]  }
0x10b: {  	v4 =	vld [tilespmem:s22+$0x8B50];
	v2 =	vadd.f32 v2, v7  }
0x10c: {  	[tilespmem:s22+$0xB300] =	vst v1;
	v1 =	vld [tilespmem:s22+$0x6350];
	v3 =	vmax.f32 v3, $0.0e+00  }
0x10d: {  	v5 =	vld [tilespmem:s22+$0x8B60];
	v7 =	vadd.f32 v63, v8;
	[tilespmem:s22+$0xB310] =	vst v3;
	v3 =	vmax.f32 v2, $0.0e+00  }
0x10e: {  	s9 =	simm.s32 $0x80;
	v2 =	vld [tilespmem:s22+$0x6360];
	[tilespmem:s22+$0xB320] =	vst v3  }
0x10f: {  	s10 =	simm.s32 $0x400;
	v7 =	vmax.f32 v7, $0.0e+00;
	v6 =	vadd.f32 v6, v10;
	v3 =	vld [tilespmem:s9+$0x6370]  }
.LBB2_7:
0x110: {  	p1 =	sne.s32 s10, $0x4E00;
	v8 =	vld [tilespmem:s9+$0x8B70];
	[tilespmem:s22+$0xB330] =	vst v7  }
0x111: {  	v7 =	vld [tilespmem:s9+$0x6300];
	v6 =	vmax.f32 v6, $0.0e+00;
	v1 =	vadd.f32 v4, v1  }
0x112: {  	v4 =	vld [tilespmem:s9+$0x8B00];
	[tilespmem:s22+$0xB340] =	vst v6  }
0x113: {  	v6 =	vld [tilespmem:s9+$0x6310];
	v1 =	vmax.f32 v1, $0.0e+00;
	v2 =	vadd.f32 v5, v2  }
0x114: {  	v5 =	vld [tilespmem:s9+$0x8B10];
	[tilespmem:s22+$0xB350] =	vst v1  }
0x115: {  	v1 =	vld [tilespmem:s9+$0x6320];
	v3 =	vadd.f32 v8, v3;
	v2 =	vmax.f32 v2, $0.0e+00  }
0x116: {  	v8 =	vld [tilespmem:s9+$0x8B20];
	[tilespmem:s22+$0xB360] =	vst v2;
	s22 =	smov.u32 s9  }
0x117: {  	v2 =	vadd.f32 v4, v7;
	v7 =	vld [tilespmem:s22+$0x6330];
	v3 =	vmax.f32 v3, $0.0e+00  }
0x118: {  	v9 =	vld [tilespmem:s22+$0x8B30];
	[tilespmem:s22+$0xB370] =	vst v3  }
0x119: {  	v2 =	vmax.f32 v2, $0.0e+00;
	v3 =	vadd.f32 v5, v6;
	v6 =	vld [tilespmem:s22+$0x6340]  }
0x11a: {  	[tilespmem:s22+$0xB300] =	vst v2;
	v10 =	vld [tilespmem:s22+$0x8B40]  }
.Ltmp4:
0x11b: {  	v2 =	vmax.f32 v3, $0.0e+00;
	v3 =	vadd.f32 v8, v1;
	v1 =	vld [tilespmem:s22+$0x6350];
	(pc) =	sbr.rel @p1 .LBB2_7-.Ltmp4, $4  }
0x11c: {  	[tilespmem:s22+$0xB310] =	vst v2;
	v4 =	vld [tilespmem:s22+$0x8B50]  }
0x11d: {  	v3 =	vmax.f32 v3, $0.0e+00;
	v7 =	vadd.f32 v9, v7;
	v2 =	vld [tilespmem:s22+$0x6360]  }
0x11e: {  	s9 =	sshra.s32 s10, $0x2;
	[tilespmem:s22+$0xB320] =	vst v3;
	v5 =	vld [tilespmem:s22+$0x8B60]  }
0x11f: {  	s10 =	sadd.s32 $0x200, s10;
	v3 =	vld [tilespmem:s9+$0x6370];
	v7 =	vmax.f32 v7, $0.0e+00;
	v6 =	vadd.f32 v10, v6  }
0x120: {  	v8 =	vld [tilespmem:s9+$0x8B70];
	[tilespmem:s22+$0xB330] =	vst v7  }
0x121: {  	v7 =	vld [tilespmem:s9+$0x6300];
	v6 =	vmax.f32 v6, $0.0e+00;
	v1 =	vadd.f32 v4, v1  }
0x122: {  	v9 =	vld [tilespmem:s9+$0x8B00];
	[tilespmem:s22+$0xB340] =	vst v6  }
0x123: {  	v57 =	vld [tilespmem:s9+$0x6310];
	v1 =	vmax.f32 v1, $0.0e+00;
	v2 =	vadd.f32 v5, v2  }
0x124: {  	v6 =	vld [tilespmem:s9+$0x8B10];
	[tilespmem:s22+$0xB350] =	vst v1  }
0x125: {  	v1 =	vld [tilespmem:s9+$0x6320];
	v2 =	vmax.f32 v2, $0.0e+00  }
0x126: {  	v58 =	vld [tilespmem:s9+$0x8B20];
	[tilespmem:s22+$0xB360] =	vst v2  }
0x127: {  	v2 =	vld [tilespmem:s9+$0x6330]  }
0x128: {  	v3 =	vadd.f32 v8, v3;
	v59 =	vld [tilespmem:s9+$0x8B30]  }
0x129: {  	v7 =	vadd.f32 v9, v7;
	v60 =	vld [tilespmem:s9+$0x6340]  }
0x12a: {  	v3 =	vmax.f32 v3, $0.0e+00;
	v61 =	vld [tilespmem:s9+$0x6350]  }
0x12b: {  	v62 =	vld [tilespmem:s9+$0x8B50];
	[tilespmem:s9+$0xB370] =	vst v3;
	v3 =	vmax.f32 v7, $0.0e+00;
	v1 =	vadd.f32 v58, v1  }
0x12c: {  	[tilespmem:s9+$0xB300] =	vst v3;
	v3 =	vld [tilespmem:s9+$0x8B40]  }
0x12d: {  	v63 =	vld [tilespmem:s9+$0x6360];
	v1 =	vmax.f32 v1, $0.0e+00  }
0x12e: {  	[tilespmem:s9+$0xB320] =	vst v1;
	v1 =	vld [tilespmem:s9+$0x8B60]  }
0x12f: {  	v4 =	vadd.f32 v6, v57  }
0x130: {  	v2 =	vadd.f32 v59, v2  }
0x131: {  	v4 =	vmax.f32 v4, $0.0e+00;
	v3 =	vadd.f32 v3, v60  }
0x132: {  	[tilespmem:s9+$0xB310] =	vst v4;
	v4 =	vadd.f32 v62, v61;
	v2 =	vmax.f32 v2, $0.0e+00  }
.Ltmp5:
0x133: {  	[tilespmem:s9+$0xB330] =	vst v2;
	v2 =	vmax.f32 v3, $0.0e+00;
	v1 =	vadd.f32 v1, v63;
	(pc) =	sbr.rel @p2 .LBB2_10-.Ltmp5, $4  }
0x134: {  	[tilespmem:s9+$0xB340] =	vst v2;
	v2 =	vmax.f32 v4, $0.0e+00  }
0x135: {  	[tilespmem:s9+$0xB350] =	vst v2;
	v1 =	vmax.f32 v1, $0.0e+00  }
0x136: {  	s23 =	sadd.s32 $0x27A8, s23;
	[tilespmem:s9+$0xB360] =	vst v1  }
0x137: {  	[spmem:s3] =	stream.indirect.scatter.add.f32 [tilespmem:s21], [sflag:$0x6], $0x80, s23, s30, $0xb8;
	[tilespmem:$0x1FF80] =	vst v63  }
0x138: {  	s9 =	smul.u32 $0x50, s20;
	_ =	sdelay $0x1  }
0x139: {  	s9 =	sadd.s32 $0x78, s9  }
0x13a: {  	s10 =	sadd.s32 s5, s9  }
.Ltmp6:
0x13b: {  	s10 =	sshll.u32 s10, $0x4;
	(pc) =	sbr.rel .LBB2_4-.Ltmp6, $4  }
0x13c: {  	s10 =	sadd.s32 s6, s10  }
0x13d: {  	[tilespmem:s31], [sflag:$0x4] =	stream.linear.gather [hbm4b:s10+s4], $0x1400, $0x38;
	[tilespmem:$0x1FF80] =	vst v63  }
0x13e: {  	s20 =	sadd.s32 $0x1, s20  }
0x13f: {  	[tilespmem:s1], [sflag:$0x2] =	stream.indirect.gather [hbm4b:s0+s30], $0x80, s9, s30, $0xb8;
	[tilespmem:$0x1FF80] =	vst v63  }
.LBB2_10:
0x140: {  	_ =	swait.ge [sflag:s24], $0x1400  }
0x141: {  	[sflag:s24] =	ssyncset.done $0x0  }
0x142: {  	s9 =	simm.s32 $0x6;
	[sflag:s24] =	ssyncadd.s32 $0xFFFFEC00  }
0x143: {  	_ =	swait.ge [sflag:s9], $0x1400  }
0x144: {  	[sflag:s9] =	ssyncset.done $0x0  }
0x145: {  	[sflag:s9] =	ssyncadd.s32 $0xFFFFEC00  }
0x146: {  	[bflag:$0x0] =	sbarrier.arrive $0xFFFF  }
0x147: {  	s20 =	rddreg [dreg:$0x6]  }
0x148: {  	[tilespmem:s8], [sflag:$0x7] =	stream.linear.gather [spmem:s20], $0x1400, $0x38;
	[tilespmem:$0x1FF80] =	vst v63  }
0x149: {  	_ =	swait.ge [sflag:s26], $0x1400  }
0x14a: {  	[sflag:s26] =	ssyncset.done $0x0  }
0x14b: {  	s22 =	rddreg [dreg:$0x16];
	[sflag:s26] =	ssyncadd.s32 $0xFFFFEC00  }
0x14c: {  	[hbm4b:s22+s4] =	stream.linear.scatter [tilespmem:s8], [sflag:$0x7], $0x1400, $0x38;
	[tilespmem:$0x1FF80] =	vst v63  }
0x14d: {  	_ =	swait.ge [sflag:s26], $0x1400  }
0x14e: {  	[sflag:s26] =	ssyncset.done $0x0  }
0x14f: {  	s23 =	rddreg [dreg:$0x7];
	[sflag:s26] =	ssyncadd.s32 $0xFFFFEC00  }
0x150: {  	[tilespmem:s8], [sflag:$0x7] =	stream.linear.gather [spmem:s23], $0x1400, $0x38;
	[tilespmem:$0x1FF80] =	vst v63  }
0x151: {  	_ =	swait.ge [sflag:s26], $0x1400  }
0x152: {  	[sflag:s26] =	ssyncset.done $0x0  }
0x153: {  	s10 =	rddreg [dreg:$0x17];
	[sflag:s26] =	ssyncadd.s32 $0xFFFFEC00  }
0x154: {  	[hbm4b:s10+s4] =	stream.linear.scatter [tilespmem:s8], [sflag:$0x7], $0x1400, $0x38;
	[tilespmem:$0x1FF80] =	vst v63  }
0x155: {  	_ =	swait.ge [sflag:s26], $0x1400  }
0x156: {  	[sflag:s26] =	ssyncset.done $0x0  }
0x157: {  	s11 =	rddreg [dreg:$0x8];
	[sflag:s26] =	ssyncadd.s32 $0xFFFFEC00  }
0x158: {  	[tilespmem:s8], [sflag:$0x7] =	stream.linear.gather [spmem:s11], $0x1400, $0x38;
	[tilespmem:$0x1FF80] =	vst v63  }
0x159: {  	_ =	swait.ge [sflag:s26], $0x1400  }
0x15a: {  	[sflag:s26] =	ssyncset.done $0x0  }
0x15b: {  	s20 =	rddreg [dreg:$0x18];
	[sflag:s26] =	ssyncadd.s32 $0xFFFFEC00  }
0x15c: {  	[hbm4b:s20+s4] =	stream.linear.scatter [tilespmem:s8], [sflag:$0x7], $0x1400, $0x38;
	[tilespmem:$0x1FF80] =	vst v63  }
0x15d: {  	_ =	swait.ge [sflag:s26], $0x1400  }
0x15e: {  	[sflag:s26] =	ssyncset.done $0x0  }
0x15f: {  	[sflag:s26] =	ssyncadd.s32 $0xFFFFEC00  }
0x160: {  	[tilespmem:s8], [sflag:$0x7] =	stream.linear.gather [spmem:s12], $0x1400, $0x38;
	[tilespmem:$0x1FF80] =	vst v63  }
0x161: {  	_ =	swait.ge [sflag:s26], $0x1400  }
0x162: {  	[sflag:s26] =	ssyncset.done $0x0  }
0x163: {  	s22 =	rddreg [dreg:$0x19];
	[sflag:s26] =	ssyncadd.s32 $0xFFFFEC00  }
0x164: {  	[hbm4b:s22+s4] =	stream.linear.scatter [tilespmem:s8], [sflag:$0x7], $0x1400, $0x38;
	[tilespmem:$0x1FF80] =	vst v63  }
0x165: {  	_ =	swait.ge [sflag:s26], $0x1400  }
0x166: {  	[sflag:s26] =	ssyncset.done $0x0  }
0x167: {  	[sflag:s26] =	ssyncadd.s32 $0xFFFFEC00  }
0x168: {  	[tilespmem:s8], [sflag:$0x7] =	stream.linear.gather [spmem:s13], $0x1400, $0x38;
	[tilespmem:$0x1FF80] =	vst v63  }
0x169: {  	_ =	swait.ge [sflag:s26], $0x1400  }
0x16a: {  	[sflag:s26] =	ssyncset.done $0x0  }
0x16b: {  	s23 =	rddreg [dreg:$0x1a];
	[sflag:s26] =	ssyncadd.s32 $0xFFFFEC00  }
0x16c: {  	[hbm4b:s23+s4] =	stream.linear.scatter [tilespmem:s8], [sflag:$0x7], $0x1400, $0x38;
	[tilespmem:$0x1FF80] =	vst v63  }
0x16d: {  	_ =	swait.ge [sflag:s26], $0x1400  }
0x16e: {  	[sflag:s26] =	ssyncset.done $0x0  }
0x16f: {  	[sflag:s26] =	ssyncadd.s32 $0xFFFFEC00  }
0x170: {  	[tilespmem:s8], [sflag:$0x7] =	stream.linear.gather [spmem:s15], $0x1400, $0x38;
	[tilespmem:$0x1FF80] =	vst v63  }
0x171: {  	_ =	swait.ge [sflag:s26], $0x1400  }
0x172: {  	[sflag:s26] =	ssyncset.done $0x0  }
0x173: {  	s10 =	rddreg [dreg:$0x1b];
	[sflag:s26] =	ssyncadd.s32 $0xFFFFEC00  }
0x174: {  	[hbm4b:s10+s4] =	stream.linear.scatter [tilespmem:s8], [sflag:$0x7], $0x1400, $0x38;
	[tilespmem:$0x1FF80] =	vst v63  }
0x175: {  	_ =	swait.ge [sflag:s26], $0x1400  }
0x176: {  	[sflag:s26] =	ssyncset.done $0x0  }
0x177: {  	[sflag:s26] =	ssyncadd.s32 $0xFFFFEC00  }
0x178: {  	[tilespmem:s8], [sflag:$0x7] =	stream.linear.gather [spmem:s16], $0x1400, $0x38;
	[tilespmem:$0x1FF80] =	vst v63  }
0x179: {  	_ =	swait.ge [sflag:s26], $0x1400  }
0x17a: {  	[sflag:s26] =	ssyncset.done $0x0  }
0x17b: {  	s11 =	rddreg [dreg:$0x1c];
	[sflag:s26] =	ssyncadd.s32 $0xFFFFEC00  }
0x17c: {  	[hbm4b:s11+s4] =	stream.linear.scatter [tilespmem:s8], [sflag:$0x7], $0x1400, $0x38;
	[tilespmem:$0x1FF80] =	vst v63  }
0x17d: {  	_ =	swait.ge [sflag:s26], $0x1400  }
0x17e: {  	[sflag:s26] =	ssyncset.done $0x0  }
0x17f: {  	[sflag:s26] =	ssyncadd.s32 $0xFFFFEC00  }
0x180: {  	[tilespmem:s8], [sflag:$0x7] =	stream.linear.gather [spmem:s17], $0x1400, $0x38;
	[tilespmem:$0x1FF80] =	vst v63  }
0x181: {  	_ =	swait.ge [sflag:s26], $0x1400  }
0x182: {  	[sflag:s26] =	ssyncset.done $0x0  }
0x183: {  	s20 =	rddreg [dreg:$0x1d];
	[sflag:s26] =	ssyncadd.s32 $0xFFFFEC00  }
0x184: {  	[hbm4b:s20+s4] =	stream.linear.scatter [tilespmem:s8], [sflag:$0x7], $0x1400, $0x38;
	[tilespmem:$0x1FF80] =	vst v63  }
0x185: {  	_ =	swait.ge [sflag:s26], $0x1400  }
0x186: {  	[sflag:s26] =	ssyncset.done $0x0  }
0x187: {  	[sflag:s26] =	ssyncadd.s32 $0xFFFFEC00  }
0x188: {  	[tilespmem:s8], [sflag:$0x7] =	stream.linear.gather [spmem:s18], $0x1400, $0x38;
	[tilespmem:$0x1FF80] =	vst v63  }
0x189: {  	_ =	swait.ge [sflag:s26], $0x1400  }
0x18a: {  	[sflag:s26] =	ssyncset.done $0x0  }
0x18b: {  	s22 =	rddreg [dreg:$0x1e];
	[sflag:s26] =	ssyncadd.s32 $0xFFFFEC00  }
0x18c: {  	[hbm4b:s22+s4] =	stream.linear.scatter [tilespmem:s8], [sflag:$0x7], $0x1400, $0x38;
	[tilespmem:$0x1FF80] =	vst v63  }
0x18d: {  	_ =	swait.ge [sflag:s26], $0x1400  }
0x18e: {  	[sflag:s26] =	ssyncset.done $0x0  }
0x18f: {  	[sflag:s26] =	ssyncadd.s32 $0xFFFFEC00  }
0x190: {  	[tilespmem:s8], [sflag:$0x7] =	stream.linear.gather [spmem:s19], $0x1400, $0x38;
	[tilespmem:$0x1FF80] =	vst v63  }
0x191: {  	_ =	swait.ge [sflag:s26], $0x1400  }
0x192: {  	[sflag:s26] =	ssyncset.done $0x0  }
.Ltmp7:
0x193: {  	s23 =	rddreg [dreg:$0x1f];
	[sflag:s26] =	ssyncadd.s32 $0xFFFFEC00;
	(pc) =	sbr.rel @p0 .LBB2_12-.Ltmp7, $4  }
0x194: {  	[hbm4b:s23+s4] =	stream.linear.scatter [tilespmem:s8], [sflag:$0x7], $0x1400, $0x38;
	[tilespmem:$0x1FF80] =	vst v63  }
0x195: {  	_ =	swait.ge [sflag:s26], $0x1400  }
0x196: {  	[sflag:s26] =	ssyncset.done $0x0  }
0x197: {  	[sflag:s26] =	ssyncadd.s32 $0xFFFFEC00  }
0x198: {  	s9 =	rddreg [dreg:$0x9]  }
0x199: {  	[tilespmem:s8], [sflag:$0x7] =	stream.linear.gather [spmem:s9], $0x1400, $0x38;
	[tilespmem:$0x1FF80] =	vst v63  }
0x19a: {  	_ =	swait.ge [sflag:s26], $0x1400  }
0x19b: {  	s23 =	sld [smem:$0x7FC]  }
0x19c: {  	[sflag:s26] =	ssyncset.done $0x0  }
0x19d: {  	[sflag:s26] =	ssyncadd.s32 $0xFFFFEC00  }
0x19e: {  	[hbm4b:s23+s4] =	stream.linear.scatter [tilespmem:s8], [sflag:$0x7], $0x1400, $0x38;
	[tilespmem:$0x1FF80] =	vst v63  }
0x19f: {  	_ =	swait.ge [sflag:s26], $0x1400  }
0x1a0: {  	[sflag:s26] =	ssyncset.done $0x0  }
0x1a1: {  	s10 =	rddreg [dreg:$0xc];
	[sflag:s26] =	ssyncadd.s32 $0xFFFFEC00  }
0x1a2: {  	[tilespmem:s8], [sflag:$0x7] =	stream.linear.gather [spmem:s10], $0x1400, $0x38;
	[tilespmem:$0x1FF80] =	vst v63  }
0x1a3: {  	_ =	swait.ge [sflag:s26], $0x1400  }
0x1a4: {  	s11 =	sld [smem:$0x7FD]  }
0x1a5: {  	[sflag:s26] =	ssyncset.done $0x0  }
0x1a6: {  	[sflag:s26] =	ssyncadd.s32 $0xFFFFEC00  }
0x1a7: {  	[hbm4b:s11+s4] =	stream.linear.scatter [tilespmem:s8], [sflag:$0x7], $0x1400, $0x38;
	[tilespmem:$0x1FF80] =	vst v63  }
0x1a8: {  	_ =	swait.ge [sflag:s26], $0x1400  }
0x1a9: {  	s10 =	rddreg [dreg:$0xa]  }
0x1aa: {  	[sflag:s26] =	ssyncset.done $0x0;
	s20 =	sshll.u32 s10, $0x7  }
0x1ab: {  	[sflag:s26] =	ssyncadd.s32 $0xFFFFEC00;
	s9 =	sadd.s32 s20, s3  }
0x1ac: {  	[tilespmem:s8], [sflag:$0x7] =	stream.linear.gather [spmem:s9], $0x1400, $0x38;
	[tilespmem:$0x1FF80] =	vst v63  }
0x1ad: {  	_ =	swait.ge [sflag:s26], $0x1400  }
0x1ae: {  	s22 =	sshll.u32 s10, $0x4;
	[sflag:s26] =	ssyncset.done $0x0  }
0x1af: {  	s9 =	sadd.s32 s14, s22;
	[sflag:s26] =	ssyncadd.s32 $0xFFFFEC00  }
0x1b0: {  	[hbm4b:s9+s4] =	stream.linear.scatter [tilespmem:s8], [sflag:$0x7], $0x1400, $0x38;
	[tilespmem:$0x1FF80] =	vst v63  }
0x1b1: {  	_ =	swait.ge [sflag:s26], $0x1400  }
0x1b2: {  	s23 =	rddreg [dreg:$0xb]  }
0x1b3: {  	[sflag:s26] =	ssyncset.done $0x0;
	s11 =	sshll.u32 s23, $0x7  }
0x1b4: {  	[sflag:s26] =	ssyncadd.s32 $0xFFFFEC00;
	s9 =	sadd.s32 s11, s3  }
0x1b5: {  	[tilespmem:s8], [sflag:$0x7] =	stream.linear.gather [spmem:s9], $0x1400, $0x38;
	[tilespmem:$0x1FF80] =	vst v63  }
0x1b6: {  	_ =	swait.ge [sflag:s26], $0x1400  }
0x1b7: {  	s20 =	sshll.u32 s23, $0x4;
	[sflag:s26] =	ssyncset.done $0x0  }
0x1b8: {  	s9 =	sadd.s32 s14, s20;
	[sflag:s26] =	ssyncadd.s32 $0xFFFFEC00  }
0x1b9: {  	[hbm4b:s9+s4] =	stream.linear.scatter [tilespmem:s8], [sflag:$0x7], $0x1400, $0x38;
	[tilespmem:$0x1FF80] =	vst v63  }
0x1ba: {  	_ =	swait.ge [sflag:s26], $0x1400  }
0x1bb: {  	s22 =	rddreg [dreg:$0xf]  }
0x1bc: {  	[sflag:s26] =	ssyncset.done $0x0;
	s23 =	sshll.u32 s22, $0x7  }
0x1bd: {  	[sflag:s26] =	ssyncadd.s32 $0xFFFFEC00;
	s9 =	sadd.s32 s23, s3  }
0x1be: {  	[tilespmem:s8], [sflag:$0x7] =	stream.linear.gather [spmem:s9], $0x1400, $0x38;
	[tilespmem:$0x1FF80] =	vst v63  }
0x1bf: {  	_ =	swait.ge [sflag:s26], $0x1400  }
0x1c0: {  	s11 =	sshll.u32 s22, $0x4;
	[sflag:s26] =	ssyncset.done $0x0  }
0x1c1: {  	s9 =	sadd.s32 s14, s11;
	[sflag:s26] =	ssyncadd.s32 $0xFFFFEC00  }
0x1c2: {  	[hbm4b:s9+s4] =	stream.linear.scatter [tilespmem:s8], [sflag:$0x7], $0x1400, $0x38;
	[tilespmem:$0x1FF80] =	vst v63  }
0x1c3: {  	_ =	swait.ge [sflag:s26], $0x1400  }
0x1c4: {  	s20 =	rddreg [dreg:$0x10]  }
0x1c5: {  	[sflag:s26] =	ssyncset.done $0x0;
	s22 =	sshll.u32 s20, $0x7  }
0x1c6: {  	[sflag:s26] =	ssyncadd.s32 $0xFFFFEC00;
	s9 =	sadd.s32 s22, s3  }
0x1c7: {  	[tilespmem:s8], [sflag:$0x7] =	stream.linear.gather [spmem:s9], $0x1400, $0x38;
	[tilespmem:$0x1FF80] =	vst v63  }
0x1c8: {  	_ =	swait.ge [sflag:s26], $0x1400  }
0x1c9: {  	s23 =	sshll.u32 s20, $0x4;
	[sflag:s26] =	ssyncset.done $0x0  }
.Ltmp8:
0x1ca: {  	s9 =	sadd.s32 s14, s23;
	[sflag:s26] =	ssyncadd.s32 $0xFFFFEC00;
	(pc) =	sbr.rel .LBB2_12-.Ltmp8, $4  }
0x1cb: {  	[hbm4b:s9+s4] =	stream.linear.scatter [tilespmem:s8], [sflag:$0x7], $0x1400, $0x38;
	[tilespmem:$0x1FF80] =	vst v63  }
0x1cc: {  	_ =	swait.ge [sflag:s26], $0x1400  }
0x1cd: {  	[sflag:s26] =	ssyncset.done $0x0  }
0x1ce: {  	[sflag:s26] =	ssyncadd.s32 $0xFFFFEC00  }
.LBB2_13:
0x1cf: {  	_ =	sfence.sel $0x180000  }
0x1d0: {  	[bflag:$0x0] =	sbarrier.arrive $0xFFFF  }
0x1d1: {  	_ =	strace $0x90000047  }
0x1d2: {  	s0 =	stileid.u32;
	[bflag:$0x2] =	sbarrier.arrive $0xFFFF  }
0x1d3: {  	p0 =	sne.s32 s0, $0x0;
	s0 =	rddreg [dreg:$0x3]  }
0x1d4: {  	s0 =	sadd.s32 @!p0 $0x100000, s0  }
0x1d5: {  	[sflag:s0] =	ssyncadd.tile.s32 @!p0 $0x1;
	_ =	shalt  }
.Lfunc_end2:
_tile_overlayer_lowered:
.L_overlay_start_2:
0x1d6: {  	(tag) =	ssettag $0x2  }
0x1d7: {  	s0 =	rddreg [dreg:$0x0];
	s2 =	stileid.u32  }
0x1d8: {  	s1 =	rddreg [dreg:$0x1];
	p0 =	sne.s32 s2, $0x0  }
0x1d9: {  	s3 =	rddreg [dreg:$0x2];
	[bflag:$0x3] =	sbarrier.arrive $0xFFFF;
	s2 =	simm.s32 @!p0 $0x1C07  }
0x1da: {  	[timem:s3], [sflag:s2] =	dma.local @!p0 [hbm:s0], s1  }
0x1db: {  	s0 =	simm.s32 @!p0 $0x7  }
0x1dc: {  	_ =	swait.ge @!p0 [sflag:s0], s1  }
0x1dd: {  	s1 =	ssub.s32 @!p0 $0x0, s1;
	[sflag:s0] =	ssyncset.done @!p0 $0x0  }
0x1de: {  	[sflag:s0] =	ssyncadd.s32 @!p0 s1  }
0x1df: {  	[bflag:$0x3] =	sbarrier.arrive $0xFFFF  }
0x1e0: {  	_ =	shalt  }

</sc_bundles>
